<compile_context>
chip_gen: v7x
topology: tpu7x:2x2x1
jax: 0.10.2.dev20260603
libtpu: 0.0.44.dev20260713+nightly
codegen_flags: <defaults>
</compile_context>

<pallas_src>
import jax
import jax.numpy as jnp
from jax import lax
from jax.experimental import pallas as pl
from jax.experimental.pallas import tpu as pltpu
from jax.experimental.pallas import tpu_sc as plsc

O, T, D, H = 10000, 160000, 128, 128
DOUT = 128
OP = 10240

NC, NS = 2, 16
NW = NC * NS
CHUNK = 128
NCHUNKS = T // CHUNK
CPW = -(-NCHUNKS // NW)


def _gather_body(obj_hbm, sidx_hbm, oidx_hbm, sout_hbm, oout_hbm,
                 sidx0, oidx0, sidx1, oidx1,
                 srows0, orows0, srows1, orows1,
                 s0m, o0m, s1m, o1m):
    c = lax.axis_index("c")
    s = lax.axis_index("s")
    w = c * NS + s
    NPW = NCHUNKS // NW - 1
    start = w * (NCHUNKS // NW)

    def pair(base0):
        base1 = base0 + CHUNK
        pltpu.sync_copy(sidx_hbm.at[pl.ds(base0, CHUNK)], sidx0)
        pltpu.sync_copy(oidx_hbm.at[pl.ds(base0, CHUNK)], oidx0)
        g0s = pltpu.async_copy(obj_hbm.at[sidx0], srows0, s0m)
        g0o = pltpu.async_copy(obj_hbm.at[oidx0], orows0, o0m)
        pltpu.sync_copy(sidx_hbm.at[pl.ds(base1, CHUNK)], sidx1)
        pltpu.sync_copy(oidx_hbm.at[pl.ds(base1, CHUNK)], oidx1)
        g1s = pltpu.async_copy(obj_hbm.at[sidx1], srows1, s1m)
        g1o = pltpu.async_copy(obj_hbm.at[oidx1], orows1, o1m)
        g0s.wait()
        g0o.wait()
        pltpu.sync_copy(srows0, sout_hbm.at[pl.ds(base0, CHUNK)])
        pltpu.sync_copy(orows0, oout_hbm.at[pl.ds(base0, CHUNK)])
        g1s.wait()
        g1o.wait()
        pltpu.sync_copy(srows1, sout_hbm.at[pl.ds(base1, CHUNK)])
        pltpu.sync_copy(orows1, oout_hbm.at[pl.ds(base1, CHUNK)])

    def single(base0):
        pltpu.sync_copy(sidx_hbm.at[pl.ds(base0, CHUNK)], sidx0)
        pltpu.sync_copy(oidx_hbm.at[pl.ds(base0, CHUNK)], oidx0)
        g0s = pltpu.async_copy(obj_hbm.at[sidx0], srows0, s0m)
        g0o = pltpu.async_copy(obj_hbm.at[oidx0], orows0, o0m)
        g0s.wait()
        g0o.wait()
        pltpu.sync_copy(srows0, sout_hbm.at[pl.ds(base0, CHUNK)])
        pltpu.sync_copy(orows0, oout_hbm.at[pl.ds(base0, CHUNK)])

    def body(jj, _):
        pair((start + 2 * jj) * CHUNK)
        return 0

    lax.fori_loop(0, NPW // 2, body, 0)
    single((start + NPW) * CHUNK)

    @pl.when(w < NCHUNKS - NW * (NCHUNKS // NW))
    def _():
        single((NW * (NCHUNKS // NW) + w) * CHUNK)


_sc_gather = pl.kernel(
    _gather_body,
    out_type=(jax.ShapeDtypeStruct((T, D), jnp.float32),
              jax.ShapeDtypeStruct((T, D), jnp.float32)),
    mesh=plsc.VectorSubcoreMesh(core_axis_name="c", subcore_axis_name="s"),
    scratch_types=[
        pltpu.VMEM((CHUNK,), jnp.int32),
        pltpu.VMEM((CHUNK,), jnp.int32),
        pltpu.VMEM((CHUNK,), jnp.int32),
        pltpu.VMEM((CHUNK,), jnp.int32),
        pltpu.VMEM((CHUNK, D), jnp.float32),
        pltpu.VMEM((CHUNK, D), jnp.float32),
        pltpu.VMEM((CHUNK, D), jnp.float32),
        pltpu.VMEM((CHUNK, D), jnp.float32),
        pltpu.SemaphoreType.DMA,
        pltpu.SemaphoreType.DMA,
        pltpu.SemaphoreType.DMA,
        pltpu.SemaphoreType.DMA,
    ],
)


def _mlp1_body(s_ref, p_ref, o_ref, w1a_ref, b1a_ref, w1b_ref, b1b_ref,
               ns_ref, np_ref, no_ref):
    bf = jnp.bfloat16
    w1a = w1a_ref[...].astype(bf)
    h = jnp.dot(s_ref[...].astype(bf), w1a[:D, :],
                preferred_element_type=jnp.float32)
    h += jnp.dot(p_ref[...].astype(bf), w1a[D:2 * D, :],
                 preferred_element_type=jnp.float32)
    h += jnp.dot(o_ref[...].astype(bf), w1a[2 * D:, :],
                 preferred_element_type=jnp.float32)
    h = jnp.maximum(h + b1a_ref[...], 0.0)
    t = jnp.dot(h.astype(bf), w1b_ref[...].astype(bf),
                preferred_element_type=jnp.float32)
    t = jnp.maximum(t + b1b_ref[...], 0.0)
    ns_ref[...] = t[:, :H]
    np_ref[...] = t[:, H:H + DOUT]
    no_ref[...] = t[:, H + DOUT:]


def _tc_mlp1(sgath, pred, ogath, W1a, b1a, W1b, b1b):
    TM = 4000
    grid = (T // TM,)
    row = lambda i: (i, 0)
    full = lambda i: (0, 0)
    return pl.pallas_call(
        _mlp1_body,
        grid=grid,
        in_specs=[
            pl.BlockSpec((TM, D), row),
            pl.BlockSpec((TM, D), row),
            pl.BlockSpec((TM, D), row),
            pl.BlockSpec((3 * D, H), full),
            pl.BlockSpec((1, H), full),
            pl.BlockSpec((H, 2 * H + DOUT), full),
            pl.BlockSpec((1, 2 * H + DOUT), full),
        ],
        out_specs=[
            pl.BlockSpec((TM, H), row),
            pl.BlockSpec((TM, DOUT), row),
            pl.BlockSpec((TM, H), row),
        ],
        out_shape=[
            jax.ShapeDtypeStruct((T, H), jnp.float32),
            jax.ShapeDtypeStruct((T, DOUT), jnp.float32),
            jax.ShapeDtypeStruct((T, H), jnp.float32),
        ],
    )(sgath, pred, ogath, W1a, b1a.reshape(1, H), W1b,
      b1b.reshape(1, 2 * H + DOUT))


def _scatter_body(news_hbm, newo_hbm, sidx_hbm, oidx_hbm, zeros_hbm,
                  ones_hbm, rid_hbm, pooled_hbm, counts_hbm,
                  acc_sh, sidx0, oidx0, sidx1, oidx1, rows0, rows1,
                  sem1, sem2):
    c = lax.axis_index("c")
    s = lax.axis_index("s")
    w = c * NS + s
    rpw = OP // NS
    CPW0 = NCHUNKS // NW
    start = w * CPW0

    pltpu.sync_copy(zeros_hbm, rows0)
    for k in range(rpw // CHUNK):
        pltpu.sync_copy(rid_hbm.at[pl.ds(s * rpw + k * CHUNK, CHUNK)], sidx0)
        pltpu.sync_copy(rows0, acc_sh.at[sidx0])
    plsc.subcore_barrier()

    def add_chunk(base):
        pltpu.sync_copy(sidx_hbm.at[pl.ds(base, CHUNK)], sidx0)
        pltpu.sync_copy(oidx_hbm.at[pl.ds(base, CHUNK)], oidx0)
        ls = pltpu.async_copy(news_hbm.at[pl.ds(base, CHUNK)], rows0, sem1)
        lo = pltpu.async_copy(newo_hbm.at[pl.ds(base, CHUNK)], rows1, sem2)
        ls.wait()
        pltpu.sync_copy(rows0, acc_sh.at[sidx0], add=True)
        lo.wait()
        pltpu.sync_copy(rows1, acc_sh.at[oidx0], add=True)

    def body(j, _):
        add_chunk((start + j) * CHUNK)
        return 0

    lax.fori_loop(0, CPW0, body, 0)

    @pl.when(w < NCHUNKS - NW * CPW0)
    def _():
        add_chunk((NW * CPW0 + w) * CHUNK)

    plsc.subcore_barrier()

    for k in range(rpw // CHUNK):
        off = s * rpw + k * CHUNK
        pltpu.sync_copy(rid_hbm.at[pl.ds(off, CHUNK)], sidx0)
        pltpu.async_copy(acc_sh.at[sidx0], rows0, sem1).wait()
        pltpu.sync_copy(rows0, pooled_hbm.at[c, pl.ds(off, CHUNK)])
    pltpu.sync_copy(zeros_hbm, rows0)
    for k in range(rpw // CHUNK):
        pltpu.sync_copy(rid_hbm.at[pl.ds(s * rpw + k * CHUNK, CHUNK)], sidx0)
        pltpu.sync_copy(rows0, acc_sh.at[sidx0])
    pltpu.sync_copy(ones_hbm, rows0)
    plsc.subcore_barrier()

    def cnt_chunk(base):
        pltpu.sync_copy(sidx_hbm.at[pl.ds(base, CHUNK)], sidx0)
        pltpu.sync_copy(oidx_hbm.at[pl.ds(base, CHUNK)], oidx0)
        pltpu.sync_copy(rows0, acc_sh.at[sidx0], add=True)
        pltpu.sync_copy(rows0, acc_sh.at[oidx0], add=True)

    def cbody(j, _):
        cnt_chunk((start + j) * CHUNK)
        return 0

    lax.fori_loop(0, CPW0, cbody, 0)

    @pl.when(w < NCHUNKS - NW * CPW0)
    def _():
        cnt_chunk((NW * CPW0 + w) * CHUNK)

    plsc.subcore_barrier()

    for k in range(rpw // CHUNK):
        off = s * rpw + k * CHUNK
        pltpu.sync_copy(rid_hbm.at[pl.ds(off, CHUNK)], sidx0)
        pltpu.async_copy(acc_sh.at[sidx0], rows0, sem1).wait()
        pltpu.sync_copy(rows0, counts_hbm.at[c, pl.ds(off, CHUNK)])


_sc_scatter = pl.kernel(
    _scatter_body,
    out_type=(jax.ShapeDtypeStruct((NC, OP, H), jnp.float32),
              jax.ShapeDtypeStruct((NC, OP, H), jnp.float32)),
    mesh=plsc.VectorSubcoreMesh(core_axis_name="c", subcore_axis_name="s"),
    scratch_types=[
        pltpu.VMEM_SHARED((OP, H), jnp.float32),
        pltpu.VMEM((CHUNK,), jnp.int32),
        pltpu.VMEM((CHUNK,), jnp.int32),
        pltpu.VMEM((CHUNK,), jnp.int32),
        pltpu.VMEM((CHUNK,), jnp.int32),
        pltpu.VMEM((CHUNK, H), jnp.float32),
        pltpu.VMEM((CHUNK, H), jnp.float32),
        pltpu.SemaphoreType.DMA,
        pltpu.SemaphoreType.DMA,
    ],
)


def _mlp2_body(p_ref, c_ref, w2a_ref, b2a_ref, w2b_ref, b2b_ref, out_ref):
    pooled = p_ref[0] + p_ref[1]
    cnt = jnp.maximum(c_ref[0, :, :1] + c_ref[1, :, :1], 1.0)
    pooled = pooled / cnt
    h = jnp.dot(pooled, w2a_ref[...], preferred_element_type=jnp.float32)
    h = jnp.maximum(h + b2a_ref[...], 0.0)
    out = jnp.dot(h, w2b_ref[...], preferred_element_type=jnp.float32)
    out_ref[...] = jnp.maximum(out + b2b_ref[...], 0.0)


def _tc_mlp2(pooled, counts, W2a, b2a, W2b, b2b):
    TM = 1024
    grid = (OP // TM,)
    return pl.pallas_call(
        _mlp2_body,
        grid=grid,
        in_specs=[
            pl.BlockSpec((NC, TM, H), lambda i: (0, i, 0)),
            pl.BlockSpec((NC, TM, H), lambda i: (0, i, 0)),
            pl.BlockSpec((H, H), lambda i: (0, 0)),
            pl.BlockSpec((1, H), lambda i: (0, 0)),
            pl.BlockSpec((H, DOUT), lambda i: (0, 0)),
            pl.BlockSpec((1, DOUT), lambda i: (0, 0)),
        ],
        out_specs=pl.BlockSpec((TM, DOUT), lambda i: (i, 0)),
        out_shape=jax.ShapeDtypeStruct((OP, DOUT), jnp.float32),
    )(pooled, counts, W2a, b2a.reshape(1, H), W2b, b2b.reshape(1, DOUT))


def kernel(obj_vecs, pred_vecs, edges, W1a, b1a, W1b, b1b, W2a, b2a, W2b, b2b):
    s_idx = edges[:, 0]
    o_idx = edges[:, 1]
    sgath, ogath = _sc_gather(obj_vecs, s_idx, o_idx)
    new_s, new_p, new_o = _tc_mlp1(sgath, pred_vecs, ogath, W1a, b1a, W1b, b1b)
    zeros = jnp.zeros((CHUNK, H), jnp.float32)
    ones = jnp.ones((CHUNK, H), jnp.float32)
    rid = jnp.arange(OP, dtype=jnp.int32)
    pooled, counts = _sc_scatter(new_s, new_o, s_idx, o_idx, zeros, ones, rid)
    new_obj_vecs = _tc_mlp2(pooled, counts, W2a, b2a, W2b, b2b)
    return (new_obj_vecs[:O], new_p)

# --- scband reference (transcript-rebuilt; emitter-appended) ---
"""Pipeline reference for scband-graph-triple-conv-13365938226059 (READ-ONLY COPY).

The authoritative reference and input builder live on the scoring server;
editing this copy changes nothing except your own understanding.
"""

import jax, jax.numpy as jnp
import numpy as np

O, T, D, H = 10000, 160000, 128, 128
DOUT = 128


def _kaiming(k, fan_in, shape):
    return jax.random.normal(k, shape, jnp.float32) * jnp.sqrt(2.0 / fan_in)


def setup_inputs(seed: int = 0) -> dict:
    key = jax.random.key(seed)
    ks = jax.random.split(key, 8)
    obj_vecs = jax.random.normal(ks[0], (O, D), jnp.float32)
    pred_vecs = jax.random.normal(ks[1], (T, D), jnp.float32)
    edges = jax.random.randint(ks[2], (T, 2), 0, O, jnp.int32)
    # net1: Linear(3D -> H), ReLU, Linear(H -> 2H + Dout), ReLU
    W1a = _kaiming(ks[3], 3 * D, (3 * D, H)); b1a = jnp.zeros((H,), jnp.float32)
    W1b = _kaiming(ks[4], H, (H, 2 * H + DOUT)); b1b = jnp.zeros((2 * H + DOUT,), jnp.float32)
    # net2: Linear(H -> H), ReLU, Linear(H -> Dout), ReLU
    W2a = _kaiming(ks[5], H, (H, H)); b2a = jnp.zeros((H,), jnp.float32)
    W2b = _kaiming(ks[6], H, (H, DOUT)); b2b = jnp.zeros((DOUT,), jnp.float32)
    return {"obj_vecs": obj_vecs, "pred_vecs": pred_vecs, "edges": edges,
            "W1a": W1a, "b1a": b1a, "W1b": W1b, "b1b": b1b,
            "W2a": W2a, "b2a": b2a, "W2b": W2b, "b2b": b2b}


def reference(obj_vecs, pred_vecs, edges, W1a, b1a, W1b, b1b, W2a, b2a, W2b, b2b):
    s_idx = edges[:, 0]
    o_idx = edges[:, 1]
    cur_s_vecs = jnp.take(obj_vecs, s_idx, axis=0)
    cur_o_vecs = jnp.take(obj_vecs, o_idx, axis=0)
    cur_t_vecs = jnp.concatenate([cur_s_vecs, pred_vecs, cur_o_vecs], axis=1)
    h1 = jax.nn.relu(cur_t_vecs @ W1a + b1a)
    new_t_vecs = jax.nn.relu(h1 @ W1b + b1b)
    new_s_vecs = new_t_vecs[:, :H]
    new_p_vecs = new_t_vecs[:, H:H + DOUT]
    new_o_vecs = new_t_vecs[:, H + DOUT:2 * H + DOUT]
    pooled = jnp.zeros((O, H), jnp.float32)
    pooled = pooled.at[s_idx].add(new_s_vecs)
    pooled = pooled.at[o_idx].add(new_o_vecs)
    # avg pooling
    ones = jnp.ones((T,), jnp.float32)
    counts = jnp.zeros((O,), jnp.float32)
    counts = counts.at[s_idx].add(ones)
    counts = counts.at[o_idx].add(ones)
    counts = jnp.clip(counts, 1.0, None)
    pooled = pooled / counts[:, None]
    h2 = jax.nn.relu(pooled @ W2a + b2a)
    new_obj_vecs = jax.nn.relu(h2 @ W2b + b2b)
    return (new_obj_vecs, new_p_vecs)

if __name__ == "__main__":
    import jax
    _d = setup_inputs()
    print(jax.jit(kernel)(*tuple(_d.values())))

</pallas_src>

<mosaic_0001>
#map = affine_map<(d0, d1) -> (0, 0)>
#map1 = affine_map<(d0, d1) -> (0)>
#map2 = affine_map<(d0, d1) -> (0, 0, 0)>
module attributes {stable_mosaic.version = 14 : i64} {
  func.func @_scatter_body(%arg0: i32, %arg1: i32, %arg2: memref<160000x128xf32, #tpu.memory_space<hbm>>, %arg3: memref<160000x128xf32, #tpu.memory_space<hbm>>, %arg4: memref<160000xi32, #tpu.memory_space<hbm>>, %arg5: memref<160000xi32, #tpu.memory_space<hbm>>, %arg6: memref<128x128xf32, #tpu.memory_space<hbm>>, %arg7: memref<128x128xf32, #tpu.memory_space<hbm>>, %arg8: memref<10240xi32, #tpu.memory_space<hbm>>, %arg9: memref<2x10240x128xf32, #tpu.memory_space<hbm>>, %arg10: memref<2x10240x128xf32, #tpu.memory_space<hbm>>, %arg11: memref<10240x128xf32, #tpu.memory_space<vmem_shared>>, %arg12: memref<128xi32, #tpu.memory_space<vmem>>, %arg13: memref<128xi32, #tpu.memory_space<vmem>>, %arg14: memref<128xi32, #tpu.memory_space<vmem>>, %arg15: memref<128xi32, #tpu.memory_space<vmem>>, %arg16: memref<128x128xf32, #tpu.memory_space<vmem>>, %arg17: memref<128x128xf32, #tpu.memory_space<vmem>>, %arg18: memref<!tpu.dma_semaphore, #tpu.memory_space<semaphore_mem>>, %arg19: memref<!tpu.dma_semaphore, #tpu.memory_space<semaphore_mem>>) attributes {dimension_semantics = [#tpu.dimension_semantics<core_parallel>, #tpu.dimension_semantics<subcore_parallel>], iteration_bounds = array<i64: 2, 16>, scalar_prefetch = 0 : i64, scratch_operands = 9 : i64, tpu.core_type = #tpu.core_type<sc_vector_subcore>, window_params = [{transform_indices = #map}, {transform_indices = #map}, {transform_indices = #map1}, {transform_indices = #map1}, {transform_indices = #map}, {transform_indices = #map}, {transform_indices = #map1}, {transform_indices = #map2}, {transform_indices = #map2}]} {
    %mul3A = arith.constant 16 : i32
    %mul3A_0 = arith.muli %arg0, %mul3A : i32
    %add3A = arith.addi %mul3A_0, %arg1 : i32
    %mul3A_1 = arith.constant 39 : i32
    %mul3A_2 = arith.muli %add3A, %mul3A_1 : i32
    "tpu.region"() ({
      %run_scoped3A = tpu.sem_alloc : memref<!tpu.dma_semaphore, #tpu.memory_space<semaphore_mem>>
      tpu.enqueue_dma source(%arg6 : memref<128x128xf32, #tpu.memory_space<hbm>>) target(%arg16 : memref<128x128xf32, #tpu.memory_space<vmem>>) target_semaphore(%run_scoped3A : memref<!tpu.dma_semaphore, #tpu.memory_space<semaphore_mem>>)
      tpu.wait_dma2 semaphore(%run_scoped3A : memref<!tpu.dma_semaphore, #tpu.memory_space<semaphore_mem>>) src(%arg6 : memref<128x128xf32, #tpu.memory_space<hbm>>) dst(%arg16 : memref<128x128xf32, #tpu.memory_space<vmem>>)
      tpu.yield
    }) : () -> ()
    %mul3A_3 = arith.constant 640 : i32
    %mul3A_4 = arith.muli %arg1, %mul3A_3 : i32
    %add3A_5 = arith.constant 0 : i32
    %add3A_6 = arith.addi %mul3A_4, %add3A_5 : i32
    "tpu.region"() ({
      %run_scoped3A = tpu.sem_alloc : memref<!tpu.dma_semaphore, #tpu.memory_space<semaphore_mem>>
      %dma_start3A_164 = tpu.memref_slice %arg8[%add3A_6] : memref<10240xi32, #tpu.memory_space<hbm>> -> memref<128xi32, #tpu.memory_space<hbm>>
      %dma_start3A_165 = tpu.memref_slice %arg8[%add3A_6] : memref<10240xi32, #tpu.memory_space<hbm>> -> memref<128xi32, #tpu.memory_space<hbm>>
      tpu.enqueue_dma source(%dma_start3A_165 : memref<128xi32, #tpu.memory_space<hbm>>) target(%arg12 : memref<128xi32, #tpu.memory_space<vmem>>) target_semaphore(%run_scoped3A : memref<!tpu.dma_semaphore, #tpu.memory_space<semaphore_mem>>)
      %dma_wait3A_166 = tpu.memref_slice %arg8[%add3A_6] : memref<10240xi32, #tpu.memory_space<hbm>> -> memref<128xi32, #tpu.memory_space<hbm>>
      %dma_wait3A_167 = tpu.memref_slice %arg8[%add3A_6] : memref<10240xi32, #tpu.memory_space<hbm>> -> memref<128xi32, #tpu.memory_space<hbm>>
      tpu.wait_dma2 semaphore(%run_scoped3A : memref<!tpu.dma_semaphore, #tpu.memory_space<semaphore_mem>>) src(%dma_wait3A_167 : memref<128xi32, #tpu.memory_space<hbm>>) dst(%arg12 : memref<128xi32, #tpu.memory_space<vmem>>)
      tpu.yield
    }) : () -> ()
    "tpu.region"() ({
      %run_scoped3A = tpu.sem_alloc : memref<!tpu.dma_semaphore, #tpu.memory_space<semaphore_mem>>
      %dma_start3A_164 = arith.constant 0 : i32
      %dma_start3A_165 = arith.constant 0 : i32
      %dma_start3A_166 = tpu.memref_slice %arg11[%dma_start3A_164, %dma_start3A_165] : memref<10240x128xf32, #tpu.memory_space<vmem_shared>> -> memref<10240x128xf32, #tpu.memory_space<vmem_shared>>
      tpu.enqueue_indirect_dma source(%arg16 : memref<128x128xf32, #tpu.memory_space<vmem>>) target(%dma_start3A_166 : memref<10240x128xf32, #tpu.memory_space<vmem_shared>>) offsets(%arg12 : memref<128xi32, #tpu.memory_space<vmem>>) semaphore(%run_scoped3A : memref<!tpu.dma_semaphore, #tpu.memory_space<semaphore_mem>>)
      %dma_wait3A_167 = arith.constant 0 : i32
      %dma_wait3A_168 = arith.constant 0 : i32
      %dma_wait3A_169 = tpu.memref_slice %arg11[%dma_wait3A_167, %dma_wait3A_168] : memref<10240x128xf32, #tpu.memory_space<vmem_shared>> -> memref<10240x128xf32, #tpu.memory_space<vmem_shared>>
      tpu.wait_indirect_dma semaphore(%run_scoped3A : memref<!tpu.dma_semaphore, #tpu.memory_space<semaphore_mem>>) src(%arg16 : memref<128x128xf32, #tpu.memory_space<vmem>>) dst(%dma_wait3A_169 : memref<10240x128xf32, #tpu.memory_space<vmem_shared>>)
      tpu.yield
    }) : () -> ()
    %mul3A_7 = arith.constant 640 : i32
    %mul3A_8 = arith.muli %arg1, %mul3A_7 : i32
    %add3A_9 = arith.constant 128 : i32
    %add3A_10 = arith.addi %mul3A_8, %add3A_9 : i32
    "tpu.region"() ({
      %run_scoped3A = tpu.sem_alloc : memref<!tpu.dma_semaphore, #tpu.memory_space<semaphore_mem>>
      %dma_start3A_164 = tpu.memref_slice %arg8[%add3A_10] : memref<10240xi32, #tpu.memory_space<hbm>> -> memref<128xi32, #tpu.memory_space<hbm>>
      %dma_start3A_165 = tpu.memref_slice %arg8[%add3A_10] : memref<10240xi32, #tpu.memory_space<hbm>> -> memref<128xi32, #tpu.memory_space<hbm>>
      tpu.enqueue_dma source(%dma_start3A_165 : memref<128xi32, #tpu.memory_space<hbm>>) target(%arg12 : memref<128xi32, #tpu.memory_space<vmem>>) target_semaphore(%run_scoped3A : memref<!tpu.dma_semaphore, #tpu.memory_space<semaphore_mem>>)
      %dma_wait3A_166 = tpu.memref_slice %arg8[%add3A_10] : memref<10240xi32, #tpu.memory_space<hbm>> -> memref<128xi32, #tpu.memory_space<hbm>>
      %dma_wait3A_167 = tpu.memref_slice %arg8[%add3A_10] : memref<10240xi32, #tpu.memory_space<hbm>> -> memref<128xi32, #tpu.memory_space<hbm>>
      tpu.wait_dma2 semaphore(%run_scoped3A : memref<!tpu.dma_semaphore, #tpu.memory_space<semaphore_mem>>) src(%dma_wait3A_167 : memref<128xi32, #tpu.memory_space<hbm>>) dst(%arg12 : memref<128xi32, #tpu.memory_space<vmem>>)
      tpu.yield
    }) : () -> ()
    "tpu.region"() ({
      %run_scoped3A = tpu.sem_alloc : memref<!tpu.dma_semaphore, #tpu.memory_space<semaphore_mem>>
      %dma_start3A_164 = arith.constant 0 : i32
      %dma_start3A_165 = arith.constant 0 : i32
      %dma_start3A_166 = tpu.memref_slice %arg11[%dma_start3A_164, %dma_start3A_165] : memref<10240x128xf32, #tpu.memory_space<vmem_shared>> -> memref<10240x128xf32, #tpu.memory_space<vmem_shared>>
      tpu.enqueue_indirect_dma source(%arg16 : memref<128x128xf32, #tpu.memory_space<vmem>>) target(%dma_start3A_166 : memref<10240x128xf32, #tpu.memory_space<vmem_shared>>) offsets(%arg12 : memref<128xi32, #tpu.memory_space<vmem>>) semaphore(%run_scoped3A : memref<!tpu.dma_semaphore, #tpu.memory_space<semaphore_mem>>)
      %dma_wait3A_167 = arith.constant 0 : i32
      %dma_wait3A_168 = arith.constant 0 : i32
      %dma_wait3A_169 = tpu.memref_slice %arg11[%dma_wait3A_167, %dma_wait3A_168] : memref<10240x128xf32, #tpu.memory_space<vmem_shared>> -> memref<10240x128xf32, #tpu.memory_space<vmem_shared>>
      tpu.wait_indirect_dma semaphore(%run_scoped3A : memref<!tpu.dma_semaphore, #tpu.memory_space<semaphore_mem>>) src(%arg16 : memref<128x128xf32, #tpu.memory_space<vmem>>) dst(%dma_wait3A_169 : memref<10240x128xf32, #tpu.memory_space<vmem_shared>>)
      tpu.yield
    }) : () -> ()
    %mul3A_11 = arith.constant 640 : i32
    %mul3A_12 = arith.muli %arg1, %mul3A_11 : i32
    %add3A_13 = arith.constant 256 : i32
    %add3A_14 = arith.addi %mul3A_12, %add3A_13 : i32
    "tpu.region"() ({
      %run_scoped3A = tpu.sem_alloc : memref<!tpu.dma_semaphore, #tpu.memory_space<semaphore_mem>>
      %dma_start3A_164 = tpu.memref_slice %arg8[%add3A_14] : memref<10240xi32, #tpu.memory_space<hbm>> -> memref<128xi32, #tpu.memory_space<hbm>>
      %dma_start3A_165 = tpu.memref_slice %arg8[%add3A_14] : memref<10240xi32, #tpu.memory_space<hbm>> -> memref<128xi32, #tpu.memory_space<hbm>>
      tpu.enqueue_dma source(%dma_start3A_165 : memref<128xi32, #tpu.memory_space<hbm>>) target(%arg12 : memref<128xi32, #tpu.memory_space<vmem>>) target_semaphore(%run_scoped3A : memref<!tpu.dma_semaphore, #tpu.memory_space<semaphore_mem>>)
      %dma_wait3A_166 = tpu.memref_slice %arg8[%add3A_14] : memref<10240xi32, #tpu.memory_space<hbm>> -> memref<128xi32, #tpu.memory_space<hbm>>
      %dma_wait3A_167 = tpu.memref_slice %arg8[%add3A_14] : memref<10240xi32, #tpu.memory_space<hbm>> -> memref<128xi32, #tpu.memory_space<hbm>>
      tpu.wait_dma2 semaphore(%run_scoped3A : memref<!tpu.dma_semaphore, #tpu.memory_space<semaphore_mem>>) src(%dma_wait3A_167 : memref<128xi32, #tpu.memory_space<hbm>>) dst(%arg12 : memref<128xi32, #tpu.memory_space<vmem>>)
      tpu.yield
    }) : () -> ()
    "tpu.region"() ({
      %run_scoped3A = tpu.sem_alloc : memref<!tpu.dma_semaphore, #tpu.memory_space<semaphore_mem>>
      %dma_start3A_164 = arith.constant 0 : i32
      %dma_start3A_165 = arith.constant 0 : i32
      %dma_start3A_166 = tpu.memref_slice %arg11[%dma_start3A_164, %dma_start3A_165] : memref<10240x128xf32, #tpu.memory_space<vmem_shared>> -> memref<10240x128xf32, #tpu.memory_space<vmem_shared>>
      tpu.enqueue_indirect_dma source(%arg16 : memref<128x128xf32, #tpu.memory_space<vmem>>) target(%dma_start3A_166 : memref<10240x128xf32, #tpu.memory_space<vmem_shared>>) offsets(%arg12 : memref<128xi32, #tpu.memory_space<vmem>>) semaphore(%run_scoped3A : memref<!tpu.dma_semaphore, #tpu.memory_space<semaphore_mem>>)
      %dma_wait3A_167 = arith.constant 0 : i32
      %dma_wait3A_168 = arith.constant 0 : i32
      %dma_wait3A_169 = tpu.memref_slice %arg11[%dma_wait3A_167, %dma_wait3A_168] : memref<10240x128xf32, #tpu.memory_space<vmem_shared>> -> memref<10240x128xf32, #tpu.memory_space<vmem_shared>>
      tpu.wait_indirect_dma semaphore(%run_scoped3A : memref<!tpu.dma_semaphore, #tpu.memory_space<semaphore_mem>>) src(%arg16 : memref<128x128xf32, #tpu.memory_space<vmem>>) dst(%dma_wait3A_169 : memref<10240x128xf32, #tpu.memory_space<vmem_shared>>)
      tpu.yield
    }) : () -> ()
    %mul3A_15 = arith.constant 640 : i32
    %mul3A_16 = arith.muli %arg1, %mul3A_15 : i32
    %add3A_17 = arith.constant 384 : i32
    %add3A_18 = arith.addi %mul3A_16, %add3A_17 : i32
    "tpu.region"() ({
      %run_scoped3A = tpu.sem_alloc : memref<!tpu.dma_semaphore, #tpu.memory_space<semaphore_mem>>
      %dma_start3A_164 = tpu.memref_slice %arg8[%add3A_18] : memref<10240xi32, #tpu.memory_space<hbm>> -> memref<128xi32, #tpu.memory_space<hbm>>
      %dma_start3A_165 = tpu.memref_slice %arg8[%add3A_18] : memref<10240xi32, #tpu.memory_space<hbm>> -> memref<128xi32, #tpu.memory_space<hbm>>
      tpu.enqueue_dma source(%dma_start3A_165 : memref<128xi32, #tpu.memory_space<hbm>>) target(%arg12 : memref<128xi32, #tpu.memory_space<vmem>>) target_semaphore(%run_scoped3A : memref<!tpu.dma_semaphore, #tpu.memory_space<semaphore_mem>>)
      %dma_wait3A_166 = tpu.memref_slice %arg8[%add3A_18] : memref<10240xi32, #tpu.memory_space<hbm>> -> memref<128xi32, #tpu.memory_space<hbm>>
      %dma_wait3A_167 = tpu.memref_slice %arg8[%add3A_18] : memref<10240xi32, #tpu.memory_space<hbm>> -> memref<128xi32, #tpu.memory_space<hbm>>
      tpu.wait_dma2 semaphore(%run_scoped3A : memref<!tpu.dma_semaphore, #tpu.memory_space<semaphore_mem>>) src(%dma_wait3A_167 : memref<128xi32, #tpu.memory_space<hbm>>) dst(%arg12 : memref<128xi32, #tpu.memory_space<vmem>>)
      tpu.yield
    }) : () -> ()
    "tpu.region"() ({
      %run_scoped3A = tpu.sem_alloc : memref<!tpu.dma_semaphore, #tpu.memory_space<semaphore_mem>>
      %dma_start3A_164 = arith.constant 0 : i32
      %dma_start3A_165 = arith.constant 0 : i32
      %dma_start3A_166 = tpu.memref_slice %arg11[%dma_start3A_164, %dma_start3A_165] : memref<10240x128xf32, #tpu.memory_space<vmem_shared>> -> memref<10240x128xf32, #tpu.memory_space<vmem_shared>>
      tpu.enqueue_indirect_dma source(%arg16 : memref<128x128xf32, #tpu.memory_space<vmem>>) target(%dma_start3A_166 : memref<10240x128xf32, #tpu.memory_space<vmem_shared>>) offsets(%arg12 : memref<128xi32, #tpu.memory_space<vmem>>) semaphore(%run_scoped3A : memref<!tpu.dma_semaphore, #tpu.memory_space<semaphore_mem>>)
      %dma_wait3A_167 = arith.constant 0 : i32
      %dma_wait3A_168 = arith.constant 0 : i32
      %dma_wait3A_169 = tpu.memref_slice %arg11[%dma_wait3A_167, %dma_wait3A_168] : memref<10240x128xf32, #tpu.memory_space<vmem_shared>> -> memref<10240x128xf32, #tpu.memory_space<vmem_shared>>
      tpu.wait_indirect_dma semaphore(%run_scoped3A : memref<!tpu.dma_semaphore, #tpu.memory_space<semaphore_mem>>) src(%arg16 : memref<128x128xf32, #tpu.memory_space<vmem>>) dst(%dma_wait3A_169 : memref<10240x128xf32, #tpu.memory_space<vmem_shared>>)
      tpu.yield
    }) : () -> ()
    %mul3A_19 = arith.constant 640 : i32
    %mul3A_20 = arith.muli %arg1, %mul3A_19 : i32
    %add3A_21 = arith.constant 512 : i32
    %add3A_22 = arith.addi %mul3A_20, %add3A_21 : i32
    "tpu.region"() ({
      %run_scoped3A = tpu.sem_alloc : memref<!tpu.dma_semaphore, #tpu.memory_space<semaphore_mem>>
      %dma_start3A_164 = tpu.memref_slice %arg8[%add3A_22] : memref<10240xi32, #tpu.memory_space<hbm>> -> memref<128xi32, #tpu.memory_space<hbm>>
      %dma_start3A_165 = tpu.memref_slice %arg8[%add3A_22] : memref<10240xi32, #tpu.memory_space<hbm>> -> memref<128xi32, #tpu.memory_space<hbm>>
      tpu.enqueue_dma source(%dma_start3A_165 : memref<128xi32, #tpu.memory_space<hbm>>) target(%arg12 : memref<128xi32, #tpu.memory_space<vmem>>) target_semaphore(%run_scoped3A : memref<!tpu.dma_semaphore, #tpu.memory_space<semaphore_mem>>)
      %dma_wait3A_166 = tpu.memref_slice %arg8[%add3A_22] : memref<10240xi32, #tpu.memory_space<hbm>> -> memref<128xi32, #tpu.memory_space<hbm>>
      %dma_wait3A_167 = tpu.memref_slice %arg8[%add3A_22] : memref<10240xi32, #tpu.memory_space<hbm>> -> memref<128xi32, #tpu.memory_space<hbm>>
      tpu.wait_dma2 semaphore(%run_scoped3A : memref<!tpu.dma_semaphore, #tpu.memory_space<semaphore_mem>>) src(%dma_wait3A_167 : memref<128xi32, #tpu.memory_space<hbm>>) dst(%arg12 : memref<128xi32, #tpu.memory_space<vmem>>)
      tpu.yield
    }) : () -> ()
    "tpu.region"() ({
      %run_scoped3A = tpu.sem_alloc : memref<!tpu.dma_semaphore, #tpu.memory_space<semaphore_mem>>
      %dma_start3A_164 = arith.constant 0 : i32
      %dma_start3A_165 = arith.constant 0 : i32
      %dma_start3A_166 = tpu.memref_slice %arg11[%dma_start3A_164, %dma_start3A_165] : memref<10240x128xf32, #tpu.memory_space<vmem_shared>> -> memref<10240x128xf32, #tpu.memory_space<vmem_shared>>
      tpu.enqueue_indirect_dma source(%arg16 : memref<128x128xf32, #tpu.memory_space<vmem>>) target(%dma_start3A_166 : memref<10240x128xf32, #tpu.memory_space<vmem_shared>>) offsets(%arg12 : memref<128xi32, #tpu.memory_space<vmem>>) semaphore(%run_scoped3A : memref<!tpu.dma_semaphore, #tpu.memory_space<semaphore_mem>>)
      %dma_wait3A_167 = arith.constant 0 : i32
      %dma_wait3A_168 = arith.constant 0 : i32
      %dma_wait3A_169 = tpu.memref_slice %arg11[%dma_wait3A_167, %dma_wait3A_168] : memref<10240x128xf32, #tpu.memory_space<vmem_shared>> -> memref<10240x128xf32, #tpu.memory_space<vmem_shared>>
      tpu.wait_indirect_dma semaphore(%run_scoped3A : memref<!tpu.dma_semaphore, #tpu.memory_space<semaphore_mem>>) src(%arg16 : memref<128x128xf32, #tpu.memory_space<vmem>>) dst(%dma_wait3A_169 : memref<10240x128xf32, #tpu.memory_space<vmem_shared>>)
      tpu.yield
    }) : () -> ()
    %barrier3A = arith.constant 0 : index
    tpu.barrier barrier_id(%barrier3A)
    %scan3A = arith.constant 0 : i32
    %scan3A_23 = arith.constant 0 : i32
    %scan3A_24 = arith.constant 39 : i32
    %scan3A_25 = arith.addi %scan3A_23, %scan3A_24 : i32
    %scan3A_26 = arith.constant 1 : i32
    %scan3A_27 = scf.for %scan3A_164 = %scan3A_23 to %scan3A_25 step %scan3A_26 iter_args(%scan3A_165 = %scan3A) -> (i32)  : i32 {
      %add3A_166 = arith.addi %mul3A_2, %scan3A_164 : i32
      %mul3A_167 = arith.constant 128 : i32
      %mul3A_168 = arith.muli %add3A_166, %mul3A_167 : i32
      "tpu.region"() ({
        %run_scoped3A = tpu.sem_alloc : memref<!tpu.dma_semaphore, #tpu.memory_space<semaphore_mem>>
        %dma_start3A_186 = tpu.memref_slice %arg4[%mul3A_168] : memref<160000xi32, #tpu.memory_space<hbm>> -> memref<128xi32, #tpu.memory_space<hbm>>
        %dma_start3A_187 = tpu.memref_slice %arg4[%mul3A_168] : memref<160000xi32, #tpu.memory_space<hbm>> -> memref<128xi32, #tpu.memory_space<hbm>>
        tpu.enqueue_dma source(%dma_start3A_187 : memref<128xi32, #tpu.memory_space<hbm>>) target(%arg12 : memref<128xi32, #tpu.memory_space<vmem>>) target_semaphore(%run_scoped3A : memref<!tpu.dma_semaphore, #tpu.memory_space<semaphore_mem>>)
        %dma_wait3A_188 = tpu.memref_slice %arg4[%mul3A_168] : memref<160000xi32, #tpu.memory_space<hbm>> -> memref<128xi32, #tpu.memory_space<hbm>>
        %dma_wait3A_189 = tpu.memref_slice %arg4[%mul3A_168] : memref<160000xi32, #tpu.memory_space<hbm>> -> memref<128xi32, #tpu.memory_space<hbm>>
        tpu.wait_dma2 semaphore(%run_scoped3A : memref<!tpu.dma_semaphore, #tpu.memory_space<semaphore_mem>>) src(%dma_wait3A_189 : memref<128xi32, #tpu.memory_space<hbm>>) dst(%arg12 : memref<128xi32, #tpu.memory_space<vmem>>)
        tpu.yield
      }) : () -> ()
      "tpu.region"() ({
        %run_scoped3A = tpu.sem_alloc : memref<!tpu.dma_semaphore, #tpu.memory_space<semaphore_mem>>
        %dma_start3A_186 = tpu.memref_slice %arg5[%mul3A_168] : memref<160000xi32, #tpu.memory_space<hbm>> -> memref<128xi32, #tpu.memory_space<hbm>>
        %dma_start3A_187 = tpu.memref_slice %arg5[%mul3A_168] : memref<160000xi32, #tpu.memory_space<hbm>> -> memref<128xi32, #tpu.memory_space<hbm>>
        tpu.enqueue_dma source(%dma_start3A_187 : memref<128xi32, #tpu.memory_space<hbm>>) target(%arg13 : memref<128xi32, #tpu.memory_space<vmem>>) target_semaphore(%run_scoped3A : memref<!tpu.dma_semaphore, #tpu.memory_space<semaphore_mem>>)
        %dma_wait3A_188 = tpu.memref_slice %arg5[%mul3A_168] : memref<160000xi32, #tpu.memory_space<hbm>> -> memref<128xi32, #tpu.memory_space<hbm>>
        %dma_wait3A_189 = tpu.memref_slice %arg5[%mul3A_168] : memref<160000xi32, #tpu.memory_space<hbm>> -> memref<128xi32, #tpu.memory_space<hbm>>
        tpu.wait_dma2 semaphore(%run_scoped3A : memref<!tpu.dma_semaphore, #tpu.memory_space<semaphore_mem>>) src(%dma_wait3A_189 : memref<128xi32, #tpu.memory_space<hbm>>) dst(%arg13 : memref<128xi32, #tpu.memory_space<vmem>>)
        tpu.yield
      }) : () -> ()
      %dma_start3A_169 = arith.constant 0 : i32
      %dma_start3A_170 = tpu.memref_slice %arg2[%mul3A_168, %dma_start3A_169] : memref<160000x128xf32, #tpu.memory_space<hbm>> -> memref<128x128xf32, #tpu.memory_space<hbm>>
      %dma_start3A_171 = arith.constant 0 : i32
      %dma_start3A_172 = tpu.memref_slice %arg2[%mul3A_168, %dma_start3A_171] : memref<160000x128xf32, #tpu.memory_space<hbm>> -> memref<128x128xf32, #tpu.memory_space<hbm>>
      tpu.enqueue_dma source(%dma_start3A_172 : memref<128x128xf32, #tpu.memory_space<hbm>>) target(%arg16 : memref<128x128xf32, #tpu.memory_space<vmem>>) target_semaphore(%arg18 : memref<!tpu.dma_semaphore, #tpu.memory_space<semaphore_mem>>)
      %dma_start3A_173 = arith.constant 0 : i32
      %dma_start3A_174 = tpu.memref_slice %arg3[%mul3A_168, %dma_start3A_173] : memref<160000x128xf32, #tpu.memory_space<hbm>> -> memref<128x128xf32, #tpu.memory_space<hbm>>
      %dma_start3A_175 = arith.constant 0 : i32
      %dma_start3A_176 = tpu.memref_slice %arg3[%mul3A_168, %dma_start3A_175] : memref<160000x128xf32, #tpu.memory_space<hbm>> -> memref<128x128xf32, #tpu.memory_space<hbm>>
      tpu.enqueue_dma source(%dma_start3A_176 : memref<128x128xf32, #tpu.memory_space<hbm>>) target(%arg17 : memref<128x128xf32, #tpu.memory_space<vmem>>) target_semaphore(%arg19 : memref<!tpu.dma_semaphore, #tpu.memory_space<semaphore_mem>>)
      %dma_wait3A_177 = arith.constant 0 : i32
      %dma_wait3A_178 = tpu.memref_slice %arg2[%mul3A_168, %dma_wait3A_177] : memref<160000x128xf32, #tpu.memory_space<hbm>> -> memref<128x128xf32, #tpu.memory_space<hbm>>
      %dma_wait3A_179 = arith.constant 0 : i32
      %dma_wait3A_180 = tpu.memref_slice %arg2[%mul3A_168, %dma_wait3A_179] : memref<160000x128xf32, #tpu.memory_space<hbm>> -> memref<128x128xf32, #tpu.memory_space<hbm>>
      tpu.wait_dma2 semaphore(%arg18 : memref<!tpu.dma_semaphore, #tpu.memory_space<semaphore_mem>>) src(%dma_wait3A_180 : memref<128x128xf32, #tpu.memory_space<hbm>>) dst(%arg16 : memref<128x128xf32, #tpu.memory_space<vmem>>)
      "tpu.region"() ({
        %run_scoped3A = tpu.sem_alloc : memref<!tpu.dma_semaphore, #tpu.memory_space<semaphore_mem>>
        %dma_start3A_186 = arith.constant 0 : i32
        %dma_start3A_187 = arith.constant 0 : i32
        %dma_start3A_188 = tpu.memref_slice %arg11[%dma_start3A_186, %dma_start3A_187] : memref<10240x128xf32, #tpu.memory_space<vmem_shared>> -> memref<10240x128xf32, #tpu.memory_space<vmem_shared>>
        tpu.enqueue_indirect_dma source(%arg16 : memref<128x128xf32, #tpu.memory_space<vmem>>) target(%dma_start3A_188 : memref<10240x128xf32, #tpu.memory_space<vmem_shared>>) offsets(%arg12 : memref<128xi32, #tpu.memory_space<vmem>>) semaphore(%run_scoped3A : memref<!tpu.dma_semaphore, #tpu.memory_space<semaphore_mem>>) {add = true}
        %dma_wait3A_189 = arith.constant 0 : i32
        %dma_wait3A_190 = arith.constant 0 : i32
        %dma_wait3A_191 = tpu.memref_slice %arg11[%dma_wait3A_189, %dma_wait3A_190] : memref<10240x128xf32, #tpu.memory_space<vmem_shared>> -> memref<10240x128xf32, #tpu.memory_space<vmem_shared>>
        tpu.wait_indirect_dma semaphore(%run_scoped3A : memref<!tpu.dma_semaphore, #tpu.memory_space<semaphore_mem>>) src(%arg16 : memref<128x128xf32, #tpu.memory_space<vmem>>) dst(%dma_wait3A_191 : memref<10240x128xf32, #tpu.memory_space<vmem_shared>>)
        tpu.yield
      }) : () -> ()
      %dma_wait3A_181 = arith.constant 0 : i32
      %dma_wait3A_182 = tpu.memref_slice %arg3[%mul3A_168, %dma_wait3A_181] : memref<160000x128xf32, #tpu.memory_space<hbm>> -> memref<128x128xf32, #tpu.memory_space<hbm>>
      %dma_wait3A_183 = arith.constant 0 : i32
      %dma_wait3A_184 = tpu.memref_slice %arg3[%mul3A_168, %dma_wait3A_183] : memref<160000x128xf32, #tpu.memory_space<hbm>> -> memref<128x128xf32, #tpu.memory_space<hbm>>
      tpu.wait_dma2 semaphore(%arg19 : memref<!tpu.dma_semaphore, #tpu.memory_space<semaphore_mem>>) src(%dma_wait3A_184 : memref<128x128xf32, #tpu.memory_space<hbm>>) dst(%arg17 : memref<128x128xf32, #tpu.memory_space<vmem>>)
      "tpu.region"() ({
        %run_scoped3A = tpu.sem_alloc : memref<!tpu.dma_semaphore, #tpu.memory_space<semaphore_mem>>
        %dma_start3A_186 = arith.constant 0 : i32
        %dma_start3A_187 = arith.constant 0 : i32
        %dma_start3A_188 = tpu.memref_slice %arg11[%dma_start3A_186, %dma_start3A_187] : memref<10240x128xf32, #tpu.memory_space<vmem_shared>> -> memref<10240x128xf32, #tpu.memory_space<vmem_shared>>
        tpu.enqueue_indirect_dma source(%arg17 : memref<128x128xf32, #tpu.memory_space<vmem>>) target(%dma_start3A_188 : memref<10240x128xf32, #tpu.memory_space<vmem_shared>>) offsets(%arg13 : memref<128xi32, #tpu.memory_space<vmem>>) semaphore(%run_scoped3A : memref<!tpu.dma_semaphore, #tpu.memory_space<semaphore_mem>>) {add = true}
        %dma_wait3A_189 = arith.constant 0 : i32
        %dma_wait3A_190 = arith.constant 0 : i32
        %dma_wait3A_191 = tpu.memref_slice %arg11[%dma_wait3A_189, %dma_wait3A_190] : memref<10240x128xf32, #tpu.memory_space<vmem_shared>> -> memref<10240x128xf32, #tpu.memory_space<vmem_shared>>
        tpu.wait_indirect_dma semaphore(%run_scoped3A : memref<!tpu.dma_semaphore, #tpu.memory_space<semaphore_mem>>) src(%arg17 : memref<128x128xf32, #tpu.memory_space<vmem>>) dst(%dma_wait3A_191 : memref<10240x128xf32, #tpu.memory_space<vmem_shared>>)
        tpu.yield
      }) : () -> ()
      %scan3A_185 = arith.constant 0 : i32
      scf.yield %scan3A_185 : i32
    }
    %scan3A_28 = arith.constant 39 : i32
    %lt3A = arith.constant 2 : i32
    %lt3A_29 = arith.cmpi slt, %add3A, %lt3A : i32
    %convert_element_type3A = arith.extui %lt3A_29 : i1 to i32
    %cond3A = arith.constant 0 : i32
    %cond3A_30 = arith.cmpi ne, %convert_element_type3A, %cond3A : i32
    scf.if %cond3A_30 {
      %add3A_164 = arith.constant 1248 : i32
      %add3A_165 = arith.addi %add3A_164, %add3A : i32
      %mul3A_166 = arith.constant 128 : i32
      %mul3A_167 = arith.muli %add3A_165, %mul3A_166 : i32
      "tpu.region"() ({
        %run_scoped3A = tpu.sem_alloc : memref<!tpu.dma_semaphore, #tpu.memory_space<semaphore_mem>>
        %dma_start3A_184 = tpu.memref_slice %arg4[%mul3A_167] : memref<160000xi32, #tpu.memory_space<hbm>> -> memref<128xi32, #tpu.memory_space<hbm>>
        %dma_start3A_185 = tpu.memref_slice %arg4[%mul3A_167] : memref<160000xi32, #tpu.memory_space<hbm>> -> memref<128xi32, #tpu.memory_space<hbm>>
        tpu.enqueue_dma source(%dma_start3A_185 : memref<128xi32, #tpu.memory_space<hbm>>) target(%arg12 : memref<128xi32, #tpu.memory_space<vmem>>) target_semaphore(%run_scoped3A : memref<!tpu.dma_semaphore, #tpu.memory_space<semaphore_mem>>)
        %dma_wait3A_186 = tpu.memref_slice %arg4[%mul3A_167] : memref<160000xi32, #tpu.memory_space<hbm>> -> memref<128xi32, #tpu.memory_space<hbm>>
        %dma_wait3A_187 = tpu.memref_slice %arg4[%mul3A_167] : memref<160000xi32, #tpu.memory_space<hbm>> -> memref<128xi32, #tpu.memory_space<hbm>>
        tpu.wait_dma2 semaphore(%run_scoped3A : memref<!tpu.dma_semaphore, #tpu.memory_space<semaphore_mem>>) src(%dma_wait3A_187 : memref<128xi32, #tpu.memory_space<hbm>>) dst(%arg12 : memref<128xi32, #tpu.memory_space<vmem>>)
        tpu.yield
      }) : () -> ()
      "tpu.region"() ({
        %run_scoped3A = tpu.sem_alloc : memref<!tpu.dma_semaphore, #tpu.memory_space<semaphore_mem>>
        %dma_start3A_184 = tpu.memref_slice %arg5[%mul3A_167] : memref<160000xi32, #tpu.memory_space<hbm>> -> memref<128xi32, #tpu.memory_space<hbm>>
        %dma_start3A_185 = tpu.memref_slice %arg5[%mul3A_167] : memref<160000xi32, #tpu.memory_space<hbm>> -> memref<128xi32, #tpu.memory_space<hbm>>
        tpu.enqueue_dma source(%dma_start3A_185 : memref<128xi32, #tpu.memory_space<hbm>>) target(%arg13 : memref<128xi32, #tpu.memory_space<vmem>>) target_semaphore(%run_scoped3A : memref<!tpu.dma_semaphore, #tpu.memory_space<semaphore_mem>>)
        %dma_wait3A_186 = tpu.memref_slice %arg5[%mul3A_167] : memref<160000xi32, #tpu.memory_space<hbm>> -> memref<128xi32, #tpu.memory_space<hbm>>
        %dma_wait3A_187 = tpu.memref_slice %arg5[%mul3A_167] : memref<160000xi32, #tpu.memory_space<hbm>> -> memref<128xi32, #tpu.memory_space<hbm>>
        tpu.wait_dma2 semaphore(%run_scoped3A : memref<!tpu.dma_semaphore, #tpu.memory_space<semaphore_mem>>) src(%dma_wait3A_187 : memref<128xi32, #tpu.memory_space<hbm>>) dst(%arg13 : memref<128xi32, #tpu.memory_space<vmem>>)
        tpu.yield
      }) : () -> ()
      %dma_start3A_168 = arith.constant 0 : i32
      %dma_start3A_169 = tpu.memref_slice %arg2[%mul3A_167, %dma_start3A_168] : memref<160000x128xf32, #tpu.memory_space<hbm>> -> memref<128x128xf32, #tpu.memory_space<hbm>>
      %dma_start3A_170 = arith.constant 0 : i32
      %dma_start3A_171 = tpu.memref_slice %arg2[%mul3A_167, %dma_start3A_170] : memref<160000x128xf32, #tpu.memory_space<hbm>> -> memref<128x128xf32, #tpu.memory_space<hbm>>
      tpu.enqueue_dma source(%dma_start3A_171 : memref<128x128xf32, #tpu.memory_space<hbm>>) target(%arg16 : memref<128x128xf32, #tpu.memory_space<vmem>>) target_semaphore(%arg18 : memref<!tpu.dma_semaphore, #tpu.memory_space<semaphore_mem>>)
      %dma_start3A_172 = arith.constant 0 : i32
      %dma_start3A_173 = tpu.memref_slice %arg3[%mul3A_167, %dma_start3A_172] : memref<160000x128xf32, #tpu.memory_space<hbm>> -> memref<128x128xf32, #tpu.memory_space<hbm>>
      %dma_start3A_174 = arith.constant 0 : i32
      %dma_start3A_175 = tpu.memref_slice %arg3[%mul3A_167, %dma_start3A_174] : memref<160000x128xf32, #tpu.memory_space<hbm>> -> memref<128x128xf32, #tpu.memory_space<hbm>>
      tpu.enqueue_dma source(%dma_start3A_175 : memref<128x128xf32, #tpu.memory_space<hbm>>) target(%arg17 : memref<128x128xf32, #tpu.memory_space<vmem>>) target_semaphore(%arg19 : memref<!tpu.dma_semaphore, #tpu.memory_space<semaphore_mem>>)
      %dma_wait3A_176 = arith.constant 0 : i32
      %dma_wait3A_177 = tpu.memref_slice %arg2[%mul3A_167, %dma_wait3A_176] : memref<160000x128xf32, #tpu.memory_space<hbm>> -> memref<128x128xf32, #tpu.memory_space<hbm>>
      %dma_wait3A_178 = arith.constant 0 : i32
      %dma_wait3A_179 = tpu.memref_slice %arg2[%mul3A_167, %dma_wait3A_178] : memref<160000x128xf32, #tpu.memory_space<hbm>> -> memref<128x128xf32, #tpu.memory_space<hbm>>
      tpu.wait_dma2 semaphore(%arg18 : memref<!tpu.dma_semaphore, #tpu.memory_space<semaphore_mem>>) src(%dma_wait3A_179 : memref<128x128xf32, #tpu.memory_space<hbm>>) dst(%arg16 : memref<128x128xf32, #tpu.memory_space<vmem>>)
      "tpu.region"() ({
        %run_scoped3A = tpu.sem_alloc : memref<!tpu.dma_semaphore, #tpu.memory_space<semaphore_mem>>
        %dma_start3A_184 = arith.constant 0 : i32
        %dma_start3A_185 = arith.constant 0 : i32
        %dma_start3A_186 = tpu.memref_slice %arg11[%dma_start3A_184, %dma_start3A_185] : memref<10240x128xf32, #tpu.memory_space<vmem_shared>> -> memref<10240x128xf32, #tpu.memory_space<vmem_shared>>
        tpu.enqueue_indirect_dma source(%arg16 : memref<128x128xf32, #tpu.memory_space<vmem>>) target(%dma_start3A_186 : memref<10240x128xf32, #tpu.memory_space<vmem_shared>>) offsets(%arg12 : memref<128xi32, #tpu.memory_space<vmem>>) semaphore(%run_scoped3A : memref<!tpu.dma_semaphore, #tpu.memory_space<semaphore_mem>>) {add = true}
        %dma_wait3A_187 = arith.constant 0 : i32
        %dma_wait3A_188 = arith.constant 0 : i32
        %dma_wait3A_189 = tpu.memref_slice %arg11[%dma_wait3A_187, %dma_wait3A_188] : memref<10240x128xf32, #tpu.memory_space<vmem_shared>> -> memref<10240x128xf32, #tpu.memory_space<vmem_shared>>
        tpu.wait_indirect_dma semaphore(%run_scoped3A : memref<!tpu.dma_semaphore, #tpu.memory_space<semaphore_mem>>) src(%arg16 : memref<128x128xf32, #tpu.memory_space<vmem>>) dst(%dma_wait3A_189 : memref<10240x128xf32, #tpu.memory_space<vmem_shared>>)
        tpu.yield
      }) : () -> ()
      %dma_wait3A_180 = arith.constant 0 : i32
      %dma_wait3A_181 = tpu.memref_slice %arg3[%mul3A_167, %dma_wait3A_180] : memref<160000x128xf32, #tpu.memory_space<hbm>> -> memref<128x128xf32, #tpu.memory_space<hbm>>
      %dma_wait3A_182 = arith.constant 0 : i32
      %dma_wait3A_183 = tpu.memref_slice %arg3[%mul3A_167, %dma_wait3A_182] : memref<160000x128xf32, #tpu.memory_space<hbm>> -> memref<128x128xf32, #tpu.memory_space<hbm>>
      tpu.wait_dma2 semaphore(%arg19 : memref<!tpu.dma_semaphore, #tpu.memory_space<semaphore_mem>>) src(%dma_wait3A_183 : memref<128x128xf32, #tpu.memory_space<hbm>>) dst(%arg17 : memref<128x128xf32, #tpu.memory_space<vmem>>)
      "tpu.region"() ({
        %run_scoped3A = tpu.sem_alloc : memref<!tpu.dma_semaphore, #tpu.memory_space<semaphore_mem>>
        %dma_start3A_184 = arith.constant 0 : i32
        %dma_start3A_185 = arith.constant 0 : i32
        %dma_start3A_186 = tpu.memref_slice %arg11[%dma_start3A_184, %dma_start3A_185] : memref<10240x128xf32, #tpu.memory_space<vmem_shared>> -> memref<10240x128xf32, #tpu.memory_space<vmem_shared>>
        tpu.enqueue_indirect_dma source(%arg17 : memref<128x128xf32, #tpu.memory_space<vmem>>) target(%dma_start3A_186 : memref<10240x128xf32, #tpu.memory_space<vmem_shared>>) offsets(%arg13 : memref<128xi32, #tpu.memory_space<vmem>>) semaphore(%run_scoped3A : memref<!tpu.dma_semaphore, #tpu.memory_space<semaphore_mem>>) {add = true}
        %dma_wait3A_187 = arith.constant 0 : i32
        %dma_wait3A_188 = arith.constant 0 : i32
        %dma_wait3A_189 = tpu.memref_slice %arg11[%dma_wait3A_187, %dma_wait3A_188] : memref<10240x128xf32, #tpu.memory_space<vmem_shared>> -> memref<10240x128xf32, #tpu.memory_space<vmem_shared>>
        tpu.wait_indirect_dma semaphore(%run_scoped3A : memref<!tpu.dma_semaphore, #tpu.memory_space<semaphore_mem>>) src(%arg17 : memref<128x128xf32, #tpu.memory_space<vmem>>) dst(%dma_wait3A_189 : memref<10240x128xf32, #tpu.memory_space<vmem_shared>>)
        tpu.yield
      }) : () -> ()
    } else {
    }
    %barrier3A_31 = arith.constant 0 : index
    tpu.barrier barrier_id(%barrier3A_31)
    %mul3A_32 = arith.constant 640 : i32
    %mul3A_33 = arith.muli %arg1, %mul3A_32 : i32
    %add3A_34 = arith.constant 0 : i32
    %add3A_35 = arith.addi %mul3A_33, %add3A_34 : i32
    "tpu.region"() ({
      %run_scoped3A = tpu.sem_alloc : memref<!tpu.dma_semaphore, #tpu.memory_space<semaphore_mem>>
      %dma_start3A_164 = tpu.memref_slice %arg8[%add3A_35] : memref<10240xi32, #tpu.memory_space<hbm>> -> memref<128xi32, #tpu.memory_space<hbm>>
      %dma_start3A_165 = tpu.memref_slice %arg8[%add3A_35] : memref<10240xi32, #tpu.memory_space<hbm>> -> memref<128xi32, #tpu.memory_space<hbm>>
      tpu.enqueue_dma source(%dma_start3A_165 : memref<128xi32, #tpu.memory_space<hbm>>) target(%arg12 : memref<128xi32, #tpu.memory_space<vmem>>) target_semaphore(%run_scoped3A : memref<!tpu.dma_semaphore, #tpu.memory_space<semaphore_mem>>)
      %dma_wait3A_166 = tpu.memref_slice %arg8[%add3A_35] : memref<10240xi32, #tpu.memory_space<hbm>> -> memref<128xi32, #tpu.memory_space<hbm>>
      %dma_wait3A_167 = tpu.memref_slice %arg8[%add3A_35] : memref<10240xi32, #tpu.memory_space<hbm>> -> memref<128xi32, #tpu.memory_space<hbm>>
      tpu.wait_dma2 semaphore(%run_scoped3A : memref<!tpu.dma_semaphore, #tpu.memory_space<semaphore_mem>>) src(%dma_wait3A_167 : memref<128xi32, #tpu.memory_space<hbm>>) dst(%arg12 : memref<128xi32, #tpu.memory_space<vmem>>)
      tpu.yield
    }) : () -> ()
    %dma_start3A = arith.constant 0 : i32
    %dma_start3A_36 = arith.constant 0 : i32
    %dma_start3A_37 = tpu.memref_slice %arg11[%dma_start3A, %dma_start3A_36] : memref<10240x128xf32, #tpu.memory_space<vmem_shared>> -> memref<10240x128xf32, #tpu.memory_space<vmem_shared>>
    tpu.enqueue_indirect_dma source(%dma_start3A_37 : memref<10240x128xf32, #tpu.memory_space<vmem_shared>>) target(%arg16 : memref<128x128xf32, #tpu.memory_space<vmem>>) offsets(%arg12 : memref<128xi32, #tpu.memory_space<vmem>>) semaphore(%arg18 : memref<!tpu.dma_semaphore, #tpu.memory_space<semaphore_mem>>)
    %dma_wait3A = arith.constant 0 : i32
    %dma_wait3A_38 = arith.constant 0 : i32
    %dma_wait3A_39 = tpu.memref_slice %arg11[%dma_wait3A, %dma_wait3A_38] : memref<10240x128xf32, #tpu.memory_space<vmem_shared>> -> memref<10240x128xf32, #tpu.memory_space<vmem_shared>>
    tpu.wait_indirect_dma semaphore(%arg18 : memref<!tpu.dma_semaphore, #tpu.memory_space<semaphore_mem>>) src(%dma_wait3A_39 : memref<10240x128xf32, #tpu.memory_space<vmem_shared>>) dst(%arg16 : memref<128x128xf32, #tpu.memory_space<vmem>>)
    "tpu.region"() ({
      %run_scoped3A = tpu.sem_alloc : memref<!tpu.dma_semaphore, #tpu.memory_space<semaphore_mem>>
      %dma_start3A_164 = arith.constant 0 : i32
      %dma_start3A_165 = tpu.memref_slice %arg9[%arg0, %add3A_35, %dma_start3A_164] : memref<2x10240x128xf32, #tpu.memory_space<hbm>> -> memref<1x128x128xf32, #tpu.memory_space<hbm>>
      %dma_start3A_166 = tpu.memref_squeeze %dma_start3A_165 : memref<1x128x128xf32, #tpu.memory_space<hbm>> -> memref<128x128xf32, #tpu.memory_space<hbm>>
      %dma_start3A_167 = arith.constant 0 : i32
      %dma_start3A_168 = tpu.memref_slice %arg9[%arg0, %add3A_35, %dma_start3A_167] : memref<2x10240x128xf32, #tpu.memory_space<hbm>> -> memref<1x128x128xf32, #tpu.memory_space<hbm>>
      %dma_start3A_169 = tpu.memref_squeeze %dma_start3A_168 : memref<1x128x128xf32, #tpu.memory_space<hbm>> -> memref<128x128xf32, #tpu.memory_space<hbm>>
      tpu.enqueue_dma source(%arg16 : memref<128x128xf32, #tpu.memory_space<vmem>>) target(%dma_start3A_169 : memref<128x128xf32, #tpu.memory_space<hbm>>) target_semaphore(%run_scoped3A : memref<!tpu.dma_semaphore, #tpu.memory_space<semaphore_mem>>)
      %dma_wait3A_170 = arith.constant 0 : i32
      %dma_wait3A_171 = tpu.memref_slice %arg9[%arg0, %add3A_35, %dma_wait3A_170] : memref<2x10240x128xf32, #tpu.memory_space<hbm>> -> memref<1x128x128xf32, #tpu.memory_space<hbm>>
      %dma_wait3A_172 = tpu.memref_squeeze %dma_wait3A_171 : memref<1x128x128xf32, #tpu.memory_space<hbm>> -> memref<128x128xf32, #tpu.memory_space<hbm>>
      %dma_wait3A_173 = arith.constant 0 : i32
      %dma_wait3A_174 = tpu.memref_slice %arg9[%arg0, %add3A_35, %dma_wait3A_173] : memref<2x10240x128xf32, #tpu.memory_space<hbm>> -> memref<1x128x128xf32, #tpu.memory_space<hbm>>
      %dma_wait3A_175 = tpu.memref_squeeze %dma_wait3A_174 : memref<1x128x128xf32, #tpu.memory_space<hbm>> -> memref<128x128xf32, #tpu.memory_space<hbm>>
      tpu.wait_dma2 semaphore(%run_scoped3A : memref<!tpu.dma_semaphore, #tpu.memory_space<semaphore_mem>>) src(%arg16 : memref<128x128xf32, #tpu.memory_space<vmem>>) dst(%dma_wait3A_175 : memref<128x128xf32, #tpu.memory_space<hbm>>)
      tpu.yield
    }) : () -> ()
    %mul3A_40 = arith.constant 640 : i32
    %mul3A_41 = arith.muli %arg1, %mul3A_40 : i32
    %add3A_42 = arith.constant 128 : i32
    %add3A_43 = arith.addi %mul3A_41, %add3A_42 : i32
    "tpu.region"() ({
      %run_scoped3A = tpu.sem_alloc : memref<!tpu.dma_semaphore, #tpu.memory_space<semaphore_mem>>
      %dma_start3A_164 = tpu.memref_slice %arg8[%add3A_43] : memref<10240xi32, #tpu.memory_space<hbm>> -> memref<128xi32, #tpu.memory_space<hbm>>
      %dma_start3A_165 = tpu.memref_slice %arg8[%add3A_43] : memref<10240xi32, #tpu.memory_space<hbm>> -> memref<128xi32, #tpu.memory_space<hbm>>
      tpu.enqueue_dma source(%dma_start3A_165 : memref<128xi32, #tpu.memory_space<hbm>>) target(%arg12 : memref<128xi32, #tpu.memory_space<vmem>>) target_semaphore(%run_scoped3A : memref<!tpu.dma_semaphore, #tpu.memory_space<semaphore_mem>>)
      %dma_wait3A_166 = tpu.memref_slice %arg8[%add3A_43] : memref<10240xi32, #tpu.memory_space<hbm>> -> memref<128xi32, #tpu.memory_space<hbm>>
      %dma_wait3A_167 = tpu.memref_slice %arg8[%add3A_43] : memref<10240xi32, #tpu.memory_space<hbm>> -> memref<128xi32, #tpu.memory_space<hbm>>
      tpu.wait_dma2 semaphore(%run_scoped3A : memref<!tpu.dma_semaphore, #tpu.memory_space<semaphore_mem>>) src(%dma_wait3A_167 : memref<128xi32, #tpu.memory_space<hbm>>) dst(%arg12 : memref<128xi32, #tpu.memory_space<vmem>>)
      tpu.yield
    }) : () -> ()
    %dma_start3A_44 = arith.constant 0 : i32
    %dma_start3A_45 = arith.constant 0 : i32
    %dma_start3A_46 = tpu.memref_slice %arg11[%dma_start3A_44, %dma_start3A_45] : memref<10240x128xf32, #tpu.memory_space<vmem_shared>> -> memref<10240x128xf32, #tpu.memory_space<vmem_shared>>
    tpu.enqueue_indirect_dma source(%dma_start3A_46 : memref<10240x128xf32, #tpu.memory_space<vmem_shared>>) target(%arg16 : memref<128x128xf32, #tpu.memory_space<vmem>>) offsets(%arg12 : memref<128xi32, #tpu.memory_space<vmem>>) semaphore(%arg18 : memref<!tpu.dma_semaphore, #tpu.memory_space<semaphore_mem>>)
    %dma_wait3A_47 = arith.constant 0 : i32
    %dma_wait3A_48 = arith.constant 0 : i32
    %dma_wait3A_49 = tpu.memref_slice %arg11[%dma_wait3A_47, %dma_wait3A_48] : memref<10240x128xf32, #tpu.memory_space<vmem_shared>> -> memref<10240x128xf32, #tpu.memory_space<vmem_shared>>
    tpu.wait_indirect_dma semaphore(%arg18 : memref<!tpu.dma_semaphore, #tpu.memory_space<semaphore_mem>>) src(%dma_wait3A_49 : memref<10240x128xf32, #tpu.memory_space<vmem_shared>>) dst(%arg16 : memref<128x128xf32, #tpu.memory_space<vmem>>)
    "tpu.region"() ({
      %run_scoped3A = tpu.sem_alloc : memref<!tpu.dma_semaphore, #tpu.memory_space<semaphore_mem>>
      %dma_start3A_164 = arith.constant 0 : i32
      %dma_start3A_165 = tpu.memref_slice %arg9[%arg0, %add3A_43, %dma_start3A_164] : memref<2x10240x128xf32, #tpu.memory_space<hbm>> -> memref<1x128x128xf32, #tpu.memory_space<hbm>>
      %dma_start3A_166 = tpu.memref_squeeze %dma_start3A_165 : memref<1x128x128xf32, #tpu.memory_space<hbm>> -> memref<128x128xf32, #tpu.memory_space<hbm>>
      %dma_start3A_167 = arith.constant 0 : i32
      %dma_start3A_168 = tpu.memref_slice %arg9[%arg0, %add3A_43, %dma_start3A_167] : memref<2x10240x128xf32, #tpu.memory_space<hbm>> -> memref<1x128x128xf32, #tpu.memory_space<hbm>>
      %dma_start3A_169 = tpu.memref_squeeze %dma_start3A_168 : memref<1x128x128xf32, #tpu.memory_space<hbm>> -> memref<128x128xf32, #tpu.memory_space<hbm>>
      tpu.enqueue_dma source(%arg16 : memref<128x128xf32, #tpu.memory_space<vmem>>) target(%dma_start3A_169 : memref<128x128xf32, #tpu.memory_space<hbm>>) target_semaphore(%run_scoped3A : memref<!tpu.dma_semaphore, #tpu.memory_space<semaphore_mem>>)
      %dma_wait3A_170 = arith.constant 0 : i32
      %dma_wait3A_171 = tpu.memref_slice %arg9[%arg0, %add3A_43, %dma_wait3A_170] : memref<2x10240x128xf32, #tpu.memory_space<hbm>> -> memref<1x128x128xf32, #tpu.memory_space<hbm>>
      %dma_wait3A_172 = tpu.memref_squeeze %dma_wait3A_171 : memref<1x128x128xf32, #tpu.memory_space<hbm>> -> memref<128x128xf32, #tpu.memory_space<hbm>>
      %dma_wait3A_173 = arith.constant 0 : i32
      %dma_wait3A_174 = tpu.memref_slice %arg9[%arg0, %add3A_43, %dma_wait3A_173] : memref<2x10240x128xf32, #tpu.memory_space<hbm>> -> memref<1x128x128xf32, #tpu.memory_space<hbm>>
      %dma_wait3A_175 = tpu.memref_squeeze %dma_wait3A_174 : memref<1x128x128xf32, #tpu.memory_space<hbm>> -> memref<128x128xf32, #tpu.memory_space<hbm>>
      tpu.wait_dma2 semaphore(%run_scoped3A : memref<!tpu.dma_semaphore, #tpu.memory_space<semaphore_mem>>) src(%arg16 : memref<128x128xf32, #tpu.memory_space<vmem>>) dst(%dma_wait3A_175 : memref<128x128xf32, #tpu.memory_space<hbm>>)
      tpu.yield
    }) : () -> ()
    %mul3A_50 = arith.constant 640 : i32
    %mul3A_51 = arith.muli %arg1, %mul3A_50 : i32
    %add3A_52 = arith.constant 256 : i32
    %add3A_53 = arith.addi %mul3A_51, %add3A_52 : i32
    "tpu.region"() ({
      %run_scoped3A = tpu.sem_alloc : memref<!tpu.dma_semaphore, #tpu.memory_space<semaphore_mem>>
      %dma_start3A_164 = tpu.memref_slice %arg8[%add3A_53] : memref<10240xi32, #tpu.memory_space<hbm>> -> memref<128xi32, #tpu.memory_space<hbm>>
      %dma_start3A_165 = tpu.memref_slice %arg8[%add3A_53] : memref<10240xi32, #tpu.memory_space<hbm>> -> memref<128xi32, #tpu.memory_space<hbm>>
      tpu.enqueue_dma source(%dma_start3A_165 : memref<128xi32, #tpu.memory_space<hbm>>) target(%arg12 : memref<128xi32, #tpu.memory_space<vmem>>) target_semaphore(%run_scoped3A : memref<!tpu.dma_semaphore, #tpu.memory_space<semaphore_mem>>)
      %dma_wait3A_166 = tpu.memref_slice %arg8[%add3A_53] : memref<10240xi32, #tpu.memory_space<hbm>> -> memref<128xi32, #tpu.memory_space<hbm>>
      %dma_wait3A_167 = tpu.memref_slice %arg8[%add3A_53] : memref<10240xi32, #tpu.memory_space<hbm>> -> memref<128xi32, #tpu.memory_space<hbm>>
      tpu.wait_dma2 semaphore(%run_scoped3A : memref<!tpu.dma_semaphore, #tpu.memory_space<semaphore_mem>>) src(%dma_wait3A_167 : memref<128xi32, #tpu.memory_space<hbm>>) dst(%arg12 : memref<128xi32, #tpu.memory_space<vmem>>)
      tpu.yield
    }) : () -> ()
    %dma_start3A_54 = arith.constant 0 : i32
    %dma_start3A_55 = arith.constant 0 : i32
    %dma_start3A_56 = tpu.memref_slice %arg11[%dma_start3A_54, %dma_start3A_55] : memref<10240x128xf32, #tpu.memory_space<vmem_shared>> -> memref<10240x128xf32, #tpu.memory_space<vmem_shared>>
    tpu.enqueue_indirect_dma source(%dma_start3A_56 : memref<10240x128xf32, #tpu.memory_space<vmem_shared>>) target(%arg16 : memref<128x128xf32, #tpu.memory_space<vmem>>) offsets(%arg12 : memref<128xi32, #tpu.memory_space<vmem>>) semaphore(%arg18 : memref<!tpu.dma_semaphore, #tpu.memory_space<semaphore_mem>>)
    %dma_wait3A_57 = arith.constant 0 : i32
    %dma_wait3A_58 = arith.constant 0 : i32
    %dma_wait3A_59 = tpu.memref_slice %arg11[%dma_wait3A_57, %dma_wait3A_58] : memref<10240x128xf32, #tpu.memory_space<vmem_shared>> -> memref<10240x128xf32, #tpu.memory_space<vmem_shared>>
    tpu.wait_indirect_dma semaphore(%arg18 : memref<!tpu.dma_semaphore, #tpu.memory_space<semaphore_mem>>) src(%dma_wait3A_59 : memref<10240x128xf32, #tpu.memory_space<vmem_shared>>) dst(%arg16 : memref<128x128xf32, #tpu.memory_space<vmem>>)
    "tpu.region"() ({
      %run_scoped3A = tpu.sem_alloc : memref<!tpu.dma_semaphore, #tpu.memory_space<semaphore_mem>>
      %dma_start3A_164 = arith.constant 0 : i32
      %dma_start3A_165 = tpu.memref_slice %arg9[%arg0, %add3A_53, %dma_start3A_164] : memref<2x10240x128xf32, #tpu.memory_space<hbm>> -> memref<1x128x128xf32, #tpu.memory_space<hbm>>
      %dma_start3A_166 = tpu.memref_squeeze %dma_start3A_165 : memref<1x128x128xf32, #tpu.memory_space<hbm>> -> memref<128x128xf32, #tpu.memory_space<hbm>>
      %dma_start3A_167 = arith.constant 0 : i32
      %dma_start3A_168 = tpu.memref_slice %arg9[%arg0, %add3A_53, %dma_start3A_167] : memref<2x10240x128xf32, #tpu.memory_space<hbm>> -> memref<1x128x128xf32, #tpu.memory_space<hbm>>
      %dma_start3A_169 = tpu.memref_squeeze %dma_start3A_168 : memref<1x128x128xf32, #tpu.memory_space<hbm>> -> memref<128x128xf32, #tpu.memory_space<hbm>>
      tpu.enqueue_dma source(%arg16 : memref<128x128xf32, #tpu.memory_space<vmem>>) target(%dma_start3A_169 : memref<128x128xf32, #tpu.memory_space<hbm>>) target_semaphore(%run_scoped3A : memref<!tpu.dma_semaphore, #tpu.memory_space<semaphore_mem>>)
      %dma_wait3A_170 = arith.constant 0 : i32
      %dma_wait3A_171 = tpu.memref_slice %arg9[%arg0, %add3A_53, %dma_wait3A_170] : memref<2x10240x128xf32, #tpu.memory_space<hbm>> -> memref<1x128x128xf32, #tpu.memory_space<hbm>>
      %dma_wait3A_172 = tpu.memref_squeeze %dma_wait3A_171 : memref<1x128x128xf32, #tpu.memory_space<hbm>> -> memref<128x128xf32, #tpu.memory_space<hbm>>
      %dma_wait3A_173 = arith.constant 0 : i32
      %dma_wait3A_174 = tpu.memref_slice %arg9[%arg0, %add3A_53, %dma_wait3A_173] : memref<2x10240x128xf32, #tpu.memory_space<hbm>> -> memref<1x128x128xf32, #tpu.memory_space<hbm>>
      %dma_wait3A_175 = tpu.memref_squeeze %dma_wait3A_174 : memref<1x128x128xf32, #tpu.memory_space<hbm>> -> memref<128x128xf32, #tpu.memory_space<hbm>>
      tpu.wait_dma2 semaphore(%run_scoped3A : memref<!tpu.dma_semaphore, #tpu.memory_space<semaphore_mem>>) src(%arg16 : memref<128x128xf32, #tpu.memory_space<vmem>>) dst(%dma_wait3A_175 : memref<128x128xf32, #tpu.memory_space<hbm>>)
      tpu.yield
    }) : () -> ()
    %mul3A_60 = arith.constant 640 : i32
    %mul3A_61 = arith.muli %arg1, %mul3A_60 : i32
    %add3A_62 = arith.constant 384 : i32
    %add3A_63 = arith.addi %mul3A_61, %add3A_62 : i32
    "tpu.region"() ({
      %run_scoped3A = tpu.sem_alloc : memref<!tpu.dma_semaphore, #tpu.memory_space<semaphore_mem>>
      %dma_start3A_164 = tpu.memref_slice %arg8[%add3A_63] : memref<10240xi32, #tpu.memory_space<hbm>> -> memref<128xi32, #tpu.memory_space<hbm>>
      %dma_start3A_165 = tpu.memref_slice %arg8[%add3A_63] : memref<10240xi32, #tpu.memory_space<hbm>> -> memref<128xi32, #tpu.memory_space<hbm>>
      tpu.enqueue_dma source(%dma_start3A_165 : memref<128xi32, #tpu.memory_space<hbm>>) target(%arg12 : memref<128xi32, #tpu.memory_space<vmem>>) target_semaphore(%run_scoped3A : memref<!tpu.dma_semaphore, #tpu.memory_space<semaphore_mem>>)
      %dma_wait3A_166 = tpu.memref_slice %arg8[%add3A_63] : memref<10240xi32, #tpu.memory_space<hbm>> -> memref<128xi32, #tpu.memory_space<hbm>>
      %dma_wait3A_167 = tpu.memref_slice %arg8[%add3A_63] : memref<10240xi32, #tpu.memory_space<hbm>> -> memref<128xi32, #tpu.memory_space<hbm>>
      tpu.wait_dma2 semaphore(%run_scoped3A : memref<!tpu.dma_semaphore, #tpu.memory_space<semaphore_mem>>) src(%dma_wait3A_167 : memref<128xi32, #tpu.memory_space<hbm>>) dst(%arg12 : memref<128xi32, #tpu.memory_space<vmem>>)
      tpu.yield
    }) : () -> ()
    %dma_start3A_64 = arith.constant 0 : i32
    %dma_start3A_65 = arith.constant 0 : i32
    %dma_start3A_66 = tpu.memref_slice %arg11[%dma_start3A_64, %dma_start3A_65] : memref<10240x128xf32, #tpu.memory_space<vmem_shared>> -> memref<10240x128xf32, #tpu.memory_space<vmem_shared>>
    tpu.enqueue_indirect_dma source(%dma_start3A_66 : memref<10240x128xf32, #tpu.memory_space<vmem_shared>>) target(%arg16 : memref<128x128xf32, #tpu.memory_space<vmem>>) offsets(%arg12 : memref<128xi32, #tpu.memory_space<vmem>>) semaphore(%arg18 : memref<!tpu.dma_semaphore, #tpu.memory_space<semaphore_mem>>)
    %dma_wait3A_67 = arith.constant 0 : i32
    %dma_wait3A_68 = arith.constant 0 : i32
    %dma_wait3A_69 = tpu.memref_slice %arg11[%dma_wait3A_67, %dma_wait3A_68] : memref<10240x128xf32, #tpu.memory_space<vmem_shared>> -> memref<10240x128xf32, #tpu.memory_space<vmem_shared>>
    tpu.wait_indirect_dma semaphore(%arg18 : memref<!tpu.dma_semaphore, #tpu.memory_space<semaphore_mem>>) src(%dma_wait3A_69 : memref<10240x128xf32, #tpu.memory_space<vmem_shared>>) dst(%arg16 : memref<128x128xf32, #tpu.memory_space<vmem>>)
    "tpu.region"() ({
      %run_scoped3A = tpu.sem_alloc : memref<!tpu.dma_semaphore, #tpu.memory_space<semaphore_mem>>
      %dma_start3A_164 = arith.constant 0 : i32
      %dma_start3A_165 = tpu.memref_slice %arg9[%arg0, %add3A_63, %dma_start3A_164] : memref<2x10240x128xf32, #tpu.memory_space<hbm>> -> memref<1x128x128xf32, #tpu.memory_space<hbm>>
      %dma_start3A_166 = tpu.memref_squeeze %dma_start3A_165 : memref<1x128x128xf32, #tpu.memory_space<hbm>> -> memref<128x128xf32, #tpu.memory_space<hbm>>
      %dma_start3A_167 = arith.constant 0 : i32
      %dma_start3A_168 = tpu.memref_slice %arg9[%arg0, %add3A_63, %dma_start3A_167] : memref<2x10240x128xf32, #tpu.memory_space<hbm>> -> memref<1x128x128xf32, #tpu.memory_space<hbm>>
      %dma_start3A_169 = tpu.memref_squeeze %dma_start3A_168 : memref<1x128x128xf32, #tpu.memory_space<hbm>> -> memref<128x128xf32, #tpu.memory_space<hbm>>
      tpu.enqueue_dma source(%arg16 : memref<128x128xf32, #tpu.memory_space<vmem>>) target(%dma_start3A_169 : memref<128x128xf32, #tpu.memory_space<hbm>>) target_semaphore(%run_scoped3A : memref<!tpu.dma_semaphore, #tpu.memory_space<semaphore_mem>>)
      %dma_wait3A_170 = arith.constant 0 : i32
      %dma_wait3A_171 = tpu.memref_slice %arg9[%arg0, %add3A_63, %dma_wait3A_170] : memref<2x10240x128xf32, #tpu.memory_space<hbm>> -> memref<1x128x128xf32, #tpu.memory_space<hbm>>
      %dma_wait3A_172 = tpu.memref_squeeze %dma_wait3A_171 : memref<1x128x128xf32, #tpu.memory_space<hbm>> -> memref<128x128xf32, #tpu.memory_space<hbm>>
      %dma_wait3A_173 = arith.constant 0 : i32
      %dma_wait3A_174 = tpu.memref_slice %arg9[%arg0, %add3A_63, %dma_wait3A_173] : memref<2x10240x128xf32, #tpu.memory_space<hbm>> -> memref<1x128x128xf32, #tpu.memory_space<hbm>>
      %dma_wait3A_175 = tpu.memref_squeeze %dma_wait3A_174 : memref<1x128x128xf32, #tpu.memory_space<hbm>> -> memref<128x128xf32, #tpu.memory_space<hbm>>
      tpu.wait_dma2 semaphore(%run_scoped3A : memref<!tpu.dma_semaphore, #tpu.memory_space<semaphore_mem>>) src(%arg16 : memref<128x128xf32, #tpu.memory_space<vmem>>) dst(%dma_wait3A_175 : memref<128x128xf32, #tpu.memory_space<hbm>>)
      tpu.yield
    }) : () -> ()
    %mul3A_70 = arith.constant 640 : i32
    %mul3A_71 = arith.muli %arg1, %mul3A_70 : i32
    %add3A_72 = arith.constant 512 : i32
    %add3A_73 = arith.addi %mul3A_71, %add3A_72 : i32
    "tpu.region"() ({
      %run_scoped3A = tpu.sem_alloc : memref<!tpu.dma_semaphore, #tpu.memory_space<semaphore_mem>>
      %dma_start3A_164 = tpu.memref_slice %arg8[%add3A_73] : memref<10240xi32, #tpu.memory_space<hbm>> -> memref<128xi32, #tpu.memory_space<hbm>>
      %dma_start3A_165 = tpu.memref_slice %arg8[%add3A_73] : memref<10240xi32, #tpu.memory_space<hbm>> -> memref<128xi32, #tpu.memory_space<hbm>>
      tpu.enqueue_dma source(%dma_start3A_165 : memref<128xi32, #tpu.memory_space<hbm>>) target(%arg12 : memref<128xi32, #tpu.memory_space<vmem>>) target_semaphore(%run_scoped3A : memref<!tpu.dma_semaphore, #tpu.memory_space<semaphore_mem>>)
      %dma_wait3A_166 = tpu.memref_slice %arg8[%add3A_73] : memref<10240xi32, #tpu.memory_space<hbm>> -> memref<128xi32, #tpu.memory_space<hbm>>
      %dma_wait3A_167 = tpu.memref_slice %arg8[%add3A_73] : memref<10240xi32, #tpu.memory_space<hbm>> -> memref<128xi32, #tpu.memory_space<hbm>>
      tpu.wait_dma2 semaphore(%run_scoped3A : memref<!tpu.dma_semaphore, #tpu.memory_space<semaphore_mem>>) src(%dma_wait3A_167 : memref<128xi32, #tpu.memory_space<hbm>>) dst(%arg12 : memref<128xi32, #tpu.memory_space<vmem>>)
      tpu.yield
    }) : () -> ()
    %dma_start3A_74 = arith.constant 0 : i32
    %dma_start3A_75 = arith.constant 0 : i32
    %dma_start3A_76 = tpu.memref_slice %arg11[%dma_start3A_74, %dma_start3A_75] : memref<10240x128xf32, #tpu.memory_space<vmem_shared>> -> memref<10240x128xf32, #tpu.memory_space<vmem_shared>>
    tpu.enqueue_indirect_dma source(%dma_start3A_76 : memref<10240x128xf32, #tpu.memory_space<vmem_shared>>) target(%arg16 : memref<128x128xf32, #tpu.memory_space<vmem>>) offsets(%arg12 : memref<128xi32, #tpu.memory_space<vmem>>) semaphore(%arg18 : memref<!tpu.dma_semaphore, #tpu.memory_space<semaphore_mem>>)
    %dma_wait3A_77 = arith.constant 0 : i32
    %dma_wait3A_78 = arith.constant 0 : i32
    %dma_wait3A_79 = tpu.memref_slice %arg11[%dma_wait3A_77, %dma_wait3A_78] : memref<10240x128xf32, #tpu.memory_space<vmem_shared>> -> memref<10240x128xf32, #tpu.memory_space<vmem_shared>>
    tpu.wait_indirect_dma semaphore(%arg18 : memref<!tpu.dma_semaphore, #tpu.memory_space<semaphore_mem>>) src(%dma_wait3A_79 : memref<10240x128xf32, #tpu.memory_space<vmem_shared>>) dst(%arg16 : memref<128x128xf32, #tpu.memory_space<vmem>>)
    "tpu.region"() ({
      %run_scoped3A = tpu.sem_alloc : memref<!tpu.dma_semaphore, #tpu.memory_space<semaphore_mem>>
      %dma_start3A_164 = arith.constant 0 : i32
      %dma_start3A_165 = tpu.memref_slice %arg9[%arg0, %add3A_73, %dma_start3A_164] : memref<2x10240x128xf32, #tpu.memory_space<hbm>> -> memref<1x128x128xf32, #tpu.memory_space<hbm>>
      %dma_start3A_166 = tpu.memref_squeeze %dma_start3A_165 : memref<1x128x128xf32, #tpu.memory_space<hbm>> -> memref<128x128xf32, #tpu.memory_space<hbm>>
      %dma_start3A_167 = arith.constant 0 : i32
      %dma_start3A_168 = tpu.memref_slice %arg9[%arg0, %add3A_73, %dma_start3A_167] : memref<2x10240x128xf32, #tpu.memory_space<hbm>> -> memref<1x128x128xf32, #tpu.memory_space<hbm>>
      %dma_start3A_169 = tpu.memref_squeeze %dma_start3A_168 : memref<1x128x128xf32, #tpu.memory_space<hbm>> -> memref<128x128xf32, #tpu.memory_space<hbm>>
      tpu.enqueue_dma source(%arg16 : memref<128x128xf32, #tpu.memory_space<vmem>>) target(%dma_start3A_169 : memref<128x128xf32, #tpu.memory_space<hbm>>) target_semaphore(%run_scoped3A : memref<!tpu.dma_semaphore, #tpu.memory_space<semaphore_mem>>)
      %dma_wait3A_170 = arith.constant 0 : i32
      %dma_wait3A_171 = tpu.memref_slice %arg9[%arg0, %add3A_73, %dma_wait3A_170] : memref<2x10240x128xf32, #tpu.memory_space<hbm>> -> memref<1x128x128xf32, #tpu.memory_space<hbm>>
      %dma_wait3A_172 = tpu.memref_squeeze %dma_wait3A_171 : memref<1x128x128xf32, #tpu.memory_space<hbm>> -> memref<128x128xf32, #tpu.memory_space<hbm>>
      %dma_wait3A_173 = arith.constant 0 : i32
      %dma_wait3A_174 = tpu.memref_slice %arg9[%arg0, %add3A_73, %dma_wait3A_173] : memref<2x10240x128xf32, #tpu.memory_space<hbm>> -> memref<1x128x128xf32, #tpu.memory_space<hbm>>
      %dma_wait3A_175 = tpu.memref_squeeze %dma_wait3A_174 : memref<1x128x128xf32, #tpu.memory_space<hbm>> -> memref<128x128xf32, #tpu.memory_space<hbm>>
      tpu.wait_dma2 semaphore(%run_scoped3A : memref<!tpu.dma_semaphore, #tpu.memory_space<semaphore_mem>>) src(%arg16 : memref<128x128xf32, #tpu.memory_space<vmem>>) dst(%dma_wait3A_175 : memref<128x128xf32, #tpu.memory_space<hbm>>)
      tpu.yield
    }) : () -> ()
    "tpu.region"() ({
      %run_scoped3A = tpu.sem_alloc : memref<!tpu.dma_semaphore, #tpu.memory_space<semaphore_mem>>
      tpu.enqueue_dma source(%arg6 : memref<128x128xf32, #tpu.memory_space<hbm>>) target(%arg16 : memref<128x128xf32, #tpu.memory_space<vmem>>) target_semaphore(%run_scoped3A : memref<!tpu.dma_semaphore, #tpu.memory_space<semaphore_mem>>)
      tpu.wait_dma2 semaphore(%run_scoped3A : memref<!tpu.dma_semaphore, #tpu.memory_space<semaphore_mem>>) src(%arg6 : memref<128x128xf32, #tpu.memory_space<hbm>>) dst(%arg16 : memref<128x128xf32, #tpu.memory_space<vmem>>)
      tpu.yield
    }) : () -> ()
    %mul3A_80 = arith.constant 640 : i32
    %mul3A_81 = arith.muli %arg1, %mul3A_80 : i32
    %add3A_82 = arith.constant 0 : i32
    %add3A_83 = arith.addi %mul3A_81, %add3A_82 : i32
    "tpu.region"() ({
      %run_scoped3A = tpu.sem_alloc : memref<!tpu.dma_semaphore, #tpu.memory_space<semaphore_mem>>
      %dma_start3A_164 = tpu.memref_slice %arg8[%add3A_83] : memref<10240xi32, #tpu.memory_space<hbm>> -> memref<128xi32, #tpu.memory_space<hbm>>
      %dma_start3A_165 = tpu.memref_slice %arg8[%add3A_83] : memref<10240xi32, #tpu.memory_space<hbm>> -> memref<128xi32, #tpu.memory_space<hbm>>
      tpu.enqueue_dma source(%dma_start3A_165 : memref<128xi32, #tpu.memory_space<hbm>>) target(%arg12 : memref<128xi32, #tpu.memory_space<vmem>>) target_semaphore(%run_scoped3A : memref<!tpu.dma_semaphore, #tpu.memory_space<semaphore_mem>>)
      %dma_wait3A_166 = tpu.memref_slice %arg8[%add3A_83] : memref<10240xi32, #tpu.memory_space<hbm>> -> memref<128xi32, #tpu.memory_space<hbm>>
      %dma_wait3A_167 = tpu.memref_slice %arg8[%add3A_83] : memref<10240xi32, #tpu.memory_space<hbm>> -> memref<128xi32, #tpu.memory_space<hbm>>
      tpu.wait_dma2 semaphore(%run_scoped3A : memref<!tpu.dma_semaphore, #tpu.memory_space<semaphore_mem>>) src(%dma_wait3A_167 : memref<128xi32, #tpu.memory_space<hbm>>) dst(%arg12 : memref<128xi32, #tpu.memory_space<vmem>>)
      tpu.yield
    }) : () -> ()
    "tpu.region"() ({
      %run_scoped3A = tpu.sem_alloc : memref<!tpu.dma_semaphore, #tpu.memory_space<semaphore_mem>>
      %dma_start3A_164 = arith.constant 0 : i32
      %dma_start3A_165 = arith.constant 0 : i32
      %dma_start3A_166 = tpu.memref_slice %arg11[%dma_start3A_164, %dma_start3A_165] : memref<10240x128xf32, #tpu.memory_space<vmem_shared>> -> memref<10240x128xf32, #tpu.memory_space<vmem_shared>>
      tpu.enqueue_indirect_dma source(%arg16 : memref<128x128xf32, #tpu.memory_space<vmem>>) target(%dma_start3A_166 : memref<10240x128xf32, #tpu.memory_space<vmem_shared>>) offsets(%arg12 : memref<128xi32, #tpu.memory_space<vmem>>) semaphore(%run_scoped3A : memref<!tpu.dma_semaphore, #tpu.memory_space<semaphore_mem>>)
      %dma_wait3A_167 = arith.constant 0 : i32
      %dma_wait3A_168 = arith.constant 0 : i32
      %dma_wait3A_169 = tpu.memref_slice %arg11[%dma_wait3A_167, %dma_wait3A_168] : memref<10240x128xf32, #tpu.memory_space<vmem_shared>> -> memref<10240x128xf32, #tpu.memory_space<vmem_shared>>
      tpu.wait_indirect_dma semaphore(%run_scoped3A : memref<!tpu.dma_semaphore, #tpu.memory_space<semaphore_mem>>) src(%arg16 : memref<128x128xf32, #tpu.memory_space<vmem>>) dst(%dma_wait3A_169 : memref<10240x128xf32, #tpu.memory_space<vmem_shared>>)
      tpu.yield
    }) : () -> ()
    %mul3A_84 = arith.constant 640 : i32
    %mul3A_85 = arith.muli %arg1, %mul3A_84 : i32
    %add3A_86 = arith.constant 128 : i32
    %add3A_87 = arith.addi %mul3A_85, %add3A_86 : i32
    "tpu.region"() ({
      %run_scoped3A = tpu.sem_alloc : memref<!tpu.dma_semaphore, #tpu.memory_space<semaphore_mem>>
      %dma_start3A_164 = tpu.memref_slice %arg8[%add3A_87] : memref<10240xi32, #tpu.memory_space<hbm>> -> memref<128xi32, #tpu.memory_space<hbm>>
      %dma_start3A_165 = tpu.memref_slice %arg8[%add3A_87] : memref<10240xi32, #tpu.memory_space<hbm>> -> memref<128xi32, #tpu.memory_space<hbm>>
      tpu.enqueue_dma source(%dma_start3A_165 : memref<128xi32, #tpu.memory_space<hbm>>) target(%arg12 : memref<128xi32, #tpu.memory_space<vmem>>) target_semaphore(%run_scoped3A : memref<!tpu.dma_semaphore, #tpu.memory_space<semaphore_mem>>)
      %dma_wait3A_166 = tpu.memref_slice %arg8[%add3A_87] : memref<10240xi32, #tpu.memory_space<hbm>> -> memref<128xi32, #tpu.memory_space<hbm>>
      %dma_wait3A_167 = tpu.memref_slice %arg8[%add3A_87] : memref<10240xi32, #tpu.memory_space<hbm>> -> memref<128xi32, #tpu.memory_space<hbm>>
      tpu.wait_dma2 semaphore(%run_scoped3A : memref<!tpu.dma_semaphore, #tpu.memory_space<semaphore_mem>>) src(%dma_wait3A_167 : memref<128xi32, #tpu.memory_space<hbm>>) dst(%arg12 : memref<128xi32, #tpu.memory_space<vmem>>)
      tpu.yield
    }) : () -> ()
    "tpu.region"() ({
      %run_scoped3A = tpu.sem_alloc : memref<!tpu.dma_semaphore, #tpu.memory_space<semaphore_mem>>
      %dma_start3A_164 = arith.constant 0 : i32
      %dma_start3A_165 = arith.constant 0 : i32
      %dma_start3A_166 = tpu.memref_slice %arg11[%dma_start3A_164, %dma_start3A_165] : memref<10240x128xf32, #tpu.memory_space<vmem_shared>> -> memref<10240x128xf32, #tpu.memory_space<vmem_shared>>
      tpu.enqueue_indirect_dma source(%arg16 : memref<128x128xf32, #tpu.memory_space<vmem>>) target(%dma_start3A_166 : memref<10240x128xf32, #tpu.memory_space<vmem_shared>>) offsets(%arg12 : memref<128xi32, #tpu.memory_space<vmem>>) semaphore(%run_scoped3A : memref<!tpu.dma_semaphore, #tpu.memory_space<semaphore_mem>>)
      %dma_wait3A_167 = arith.constant 0 : i32
      %dma_wait3A_168 = arith.constant 0 : i32
      %dma_wait3A_169 = tpu.memref_slice %arg11[%dma_wait3A_167, %dma_wait3A_168] : memref<10240x128xf32, #tpu.memory_space<vmem_shared>> -> memref<10240x128xf32, #tpu.memory_space<vmem_shared>>
      tpu.wait_indirect_dma semaphore(%run_scoped3A : memref<!tpu.dma_semaphore, #tpu.memory_space<semaphore_mem>>) src(%arg16 : memref<128x128xf32, #tpu.memory_space<vmem>>) dst(%dma_wait3A_169 : memref<10240x128xf32, #tpu.memory_space<vmem_shared>>)
      tpu.yield
    }) : () -> ()
    %mul3A_88 = arith.constant 640 : i32
    %mul3A_89 = arith.muli %arg1, %mul3A_88 : i32
    %add3A_90 = arith.constant 256 : i32
    %add3A_91 = arith.addi %mul3A_89, %add3A_90 : i32
    "tpu.region"() ({
      %run_scoped3A = tpu.sem_alloc : memref<!tpu.dma_semaphore, #tpu.memory_space<semaphore_mem>>
      %dma_start3A_164 = tpu.memref_slice %arg8[%add3A_91] : memref<10240xi32, #tpu.memory_space<hbm>> -> memref<128xi32, #tpu.memory_space<hbm>>
      %dma_start3A_165 = tpu.memref_slice %arg8[%add3A_91] : memref<10240xi32, #tpu.memory_space<hbm>> -> memref<128xi32, #tpu.memory_space<hbm>>
      tpu.enqueue_dma source(%dma_start3A_165 : memref<128xi32, #tpu.memory_space<hbm>>) target(%arg12 : memref<128xi32, #tpu.memory_space<vmem>>) target_semaphore(%run_scoped3A : memref<!tpu.dma_semaphore, #tpu.memory_space<semaphore_mem>>)
      %dma_wait3A_166 = tpu.memref_slice %arg8[%add3A_91] : memref<10240xi32, #tpu.memory_space<hbm>> -> memref<128xi32, #tpu.memory_space<hbm>>
      %dma_wait3A_167 = tpu.memref_slice %arg8[%add3A_91] : memref<10240xi32, #tpu.memory_space<hbm>> -> memref<128xi32, #tpu.memory_space<hbm>>
      tpu.wait_dma2 semaphore(%run_scoped3A : memref<!tpu.dma_semaphore, #tpu.memory_space<semaphore_mem>>) src(%dma_wait3A_167 : memref<128xi32, #tpu.memory_space<hbm>>) dst(%arg12 : memref<128xi32, #tpu.memory_space<vmem>>)
      tpu.yield
    }) : () -> ()
    "tpu.region"() ({
      %run_scoped3A = tpu.sem_alloc : memref<!tpu.dma_semaphore, #tpu.memory_space<semaphore_mem>>
      %dma_start3A_164 = arith.constant 0 : i32
      %dma_start3A_165 = arith.constant 0 : i32
      %dma_start3A_166 = tpu.memref_slice %arg11[%dma_start3A_164, %dma_start3A_165] : memref<10240x128xf32, #tpu.memory_space<vmem_shared>> -> memref<10240x128xf32, #tpu.memory_space<vmem_shared>>
      tpu.enqueue_indirect_dma source(%arg16 : memref<128x128xf32, #tpu.memory_space<vmem>>) target(%dma_start3A_166 : memref<10240x128xf32, #tpu.memory_space<vmem_shared>>) offsets(%arg12 : memref<128xi32, #tpu.memory_space<vmem>>) semaphore(%run_scoped3A : memref<!tpu.dma_semaphore, #tpu.memory_space<semaphore_mem>>)
      %dma_wait3A_167 = arith.constant 0 : i32
      %dma_wait3A_168 = arith.constant 0 : i32
      %dma_wait3A_169 = tpu.memref_slice %arg11[%dma_wait3A_167, %dma_wait3A_168] : memref<10240x128xf32, #tpu.memory_space<vmem_shared>> -> memref<10240x128xf32, #tpu.memory_space<vmem_shared>>
      tpu.wait_indirect_dma semaphore(%run_scoped3A : memref<!tpu.dma_semaphore, #tpu.memory_space<semaphore_mem>>) src(%arg16 : memref<128x128xf32, #tpu.memory_space<vmem>>) dst(%dma_wait3A_169 : memref<10240x128xf32, #tpu.memory_space<vmem_shared>>)
      tpu.yield
    }) : () -> ()
    %mul3A_92 = arith.constant 640 : i32
    %mul3A_93 = arith.muli %arg1, %mul3A_92 : i32
    %add3A_94 = arith.constant 384 : i32
    %add3A_95 = arith.addi %mul3A_93, %add3A_94 : i32
    "tpu.region"() ({
      %run_scoped3A = tpu.sem_alloc : memref<!tpu.dma_semaphore, #tpu.memory_space<semaphore_mem>>
      %dma_start3A_164 = tpu.memref_slice %arg8[%add3A_95] : memref<10240xi32, #tpu.memory_space<hbm>> -> memref<128xi32, #tpu.memory_space<hbm>>
      %dma_start3A_165 = tpu.memref_slice %arg8[%add3A_95] : memref<10240xi32, #tpu.memory_space<hbm>> -> memref<128xi32, #tpu.memory_space<hbm>>
      tpu.enqueue_dma source(%dma_start3A_165 : memref<128xi32, #tpu.memory_space<hbm>>) target(%arg12 : memref<128xi32, #tpu.memory_space<vmem>>) target_semaphore(%run_scoped3A : memref<!tpu.dma_semaphore, #tpu.memory_space<semaphore_mem>>)
      %dma_wait3A_166 = tpu.memref_slice %arg8[%add3A_95] : memref<10240xi32, #tpu.memory_space<hbm>> -> memref<128xi32, #tpu.memory_space<hbm>>
      %dma_wait3A_167 = tpu.memref_slice %arg8[%add3A_95] : memref<10240xi32, #tpu.memory_space<hbm>> -> memref<128xi32, #tpu.memory_space<hbm>>
      tpu.wait_dma2 semaphore(%run_scoped3A : memref<!tpu.dma_semaphore, #tpu.memory_space<semaphore_mem>>) src(%dma_wait3A_167 : memref<128xi32, #tpu.memory_space<hbm>>) dst(%arg12 : memref<128xi32, #tpu.memory_space<vmem>>)
      tpu.yield
    }) : () -> ()
    "tpu.region"() ({
      %run_scoped3A = tpu.sem_alloc : memref<!tpu.dma_semaphore, #tpu.memory_space<semaphore_mem>>
      %dma_start3A_164 = arith.constant 0 : i32
      %dma_start3A_165 = arith.constant 0 : i32
      %dma_start3A_166 = tpu.memref_slice %arg11[%dma_start3A_164, %dma_start3A_165] : memref<10240x128xf32, #tpu.memory_space<vmem_shared>> -> memref<10240x128xf32, #tpu.memory_space<vmem_shared>>
      tpu.enqueue_indirect_dma source(%arg16 : memref<128x128xf32, #tpu.memory_space<vmem>>) target(%dma_start3A_166 : memref<10240x128xf32, #tpu.memory_space<vmem_shared>>) offsets(%arg12 : memref<128xi32, #tpu.memory_space<vmem>>) semaphore(%run_scoped3A : memref<!tpu.dma_semaphore, #tpu.memory_space<semaphore_mem>>)
      %dma_wait3A_167 = arith.constant 0 : i32
      %dma_wait3A_168 = arith.constant 0 : i32
      %dma_wait3A_169 = tpu.memref_slice %arg11[%dma_wait3A_167, %dma_wait3A_168] : memref<10240x128xf32, #tpu.memory_space<vmem_shared>> -> memref<10240x128xf32, #tpu.memory_space<vmem_shared>>
      tpu.wait_indirect_dma semaphore(%run_scoped3A : memref<!tpu.dma_semaphore, #tpu.memory_space<semaphore_mem>>) src(%arg16 : memref<128x128xf32, #tpu.memory_space<vmem>>) dst(%dma_wait3A_169 : memref<10240x128xf32, #tpu.memory_space<vmem_shared>>)
      tpu.yield
    }) : () -> ()
    %mul3A_96 = arith.constant 640 : i32
    %mul3A_97 = arith.muli %arg1, %mul3A_96 : i32
    %add3A_98 = arith.constant 512 : i32
    %add3A_99 = arith.addi %mul3A_97, %add3A_98 : i32
    "tpu.region"() ({
      %run_scoped3A = tpu.sem_alloc : memref<!tpu.dma_semaphore, #tpu.memory_space<semaphore_mem>>
      %dma_start3A_164 = tpu.memref_slice %arg8[%add3A_99] : memref<10240xi32, #tpu.memory_space<hbm>> -> memref<128xi32, #tpu.memory_space<hbm>>
      %dma_start3A_165 = tpu.memref_slice %arg8[%add3A_99] : memref<10240xi32, #tpu.memory_space<hbm>> -> memref<128xi32, #tpu.memory_space<hbm>>
      tpu.enqueue_dma source(%dma_start3A_165 : memref<128xi32, #tpu.memory_space<hbm>>) target(%arg12 : memref<128xi32, #tpu.memory_space<vmem>>) target_semaphore(%run_scoped3A : memref<!tpu.dma_semaphore, #tpu.memory_space<semaphore_mem>>)
      %dma_wait3A_166 = tpu.memref_slice %arg8[%add3A_99] : memref<10240xi32, #tpu.memory_space<hbm>> -> memref<128xi32, #tpu.memory_space<hbm>>
      %dma_wait3A_167 = tpu.memref_slice %arg8[%add3A_99] : memref<10240xi32, #tpu.memory_space<hbm>> -> memref<128xi32, #tpu.memory_space<hbm>>
      tpu.wait_dma2 semaphore(%run_scoped3A : memref<!tpu.dma_semaphore, #tpu.memory_space<semaphore_mem>>) src(%dma_wait3A_167 : memref<128xi32, #tpu.memory_space<hbm>>) dst(%arg12 : memref<128xi32, #tpu.memory_space<vmem>>)
      tpu.yield
    }) : () -> ()
    "tpu.region"() ({
      %run_scoped3A = tpu.sem_alloc : memref<!tpu.dma_semaphore, #tpu.memory_space<semaphore_mem>>
      %dma_start3A_164 = arith.constant 0 : i32
      %dma_start3A_165 = arith.constant 0 : i32
      %dma_start3A_166 = tpu.memref_slice %arg11[%dma_start3A_164, %dma_start3A_165] : memref<10240x128xf32, #tpu.memory_space<vmem_shared>> -> memref<10240x128xf32, #tpu.memory_space<vmem_shared>>
      tpu.enqueue_indirect_dma source(%arg16 : memref<128x128xf32, #tpu.memory_space<vmem>>) target(%dma_start3A_166 : memref<10240x128xf32, #tpu.memory_space<vmem_shared>>) offsets(%arg12 : memref<128xi32, #tpu.memory_space<vmem>>) semaphore(%run_scoped3A : memref<!tpu.dma_semaphore, #tpu.memory_space<semaphore_mem>>)
      %dma_wait3A_167 = arith.constant 0 : i32
      %dma_wait3A_168 = arith.constant 0 : i32
      %dma_wait3A_169 = tpu.memref_slice %arg11[%dma_wait3A_167, %dma_wait3A_168] : memref<10240x128xf32, #tpu.memory_space<vmem_shared>> -> memref<10240x128xf32, #tpu.memory_space<vmem_shared>>
      tpu.wait_indirect_dma semaphore(%run_scoped3A : memref<!tpu.dma_semaphore, #tpu.memory_space<semaphore_mem>>) src(%arg16 : memref<128x128xf32, #tpu.memory_space<vmem>>) dst(%dma_wait3A_169 : memref<10240x128xf32, #tpu.memory_space<vmem_shared>>)
      tpu.yield
    }) : () -> ()
    "tpu.region"() ({
      %run_scoped3A = tpu.sem_alloc : memref<!tpu.dma_semaphore, #tpu.memory_space<semaphore_mem>>
      tpu.enqueue_dma source(%arg7 : memref<128x128xf32, #tpu.memory_space<hbm>>) target(%arg16 : memref<128x128xf32, #tpu.memory_space<vmem>>) target_semaphore(%run_scoped3A : memref<!tpu.dma_semaphore, #tpu.memory_space<semaphore_mem>>)
      tpu.wait_dma2 semaphore(%run_scoped3A : memref<!tpu.dma_semaphore, #tpu.memory_space<semaphore_mem>>) src(%arg7 : memref<128x128xf32, #tpu.memory_space<hbm>>) dst(%arg16 : memref<128x128xf32, #tpu.memory_space<vmem>>)
      tpu.yield
    }) : () -> ()
    %barrier3A_100 = arith.constant 0 : index
    tpu.barrier barrier_id(%barrier3A_100)
    %scan3A_101 = arith.constant 0 : i32
    %scan3A_102 = arith.constant 0 : i32
    %scan3A_103 = arith.constant 39 : i32
    %scan3A_104 = arith.addi %scan3A_102, %scan3A_103 : i32
    %scan3A_105 = arith.constant 1 : i32
    %scan3A_106 = scf.for %scan3A_164 = %scan3A_102 to %scan3A_104 step %scan3A_105 iter_args(%scan3A_165 = %scan3A_101) -> (i32)  : i32 {
      %add3A_166 = arith.addi %mul3A_2, %scan3A_164 : i32
      %mul3A_167 = arith.constant 128 : i32
      %mul3A_168 = arith.muli %add3A_166, %mul3A_167 : i32
      "tpu.region"() ({
        %run_scoped3A = tpu.sem_alloc : memref<!tpu.dma_semaphore, #tpu.memory_space<semaphore_mem>>
        %dma_start3A_170 = tpu.memref_slice %arg4[%mul3A_168] : memref<160000xi32, #tpu.memory_space<hbm>> -> memref<128xi32, #tpu.memory_space<hbm>>
        %dma_start3A_171 = tpu.memref_slice %arg4[%mul3A_168] : memref<160000xi32, #tpu.memory_space<hbm>> -> memref<128xi32, #tpu.memory_space<hbm>>
        tpu.enqueue_dma source(%dma_start3A_171 : memref<128xi32, #tpu.memory_space<hbm>>) target(%arg12 : memref<128xi32, #tpu.memory_space<vmem>>) target_semaphore(%run_scoped3A : memref<!tpu.dma_semaphore, #tpu.memory_space<semaphore_mem>>)
        %dma_wait3A_172 = tpu.memref_slice %arg4[%mul3A_168] : memref<160000xi32, #tpu.memory_space<hbm>> -> memref<128xi32, #tpu.memory_space<hbm>>
        %dma_wait3A_173 = tpu.memref_slice %arg4[%mul3A_168] : memref<160000xi32, #tpu.memory_space<hbm>> -> memref<128xi32, #tpu.memory_space<hbm>>
        tpu.wait_dma2 semaphore(%run_scoped3A : memref<!tpu.dma_semaphore, #tpu.memory_space<semaphore_mem>>) src(%dma_wait3A_173 : memref<128xi32, #tpu.memory_space<hbm>>) dst(%arg12 : memref<128xi32, #tpu.memory_space<vmem>>)
        tpu.yield
      }) : () -> ()
      "tpu.region"() ({
        %run_scoped3A = tpu.sem_alloc : memref<!tpu.dma_semaphore, #tpu.memory_space<semaphore_mem>>
        %dma_start3A_170 = tpu.memref_slice %arg5[%mul3A_168] : memref<160000xi32, #tpu.memory_space<hbm>> -> memref<128xi32, #tpu.memory_space<hbm>>
        %dma_start3A_171 = tpu.memref_slice %arg5[%mul3A_168] : memref<160000xi32, #tpu.memory_space<hbm>> -> memref<128xi32, #tpu.memory_space<hbm>>
        tpu.enqueue_dma source(%dma_start3A_171 : memref<128xi32, #tpu.memory_space<hbm>>) target(%arg13 : memref<128xi32, #tpu.memory_space<vmem>>) target_semaphore(%run_scoped3A : memref<!tpu.dma_semaphore, #tpu.memory_space<semaphore_mem>>)
        %dma_wait3A_172 = tpu.memref_slice %arg5[%mul3A_168] : memref<160000xi32, #tpu.memory_space<hbm>> -> memref<128xi32, #tpu.memory_space<hbm>>
        %dma_wait3A_173 = tpu.memref_slice %arg5[%mul3A_168] : memref<160000xi32, #tpu.memory_space<hbm>> -> memref<128xi32, #tpu.memory_space<hbm>>
        tpu.wait_dma2 semaphore(%run_scoped3A : memref<!tpu.dma_semaphore, #tpu.memory_space<semaphore_mem>>) src(%dma_wait3A_173 : memref<128xi32, #tpu.memory_space<hbm>>) dst(%arg13 : memref<128xi32, #tpu.memory_space<vmem>>)
        tpu.yield
      }) : () -> ()
      "tpu.region"() ({
        %run_scoped3A = tpu.sem_alloc : memref<!tpu.dma_semaphore, #tpu.memory_space<semaphore_mem>>
        %dma_start3A_170 = arith.constant 0 : i32
        %dma_start3A_171 = arith.constant 0 : i32
        %dma_start3A_172 = tpu.memref_slice %arg11[%dma_start3A_170, %dma_start3A_171] : memref<10240x128xf32, #tpu.memory_space<vmem_shared>> -> memref<10240x128xf32, #tpu.memory_space<vmem_shared>>
        tpu.enqueue_indirect_dma source(%arg16 : memref<128x128xf32, #tpu.memory_space<vmem>>) target(%dma_start3A_172 : memref<10240x128xf32, #tpu.memory_space<vmem_shared>>) offsets(%arg12 : memref<128xi32, #tpu.memory_space<vmem>>) semaphore(%run_scoped3A : memref<!tpu.dma_semaphore, #tpu.memory_space<semaphore_mem>>) {add = true}
        %dma_wait3A_173 = arith.constant 0 : i32
        %dma_wait3A_174 = arith.constant 0 : i32
        %dma_wait3A_175 = tpu.memref_slice %arg11[%dma_wait3A_173, %dma_wait3A_174] : memref<10240x128xf32, #tpu.memory_space<vmem_shared>> -> memref<10240x128xf32, #tpu.memory_space<vmem_shared>>
        tpu.wait_indirect_dma semaphore(%run_scoped3A : memref<!tpu.dma_semaphore, #tpu.memory_space<semaphore_mem>>) src(%arg16 : memref<128x128xf32, #tpu.memory_space<vmem>>) dst(%dma_wait3A_175 : memref<10240x128xf32, #tpu.memory_space<vmem_shared>>)
        tpu.yield
      }) : () -> ()
      "tpu.region"() ({
        %run_scoped3A = tpu.sem_alloc : memref<!tpu.dma_semaphore, #tpu.memory_space<semaphore_mem>>
        %dma_start3A_170 = arith.constant 0 : i32
        %dma_start3A_171 = arith.constant 0 : i32
        %dma_start3A_172 = tpu.memref_slice %arg11[%dma_start3A_170, %dma_start3A_171] : memref<10240x128xf32, #tpu.memory_space<vmem_shared>> -> memref<10240x128xf32, #tpu.memory_space<vmem_shared>>
        tpu.enqueue_indirect_dma source(%arg16 : memref<128x128xf32, #tpu.memory_space<vmem>>) target(%dma_start3A_172 : memref<10240x128xf32, #tpu.memory_space<vmem_shared>>) offsets(%arg13 : memref<128xi32, #tpu.memory_space<vmem>>) semaphore(%run_scoped3A : memref<!tpu.dma_semaphore, #tpu.memory_space<semaphore_mem>>) {add = true}
        %dma_wait3A_173 = arith.constant 0 : i32
        %dma_wait3A_174 = arith.constant 0 : i32
        %dma_wait3A_175 = tpu.memref_slice %arg11[%dma_wait3A_173, %dma_wait3A_174] : memref<10240x128xf32, #tpu.memory_space<vmem_shared>> -> memref<10240x128xf32, #tpu.memory_space<vmem_shared>>
        tpu.wait_indirect_dma semaphore(%run_scoped3A : memref<!tpu.dma_semaphore, #tpu.memory_space<semaphore_mem>>) src(%arg16 : memref<128x128xf32, #tpu.memory_space<vmem>>) dst(%dma_wait3A_175 : memref<10240x128xf32, #tpu.memory_space<vmem_shared>>)
        tpu.yield
      }) : () -> ()
      %scan3A_169 = arith.constant 0 : i32
      scf.yield %scan3A_169 : i32
    }
    %scan3A_107 = arith.constant 39 : i32
    %lt3A_108 = arith.constant 2 : i32
    %lt3A_109 = arith.cmpi slt, %add3A, %lt3A_108 : i32
    %convert_element_type3A_110 = arith.extui %lt3A_109 : i1 to i32
    %cond3A_111 = arith.constant 0 : i32
    %cond3A_112 = arith.cmpi ne, %convert_element_type3A_110, %cond3A_111 : i32
    scf.if %cond3A_112 {
      %add3A_164 = arith.constant 1248 : i32
      %add3A_165 = arith.addi %add3A_164, %add3A : i32
      %mul3A_166 = arith.constant 128 : i32
      %mul3A_167 = arith.muli %add3A_165, %mul3A_166 : i32
      "tpu.region"() ({
        %run_scoped3A = tpu.sem_alloc : memref<!tpu.dma_semaphore, #tpu.memory_space<semaphore_mem>>
        %dma_start3A_168 = tpu.memref_slice %arg4[%mul3A_167] : memref<160000xi32, #tpu.memory_space<hbm>> -> memref<128xi32, #tpu.memory_space<hbm>>
        %dma_start3A_169 = tpu.memref_slice %arg4[%mul3A_167] : memref<160000xi32, #tpu.memory_space<hbm>> -> memref<128xi32, #tpu.memory_space<hbm>>
        tpu.enqueue_dma source(%dma_start3A_169 : memref<128xi32, #tpu.memory_space<hbm>>) target(%arg12 : memref<128xi32, #tpu.memory_space<vmem>>) target_semaphore(%run_scoped3A : memref<!tpu.dma_semaphore, #tpu.memory_space<semaphore_mem>>)
        %dma_wait3A_170 = tpu.memref_slice %arg4[%mul3A_167] : memref<160000xi32, #tpu.memory_space<hbm>> -> memref<128xi32, #tpu.memory_space<hbm>>
        %dma_wait3A_171 = tpu.memref_slice %arg4[%mul3A_167] : memref<160000xi32, #tpu.memory_space<hbm>> -> memref<128xi32, #tpu.memory_space<hbm>>
        tpu.wait_dma2 semaphore(%run_scoped3A : memref<!tpu.dma_semaphore, #tpu.memory_space<semaphore_mem>>) src(%dma_wait3A_171 : memref<128xi32, #tpu.memory_space<hbm>>) dst(%arg12 : memref<128xi32, #tpu.memory_space<vmem>>)
        tpu.yield
      }) : () -> ()
      "tpu.region"() ({
        %run_scoped3A = tpu.sem_alloc : memref<!tpu.dma_semaphore, #tpu.memory_space<semaphore_mem>>
        %dma_start3A_168 = tpu.memref_slice %arg5[%mul3A_167] : memref<160000xi32, #tpu.memory_space<hbm>> -> memref<128xi32, #tpu.memory_space<hbm>>
        %dma_start3A_169 = tpu.memref_slice %arg5[%mul3A_167] : memref<160000xi32, #tpu.memory_space<hbm>> -> memref<128xi32, #tpu.memory_space<hbm>>
        tpu.enqueue_dma source(%dma_start3A_169 : memref<128xi32, #tpu.memory_space<hbm>>) target(%arg13 : memref<128xi32, #tpu.memory_space<vmem>>) target_semaphore(%run_scoped3A : memref<!tpu.dma_semaphore, #tpu.memory_space<semaphore_mem>>)
        %dma_wait3A_170 = tpu.memref_slice %arg5[%mul3A_167] : memref<160000xi32, #tpu.memory_space<hbm>> -> memref<128xi32, #tpu.memory_space<hbm>>
        %dma_wait3A_171 = tpu.memref_slice %arg5[%mul3A_167] : memref<160000xi32, #tpu.memory_space<hbm>> -> memref<128xi32, #tpu.memory_space<hbm>>
        tpu.wait_dma2 semaphore(%run_scoped3A : memref<!tpu.dma_semaphore, #tpu.memory_space<semaphore_mem>>) src(%dma_wait3A_171 : memref<128xi32, #tpu.memory_space<hbm>>) dst(%arg13 : memref<128xi32, #tpu.memory_space<vmem>>)
        tpu.yield
      }) : () -> ()
      "tpu.region"() ({
        %run_scoped3A = tpu.sem_alloc : memref<!tpu.dma_semaphore, #tpu.memory_space<semaphore_mem>>
        %dma_start3A_168 = arith.constant 0 : i32
        %dma_start3A_169 = arith.constant 0 : i32
        %dma_start3A_170 = tpu.memref_slice %arg11[%dma_start3A_168, %dma_start3A_169] : memref<10240x128xf32, #tpu.memory_space<vmem_shared>> -> memref<10240x128xf32, #tpu.memory_space<vmem_shared>>
        tpu.enqueue_indirect_dma source(%arg16 : memref<128x128xf32, #tpu.memory_space<vmem>>) target(%dma_start3A_170 : memref<10240x128xf32, #tpu.memory_space<vmem_shared>>) offsets(%arg12 : memref<128xi32, #tpu.memory_space<vmem>>) semaphore(%run_scoped3A : memref<!tpu.dma_semaphore, #tpu.memory_space<semaphore_mem>>) {add = true}
        %dma_wait3A_171 = arith.constant 0 : i32
        %dma_wait3A_172 = arith.constant 0 : i32
        %dma_wait3A_173 = tpu.memref_slice %arg11[%dma_wait3A_171, %dma_wait3A_172] : memref<10240x128xf32, #tpu.memory_space<vmem_shared>> -> memref<10240x128xf32, #tpu.memory_space<vmem_shared>>
        tpu.wait_indirect_dma semaphore(%run_scoped3A : memref<!tpu.dma_semaphore, #tpu.memory_space<semaphore_mem>>) src(%arg16 : memref<128x128xf32, #tpu.memory_space<vmem>>) dst(%dma_wait3A_173 : memref<10240x128xf32, #tpu.memory_space<vmem_shared>>)
        tpu.yield
      }) : () -> ()
      "tpu.region"() ({
        %run_scoped3A = tpu.sem_alloc : memref<!tpu.dma_semaphore, #tpu.memory_space<semaphore_mem>>
        %dma_start3A_168 = arith.constant 0 : i32
        %dma_start3A_169 = arith.constant 0 : i32
        %dma_start3A_170 = tpu.memref_slice %arg11[%dma_start3A_168, %dma_start3A_169] : memref<10240x128xf32, #tpu.memory_space<vmem_shared>> -> memref<10240x128xf32, #tpu.memory_space<vmem_shared>>
        tpu.enqueue_indirect_dma source(%arg16 : memref<128x128xf32, #tpu.memory_space<vmem>>) target(%dma_start3A_170 : memref<10240x128xf32, #tpu.memory_space<vmem_shared>>) offsets(%arg13 : memref<128xi32, #tpu.memory_space<vmem>>) semaphore(%run_scoped3A : memref<!tpu.dma_semaphore, #tpu.memory_space<semaphore_mem>>) {add = true}
        %dma_wait3A_171 = arith.constant 0 : i32
        %dma_wait3A_172 = arith.constant 0 : i32
        %dma_wait3A_173 = tpu.memref_slice %arg11[%dma_wait3A_171, %dma_wait3A_172] : memref<10240x128xf32, #tpu.memory_space<vmem_shared>> -> memref<10240x128xf32, #tpu.memory_space<vmem_shared>>
        tpu.wait_indirect_dma semaphore(%run_scoped3A : memref<!tpu.dma_semaphore, #tpu.memory_space<semaphore_mem>>) src(%arg16 : memref<128x128xf32, #tpu.memory_space<vmem>>) dst(%dma_wait3A_173 : memref<10240x128xf32, #tpu.memory_space<vmem_shared>>)
        tpu.yield
      }) : () -> ()
    } else {
    }
    %barrier3A_113 = arith.constant 0 : index
    tpu.barrier barrier_id(%barrier3A_113)
    %mul3A_114 = arith.constant 640 : i32
    %mul3A_115 = arith.muli %arg1, %mul3A_114 : i32
    %add3A_116 = arith.constant 0 : i32
    %add3A_117 = arith.addi %mul3A_115, %add3A_116 : i32
    "tpu.region"() ({
      %run_scoped3A = tpu.sem_alloc : memref<!tpu.dma_semaphore, #tpu.memory_space<semaphore_mem>>
      %dma_start3A_164 = tpu.memref_slice %arg8[%add3A_117] : memref<10240xi32, #tpu.memory_space<hbm>> -> memref<128xi32, #tpu.memory_space<hbm>>
      %dma_start3A_165 = tpu.memref_slice %arg8[%add3A_117] : memref<10240xi32, #tpu.memory_space<hbm>> -> memref<128xi32, #tpu.memory_space<hbm>>
      tpu.enqueue_dma source(%dma_start3A_165 : memref<128xi32, #tpu.memory_space<hbm>>) target(%arg12 : memref<128xi32, #tpu.memory_space<vmem>>) target_semaphore(%run_scoped3A : memref<!tpu.dma_semaphore, #tpu.memory_space<semaphore_mem>>)
      %dma_wait3A_166 = tpu.memref_slice %arg8[%add3A_117] : memref<10240xi32, #tpu.memory_space<hbm>> -> memref<128xi32, #tpu.memory_space<hbm>>
      %dma_wait3A_167 = tpu.memref_slice %arg8[%add3A_117] : memref<10240xi32, #tpu.memory_space<hbm>> -> memref<128xi32, #tpu.memory_space<hbm>>
      tpu.wait_dma2 semaphore(%run_scoped3A : memref<!tpu.dma_semaphore, #tpu.memory_space<semaphore_mem>>) src(%dma_wait3A_167 : memref<128xi32, #tpu.memory_space<hbm>>) dst(%arg12 : memref<128xi32, #tpu.memory_space<vmem>>)
      tpu.yield
    }) : () -> ()
    %dma_start3A_118 = arith.constant 0 : i32
    %dma_start3A_119 = arith.constant 0 : i32
    %dma_start3A_120 = tpu.memref_slice %arg11[%dma_start3A_118, %dma_start3A_119] : memref<10240x128xf32, #tpu.memory_space<vmem_shared>> -> memref<10240x128xf32, #tpu.memory_space<vmem_shared>>
    tpu.enqueue_indirect_dma source(%dma_start3A_120 : memref<10240x128xf32, #tpu.memory_space<vmem_shared>>) target(%arg16 : memref<128x128xf32, #tpu.memory_space<vmem>>) offsets(%arg12 : memref<128xi32, #tpu.memory_space<vmem>>) semaphore(%arg18 : memref<!tpu.dma_semaphore, #tpu.memory_space<semaphore_mem>>)
    %dma_wait3A_121 = arith.constant 0 : i32
    %dma_wait3A_122 = arith.constant 0 : i32
    %dma_wait3A_123 = tpu.memref_slice %arg11[%dma_wait3A_121, %dma_wait3A_122] : memref<10240x128xf32, #tpu.memory_space<vmem_shared>> -> memref<10240x128xf32, #tpu.memory_space<vmem_shared>>
    tpu.wait_indirect_dma semaphore(%arg18 : memref<!tpu.dma_semaphore, #tpu.memory_space<semaphore_mem>>) src(%dma_wait3A_123 : memref<10240x128xf32, #tpu.memory_space<vmem_shared>>) dst(%arg16 : memref<128x128xf32, #tpu.memory_space<vmem>>)
    "tpu.region"() ({
      %run_scoped3A = tpu.sem_alloc : memref<!tpu.dma_semaphore, #tpu.memory_space<semaphore_mem>>
      %dma_start3A_164 = arith.constant 0 : i32
      %dma_start3A_165 = tpu.memref_slice %arg10[%arg0, %add3A_117, %dma_start3A_164] : memref<2x10240x128xf32, #tpu.memory_space<hbm>> -> memref<1x128x128xf32, #tpu.memory_space<hbm>>
      %dma_start3A_166 = tpu.memref_squeeze %dma_start3A_165 : memref<1x128x128xf32, #tpu.memory_space<hbm>> -> memref<128x128xf32, #tpu.memory_space<hbm>>
      %dma_start3A_167 = arith.constant 0 : i32
      %dma_start3A_168 = tpu.memref_slice %arg10[%arg0, %add3A_117, %dma_start3A_167] : memref<2x10240x128xf32, #tpu.memory_space<hbm>> -> memref<1x128x128xf32, #tpu.memory_space<hbm>>
      %dma_start3A_169 = tpu.memref_squeeze %dma_start3A_168 : memref<1x128x128xf32, #tpu.memory_space<hbm>> -> memref<128x128xf32, #tpu.memory_space<hbm>>
      tpu.enqueue_dma source(%arg16 : memref<128x128xf32, #tpu.memory_space<vmem>>) target(%dma_start3A_169 : memref<128x128xf32, #tpu.memory_space<hbm>>) target_semaphore(%run_scoped3A : memref<!tpu.dma_semaphore, #tpu.memory_space<semaphore_mem>>)
      %dma_wait3A_170 = arith.constant 0 : i32
      %dma_wait3A_171 = tpu.memref_slice %arg10[%arg0, %add3A_117, %dma_wait3A_170] : memref<2x10240x128xf32, #tpu.memory_space<hbm>> -> memref<1x128x128xf32, #tpu.memory_space<hbm>>
      %dma_wait3A_172 = tpu.memref_squeeze %dma_wait3A_171 : memref<1x128x128xf32, #tpu.memory_space<hbm>> -> memref<128x128xf32, #tpu.memory_space<hbm>>
      %dma_wait3A_173 = arith.constant 0 : i32
      %dma_wait3A_174 = tpu.memref_slice %arg10[%arg0, %add3A_117, %dma_wait3A_173] : memref<2x10240x128xf32, #tpu.memory_space<hbm>> -> memref<1x128x128xf32, #tpu.memory_space<hbm>>
      %dma_wait3A_175 = tpu.memref_squeeze %dma_wait3A_174 : memref<1x128x128xf32, #tpu.memory_space<hbm>> -> memref<128x128xf32, #tpu.memory_space<hbm>>
      tpu.wait_dma2 semaphore(%run_scoped3A : memref<!tpu.dma_semaphore, #tpu.memory_space<semaphore_mem>>) src(%arg16 : memref<128x128xf32, #tpu.memory_space<vmem>>) dst(%dma_wait3A_175 : memref<128x128xf32, #tpu.memory_space<hbm>>)
      tpu.yield
    }) : () -> ()
    %mul3A_124 = arith.constant 640 : i32
    %mul3A_125 = arith.muli %arg1, %mul3A_124 : i32
    %add3A_126 = arith.constant 128 : i32
    %add3A_127 = arith.addi %mul3A_125, %add3A_126 : i32
    "tpu.region"() ({
      %run_scoped3A = tpu.sem_alloc : memref<!tpu.dma_semaphore, #tpu.memory_space<semaphore_mem>>
      %dma_start3A_164 = tpu.memref_slice %arg8[%add3A_127] : memref<10240xi32, #tpu.memory_space<hbm>> -> memref<128xi32, #tpu.memory_space<hbm>>
      %dma_start3A_165 = tpu.memref_slice %arg8[%add3A_127] : memref<10240xi32, #tpu.memory_space<hbm>> -> memref<128xi32, #tpu.memory_space<hbm>>
      tpu.enqueue_dma source(%dma_start3A_165 : memref<128xi32, #tpu.memory_space<hbm>>) target(%arg12 : memref<128xi32, #tpu.memory_space<vmem>>) target_semaphore(%run_scoped3A : memref<!tpu.dma_semaphore, #tpu.memory_space<semaphore_mem>>)
      %dma_wait3A_166 = tpu.memref_slice %arg8[%add3A_127] : memref<10240xi32, #tpu.memory_space<hbm>> -> memref<128xi32, #tpu.memory_space<hbm>>
      %dma_wait3A_167 = tpu.memref_slice %arg8[%add3A_127] : memref<10240xi32, #tpu.memory_space<hbm>> -> memref<128xi32, #tpu.memory_space<hbm>>
      tpu.wait_dma2 semaphore(%run_scoped3A : memref<!tpu.dma_semaphore, #tpu.memory_space<semaphore_mem>>) src(%dma_wait3A_167 : memref<128xi32, #tpu.memory_space<hbm>>) dst(%arg12 : memref<128xi32, #tpu.memory_space<vmem>>)
      tpu.yield
    }) : () -> ()
    %dma_start3A_128 = arith.constant 0 : i32
    %dma_start3A_129 = arith.constant 0 : i32
    %dma_start3A_130 = tpu.memref_slice %arg11[%dma_start3A_128, %dma_start3A_129] : memref<10240x128xf32, #tpu.memory_space<vmem_shared>> -> memref<10240x128xf32, #tpu.memory_space<vmem_shared>>
    tpu.enqueue_indirect_dma source(%dma_start3A_130 : memref<10240x128xf32, #tpu.memory_space<vmem_shared>>) target(%arg16 : memref<128x128xf32, #tpu.memory_space<vmem>>) offsets(%arg12 : memref<128xi32, #tpu.memory_space<vmem>>) semaphore(%arg18 : memref<!tpu.dma_semaphore, #tpu.memory_space<semaphore_mem>>)
    %dma_wait3A_131 = arith.constant 0 : i32
    %dma_wait3A_132 = arith.constant 0 : i32
    %dma_wait3A_133 = tpu.memref_slice %arg11[%dma_wait3A_131, %dma_wait3A_132] : memref<10240x128xf32, #tpu.memory_space<vmem_shared>> -> memref<10240x128xf32, #tpu.memory_space<vmem_shared>>
    tpu.wait_indirect_dma semaphore(%arg18 : memref<!tpu.dma_semaphore, #tpu.memory_space<semaphore_mem>>) src(%dma_wait3A_133 : memref<10240x128xf32, #tpu.memory_space<vmem_shared>>) dst(%arg16 : memref<128x128xf32, #tpu.memory_space<vmem>>)
    "tpu.region"() ({
      %run_scoped3A = tpu.sem_alloc : memref<!tpu.dma_semaphore, #tpu.memory_space<semaphore_mem>>
      %dma_start3A_164 = arith.constant 0 : i32
      %dma_start3A_165 = tpu.memref_slice %arg10[%arg0, %add3A_127, %dma_start3A_164] : memref<2x10240x128xf32, #tpu.memory_space<hbm>> -> memref<1x128x128xf32, #tpu.memory_space<hbm>>
      %dma_start3A_166 = tpu.memref_squeeze %dma_start3A_165 : memref<1x128x128xf32, #tpu.memory_space<hbm>> -> memref<128x128xf32, #tpu.memory_space<hbm>>
      %dma_start3A_167 = arith.constant 0 : i32
      %dma_start3A_168 = tpu.memref_slice %arg10[%arg0, %add3A_127, %dma_start3A_167] : memref<2x10240x128xf32, #tpu.memory_space<hbm>> -> memref<1x128x128xf32, #tpu.memory_space<hbm>>
      %dma_start3A_169 = tpu.memref_squeeze %dma_start3A_168 : memref<1x128x128xf32, #tpu.memory_space<hbm>> -> memref<128x128xf32, #tpu.memory_space<hbm>>
      tpu.enqueue_dma source(%arg16 : memref<128x128xf32, #tpu.memory_space<vmem>>) target(%dma_start3A_169 : memref<128x128xf32, #tpu.memory_space<hbm>>) target_semaphore(%run_scoped3A : memref<!tpu.dma_semaphore, #tpu.memory_space<semaphore_mem>>)
      %dma_wait3A_170 = arith.constant 0 : i32
      %dma_wait3A_171 = tpu.memref_slice %arg10[%arg0, %add3A_127, %dma_wait3A_170] : memref<2x10240x128xf32, #tpu.memory_space<hbm>> -> memref<1x128x128xf32, #tpu.memory_space<hbm>>
      %dma_wait3A_172 = tpu.memref_squeeze %dma_wait3A_171 : memref<1x128x128xf32, #tpu.memory_space<hbm>> -> memref<128x128xf32, #tpu.memory_space<hbm>>
      %dma_wait3A_173 = arith.constant 0 : i32
      %dma_wait3A_174 = tpu.memref_slice %arg10[%arg0, %add3A_127, %dma_wait3A_173] : memref<2x10240x128xf32, #tpu.memory_space<hbm>> -> memref<1x128x128xf32, #tpu.memory_space<hbm>>
      %dma_wait3A_175 = tpu.memref_squeeze %dma_wait3A_174 : memref<1x128x128xf32, #tpu.memory_space<hbm>> -> memref<128x128xf32, #tpu.memory_space<hbm>>
      tpu.wait_dma2 semaphore(%run_scoped3A : memref<!tpu.dma_semaphore, #tpu.memory_space<semaphore_mem>>) src(%arg16 : memref<128x128xf32, #tpu.memory_space<vmem>>) dst(%dma_wait3A_175 : memref<128x128xf32, #tpu.memory_space<hbm>>)
      tpu.yield
    }) : () -> ()
    %mul3A_134 = arith.constant 640 : i32
    %mul3A_135 = arith.muli %arg1, %mul3A_134 : i32
    %add3A_136 = arith.constant 256 : i32
    %add3A_137 = arith.addi %mul3A_135, %add3A_136 : i32
    "tpu.region"() ({
      %run_scoped3A = tpu.sem_alloc : memref<!tpu.dma_semaphore, #tpu.memory_space<semaphore_mem>>
      %dma_start3A_164 = tpu.memref_slice %arg8[%add3A_137] : memref<10240xi32, #tpu.memory_space<hbm>> -> memref<128xi32, #tpu.memory_space<hbm>>
      %dma_start3A_165 = tpu.memref_slice %arg8[%add3A_137] : memref<10240xi32, #tpu.memory_space<hbm>> -> memref<128xi32, #tpu.memory_space<hbm>>
      tpu.enqueue_dma source(%dma_start3A_165 : memref<128xi32, #tpu.memory_space<hbm>>) target(%arg12 : memref<128xi32, #tpu.memory_space<vmem>>) target_semaphore(%run_scoped3A : memref<!tpu.dma_semaphore, #tpu.memory_space<semaphore_mem>>)
      %dma_wait3A_166 = tpu.memref_slice %arg8[%add3A_137] : memref<10240xi32, #tpu.memory_space<hbm>> -> memref<128xi32, #tpu.memory_space<hbm>>
      %dma_wait3A_167 = tpu.memref_slice %arg8[%add3A_137] : memref<10240xi32, #tpu.memory_space<hbm>> -> memref<128xi32, #tpu.memory_space<hbm>>
      tpu.wait_dma2 semaphore(%run_scoped3A : memref<!tpu.dma_semaphore, #tpu.memory_space<semaphore_mem>>) src(%dma_wait3A_167 : memref<128xi32, #tpu.memory_space<hbm>>) dst(%arg12 : memref<128xi32, #tpu.memory_space<vmem>>)
      tpu.yield
    }) : () -> ()
    %dma_start3A_138 = arith.constant 0 : i32
    %dma_start3A_139 = arith.constant 0 : i32
    %dma_start3A_140 = tpu.memref_slice %arg11[%dma_start3A_138, %dma_start3A_139] : memref<10240x128xf32, #tpu.memory_space<vmem_shared>> -> memref<10240x128xf32, #tpu.memory_space<vmem_shared>>
    tpu.enqueue_indirect_dma source(%dma_start3A_140 : memref<10240x128xf32, #tpu.memory_space<vmem_shared>>) target(%arg16 : memref<128x128xf32, #tpu.memory_space<vmem>>) offsets(%arg12 : memref<128xi32, #tpu.memory_space<vmem>>) semaphore(%arg18 : memref<!tpu.dma_semaphore, #tpu.memory_space<semaphore_mem>>)
    %dma_wait3A_141 = arith.constant 0 : i32
    %dma_wait3A_142 = arith.constant 0 : i32
    %dma_wait3A_143 = tpu.memref_slice %arg11[%dma_wait3A_141, %dma_wait3A_142] : memref<10240x128xf32, #tpu.memory_space<vmem_shared>> -> memref<10240x128xf32, #tpu.memory_space<vmem_shared>>
    tpu.wait_indirect_dma semaphore(%arg18 : memref<!tpu.dma_semaphore, #tpu.memory_space<semaphore_mem>>) src(%dma_wait3A_143 : memref<10240x128xf32, #tpu.memory_space<vmem_shared>>) dst(%arg16 : memref<128x128xf32, #tpu.memory_space<vmem>>)
    "tpu.region"() ({
      %run_scoped3A = tpu.sem_alloc : memref<!tpu.dma_semaphore, #tpu.memory_space<semaphore_mem>>
      %dma_start3A_164 = arith.constant 0 : i32
      %dma_start3A_165 = tpu.memref_slice %arg10[%arg0, %add3A_137, %dma_start3A_164] : memref<2x10240x128xf32, #tpu.memory_space<hbm>> -> memref<1x128x128xf32, #tpu.memory_space<hbm>>
      %dma_start3A_166 = tpu.memref_squeeze %dma_start3A_165 : memref<1x128x128xf32, #tpu.memory_space<hbm>> -> memref<128x128xf32, #tpu.memory_space<hbm>>
      %dma_start3A_167 = arith.constant 0 : i32
      %dma_start3A_168 = tpu.memref_slice %arg10[%arg0, %add3A_137, %dma_start3A_167] : memref<2x10240x128xf32, #tpu.memory_space<hbm>> -> memref<1x128x128xf32, #tpu.memory_space<hbm>>
      %dma_start3A_169 = tpu.memref_squeeze %dma_start3A_168 : memref<1x128x128xf32, #tpu.memory_space<hbm>> -> memref<128x128xf32, #tpu.memory_space<hbm>>
      tpu.enqueue_dma source(%arg16 : memref<128x128xf32, #tpu.memory_space<vmem>>) target(%dma_start3A_169 : memref<128x128xf32, #tpu.memory_space<hbm>>) target_semaphore(%run_scoped3A : memref<!tpu.dma_semaphore, #tpu.memory_space<semaphore_mem>>)
      %dma_wait3A_170 = arith.constant 0 : i32
      %dma_wait3A_171 = tpu.memref_slice %arg10[%arg0, %add3A_137, %dma_wait3A_170] : memref<2x10240x128xf32, #tpu.memory_space<hbm>> -> memref<1x128x128xf32, #tpu.memory_space<hbm>>
      %dma_wait3A_172 = tpu.memref_squeeze %dma_wait3A_171 : memref<1x128x128xf32, #tpu.memory_space<hbm>> -> memref<128x128xf32, #tpu.memory_space<hbm>>
      %dma_wait3A_173 = arith.constant 0 : i32
      %dma_wait3A_174 = tpu.memref_slice %arg10[%arg0, %add3A_137, %dma_wait3A_173] : memref<2x10240x128xf32, #tpu.memory_space<hbm>> -> memref<1x128x128xf32, #tpu.memory_space<hbm>>
      %dma_wait3A_175 = tpu.memref_squeeze %dma_wait3A_174 : memref<1x128x128xf32, #tpu.memory_space<hbm>> -> memref<128x128xf32, #tpu.memory_space<hbm>>
      tpu.wait_dma2 semaphore(%run_scoped3A : memref<!tpu.dma_semaphore, #tpu.memory_space<semaphore_mem>>) src(%arg16 : memref<128x128xf32, #tpu.memory_space<vmem>>) dst(%dma_wait3A_175 : memref<128x128xf32, #tpu.memory_space<hbm>>)
      tpu.yield
    }) : () -> ()
    %mul3A_144 = arith.constant 640 : i32
    %mul3A_145 = arith.muli %arg1, %mul3A_144 : i32
    %add3A_146 = arith.constant 384 : i32
    %add3A_147 = arith.addi %mul3A_145, %add3A_146 : i32
    "tpu.region"() ({
      %run_scoped3A = tpu.sem_alloc : memref<!tpu.dma_semaphore, #tpu.memory_space<semaphore_mem>>
      %dma_start3A_164 = tpu.memref_slice %arg8[%add3A_147] : memref<10240xi32, #tpu.memory_space<hbm>> -> memref<128xi32, #tpu.memory_space<hbm>>
      %dma_start3A_165 = tpu.memref_slice %arg8[%add3A_147] : memref<10240xi32, #tpu.memory_space<hbm>> -> memref<128xi32, #tpu.memory_space<hbm>>
      tpu.enqueue_dma source(%dma_start3A_165 : memref<128xi32, #tpu.memory_space<hbm>>) target(%arg12 : memref<128xi32, #tpu.memory_space<vmem>>) target_semaphore(%run_scoped3A : memref<!tpu.dma_semaphore, #tpu.memory_space<semaphore_mem>>)
      %dma_wait3A_166 = tpu.memref_slice %arg8[%add3A_147] : memref<10240xi32, #tpu.memory_space<hbm>> -> memref<128xi32, #tpu.memory_space<hbm>>
      %dma_wait3A_167 = tpu.memref_slice %arg8[%add3A_147] : memref<10240xi32, #tpu.memory_space<hbm>> -> memref<128xi32, #tpu.memory_space<hbm>>
      tpu.wait_dma2 semaphore(%run_scoped3A : memref<!tpu.dma_semaphore, #tpu.memory_space<semaphore_mem>>) src(%dma_wait3A_167 : memref<128xi32, #tpu.memory_space<hbm>>) dst(%arg12 : memref<128xi32, #tpu.memory_space<vmem>>)
      tpu.yield
    }) : () -> ()
    %dma_start3A_148 = arith.constant 0 : i32
    %dma_start3A_149 = arith.constant 0 : i32
    %dma_start3A_150 = tpu.memref_slice %arg11[%dma_start3A_148, %dma_start3A_149] : memref<10240x128xf32, #tpu.memory_space<vmem_shared>> -> memref<10240x128xf32, #tpu.memory_space<vmem_shared>>
    tpu.enqueue_indirect_dma source(%dma_start3A_150 : memref<10240x128xf32, #tpu.memory_space<vmem_shared>>) target(%arg16 : memref<128x128xf32, #tpu.memory_space<vmem>>) offsets(%arg12 : memref<128xi32, #tpu.memory_space<vmem>>) semaphore(%arg18 : memref<!tpu.dma_semaphore, #tpu.memory_space<semaphore_mem>>)
    %dma_wait3A_151 = arith.constant 0 : i32
    %dma_wait3A_152 = arith.constant 0 : i32
    %dma_wait3A_153 = tpu.memref_slice %arg11[%dma_wait3A_151, %dma_wait3A_152] : memref<10240x128xf32, #tpu.memory_space<vmem_shared>> -> memref<10240x128xf32, #tpu.memory_space<vmem_shared>>
    tpu.wait_indirect_dma semaphore(%arg18 : memref<!tpu.dma_semaphore, #tpu.memory_space<semaphore_mem>>) src(%dma_wait3A_153 : memref<10240x128xf32, #tpu.memory_space<vmem_shared>>) dst(%arg16 : memref<128x128xf32, #tpu.memory_space<vmem>>)
    "tpu.region"() ({
      %run_scoped3A = tpu.sem_alloc : memref<!tpu.dma_semaphore, #tpu.memory_space<semaphore_mem>>
      %dma_start3A_164 = arith.constant 0 : i32
      %dma_start3A_165 = tpu.memref_slice %arg10[%arg0, %add3A_147, %dma_start3A_164] : memref<2x10240x128xf32, #tpu.memory_space<hbm>> -> memref<1x128x128xf32, #tpu.memory_space<hbm>>
      %dma_start3A_166 = tpu.memref_squeeze %dma_start3A_165 : memref<1x128x128xf32, #tpu.memory_space<hbm>> -> memref<128x128xf32, #tpu.memory_space<hbm>>
      %dma_start3A_167 = arith.constant 0 : i32
      %dma_start3A_168 = tpu.memref_slice %arg10[%arg0, %add3A_147, %dma_start3A_167] : memref<2x10240x128xf32, #tpu.memory_space<hbm>> -> memref<1x128x128xf32, #tpu.memory_space<hbm>>
      %dma_start3A_169 = tpu.memref_squeeze %dma_start3A_168 : memref<1x128x128xf32, #tpu.memory_space<hbm>> -> memref<128x128xf32, #tpu.memory_space<hbm>>
      tpu.enqueue_dma source(%arg16 : memref<128x128xf32, #tpu.memory_space<vmem>>) target(%dma_start3A_169 : memref<128x128xf32, #tpu.memory_space<hbm>>) target_semaphore(%run_scoped3A : memref<!tpu.dma_semaphore, #tpu.memory_space<semaphore_mem>>)
      %dma_wait3A_170 = arith.constant 0 : i32
      %dma_wait3A_171 = tpu.memref_slice %arg10[%arg0, %add3A_147, %dma_wait3A_170] : memref<2x10240x128xf32, #tpu.memory_space<hbm>> -> memref<1x128x128xf32, #tpu.memory_space<hbm>>
      %dma_wait3A_172 = tpu.memref_squeeze %dma_wait3A_171 : memref<1x128x128xf32, #tpu.memory_space<hbm>> -> memref<128x128xf32, #tpu.memory_space<hbm>>
      %dma_wait3A_173 = arith.constant 0 : i32
      %dma_wait3A_174 = tpu.memref_slice %arg10[%arg0, %add3A_147, %dma_wait3A_173] : memref<2x10240x128xf32, #tpu.memory_space<hbm>> -> memref<1x128x128xf32, #tpu.memory_space<hbm>>
      %dma_wait3A_175 = tpu.memref_squeeze %dma_wait3A_174 : memref<1x128x128xf32, #tpu.memory_space<hbm>> -> memref<128x128xf32, #tpu.memory_space<hbm>>
      tpu.wait_dma2 semaphore(%run_scoped3A : memref<!tpu.dma_semaphore, #tpu.memory_space<semaphore_mem>>) src(%arg16 : memref<128x128xf32, #tpu.memory_space<vmem>>) dst(%dma_wait3A_175 : memref<128x128xf32, #tpu.memory_space<hbm>>)
      tpu.yield
    }) : () -> ()
    %mul3A_154 = arith.constant 640 : i32
    %mul3A_155 = arith.muli %arg1, %mul3A_154 : i32
    %add3A_156 = arith.constant 512 : i32
    %add3A_157 = arith.addi %mul3A_155, %add3A_156 : i32
    "tpu.region"() ({
      %run_scoped3A = tpu.sem_alloc : memref<!tpu.dma_semaphore, #tpu.memory_space<semaphore_mem>>
      %dma_start3A_164 = tpu.memref_slice %arg8[%add3A_157] : memref<10240xi32, #tpu.memory_space<hbm>> -> memref<128xi32, #tpu.memory_space<hbm>>
      %dma_start3A_165 = tpu.memref_slice %arg8[%add3A_157] : memref<10240xi32, #tpu.memory_space<hbm>> -> memref<128xi32, #tpu.memory_space<hbm>>
      tpu.enqueue_dma source(%dma_start3A_165 : memref<128xi32, #tpu.memory_space<hbm>>) target(%arg12 : memref<128xi32, #tpu.memory_space<vmem>>) target_semaphore(%run_scoped3A : memref<!tpu.dma_semaphore, #tpu.memory_space<semaphore_mem>>)
      %dma_wait3A_166 = tpu.memref_slice %arg8[%add3A_157] : memref<10240xi32, #tpu.memory_space<hbm>> -> memref<128xi32, #tpu.memory_space<hbm>>
      %dma_wait3A_167 = tpu.memref_slice %arg8[%add3A_157] : memref<10240xi32, #tpu.memory_space<hbm>> -> memref<128xi32, #tpu.memory_space<hbm>>
      tpu.wait_dma2 semaphore(%run_scoped3A : memref<!tpu.dma_semaphore, #tpu.memory_space<semaphore_mem>>) src(%dma_wait3A_167 : memref<128xi32, #tpu.memory_space<hbm>>) dst(%arg12 : memref<128xi32, #tpu.memory_space<vmem>>)
      tpu.yield
    }) : () -> ()
    %dma_start3A_158 = arith.constant 0 : i32
    %dma_start3A_159 = arith.constant 0 : i32
    %dma_start3A_160 = tpu.memref_slice %arg11[%dma_start3A_158, %dma_start3A_159] : memref<10240x128xf32, #tpu.memory_space<vmem_shared>> -> memref<10240x128xf32, #tpu.memory_space<vmem_shared>>
    tpu.enqueue_indirect_dma source(%dma_start3A_160 : memref<10240x128xf32, #tpu.memory_space<vmem_shared>>) target(%arg16 : memref<128x128xf32, #tpu.memory_space<vmem>>) offsets(%arg12 : memref<128xi32, #tpu.memory_space<vmem>>) semaphore(%arg18 : memref<!tpu.dma_semaphore, #tpu.memory_space<semaphore_mem>>)
    %dma_wait3A_161 = arith.constant 0 : i32
    %dma_wait3A_162 = arith.constant 0 : i32
    %dma_wait3A_163 = tpu.memref_slice %arg11[%dma_wait3A_161, %dma_wait3A_162] : memref<10240x128xf32, #tpu.memory_space<vmem_shared>> -> memref<10240x128xf32, #tpu.memory_space<vmem_shared>>
    tpu.wait_indirect_dma semaphore(%arg18 : memref<!tpu.dma_semaphore, #tpu.memory_space<semaphore_mem>>) src(%dma_wait3A_163 : memref<10240x128xf32, #tpu.memory_space<vmem_shared>>) dst(%arg16 : memref<128x128xf32, #tpu.memory_space<vmem>>)
    "tpu.region"() ({
      %run_scoped3A = tpu.sem_alloc : memref<!tpu.dma_semaphore, #tpu.memory_space<semaphore_mem>>
      %dma_start3A_164 = arith.constant 0 : i32
      %dma_start3A_165 = tpu.memref_slice %arg10[%arg0, %add3A_157, %dma_start3A_164] : memref<2x10240x128xf32, #tpu.memory_space<hbm>> -> memref<1x128x128xf32, #tpu.memory_space<hbm>>
      %dma_start3A_166 = tpu.memref_squeeze %dma_start3A_165 : memref<1x128x128xf32, #tpu.memory_space<hbm>> -> memref<128x128xf32, #tpu.memory_space<hbm>>
      %dma_start3A_167 = arith.constant 0 : i32
      %dma_start3A_168 = tpu.memref_slice %arg10[%arg0, %add3A_157, %dma_start3A_167] : memref<2x10240x128xf32, #tpu.memory_space<hbm>> -> memref<1x128x128xf32, #tpu.memory_space<hbm>>
      %dma_start3A_169 = tpu.memref_squeeze %dma_start3A_168 : memref<1x128x128xf32, #tpu.memory_space<hbm>> -> memref<128x128xf32, #tpu.memory_space<hbm>>
      tpu.enqueue_dma source(%arg16 : memref<128x128xf32, #tpu.memory_space<vmem>>) target(%dma_start3A_169 : memref<128x128xf32, #tpu.memory_space<hbm>>) target_semaphore(%run_scoped3A : memref<!tpu.dma_semaphore, #tpu.memory_space<semaphore_mem>>)
      %dma_wait3A_170 = arith.constant 0 : i32
      %dma_wait3A_171 = tpu.memref_slice %arg10[%arg0, %add3A_157, %dma_wait3A_170] : memref<2x10240x128xf32, #tpu.memory_space<hbm>> -> memref<1x128x128xf32, #tpu.memory_space<hbm>>
      %dma_wait3A_172 = tpu.memref_squeeze %dma_wait3A_171 : memref<1x128x128xf32, #tpu.memory_space<hbm>> -> memref<128x128xf32, #tpu.memory_space<hbm>>
      %dma_wait3A_173 = arith.constant 0 : i32
      %dma_wait3A_174 = tpu.memref_slice %arg10[%arg0, %add3A_157, %dma_wait3A_173] : memref<2x10240x128xf32, #tpu.memory_space<hbm>> -> memref<1x128x128xf32, #tpu.memory_space<hbm>>
      %dma_wait3A_175 = tpu.memref_squeeze %dma_wait3A_174 : memref<1x128x128xf32, #tpu.memory_space<hbm>> -> memref<128x128xf32, #tpu.memory_space<hbm>>
      tpu.wait_dma2 semaphore(%run_scoped3A : memref<!tpu.dma_semaphore, #tpu.memory_space<semaphore_mem>>) src(%arg16 : memref<128x128xf32, #tpu.memory_space<vmem>>) dst(%dma_wait3A_175 : memref<128x128xf32, #tpu.memory_space<hbm>>)
      tpu.yield
    }) : () -> ()
    return
  }
}

#map = affine_map<(d0, d1) -> (0, 0)>
#map1 = affine_map<(d0, d1) -> (0)>
module attributes {stable_mosaic.version = 14 : i64} {
  func.func @_gather_body(%arg0: i32, %arg1: i32, %arg2: memref<10000x128xf32, #tpu.memory_space<hbm>>, %arg3: memref<160000xi32, #tpu.memory_space<hbm>>, %arg4: memref<160000xi32, #tpu.memory_space<hbm>>, %arg5: memref<160000x128xf32, #tpu.memory_space<hbm>>, %arg6: memref<160000x128xf32, #tpu.memory_space<hbm>>, %arg7: memref<128xi32, #tpu.memory_space<vmem>>, %arg8: memref<128xi32, #tpu.memory_space<vmem>>, %arg9: memref<128xi32, #tpu.memory_space<vmem>>, %arg10: memref<128xi32, #tpu.memory_space<vmem>>, %arg11: memref<128x128xf32, #tpu.memory_space<vmem>>, %arg12: memref<128x128xf32, #tpu.memory_space<vmem>>, %arg13: memref<128x128xf32, #tpu.memory_space<vmem>>, %arg14: memref<128x128xf32, #tpu.memory_space<vmem>>, %arg15: memref<!tpu.dma_semaphore, #tpu.memory_space<semaphore_mem>>, %arg16: memref<!tpu.dma_semaphore, #tpu.memory_space<semaphore_mem>>, %arg17: memref<!tpu.dma_semaphore, #tpu.memory_space<semaphore_mem>>, %arg18: memref<!tpu.dma_semaphore, #tpu.memory_space<semaphore_mem>>) attributes {dimension_semantics = [#tpu.dimension_semantics<core_parallel>, #tpu.dimension_semantics<subcore_parallel>], iteration_bounds = array<i64: 2, 16>, scalar_prefetch = 0 : i64, scratch_operands = 12 : i64, tpu.core_type = #tpu.core_type<sc_vector_subcore>, window_params = [{transform_indices = #map}, {transform_indices = #map1}, {transform_indices = #map1}, {transform_indices = #map}, {transform_indices = #map}]} {
    %mul3A = arith.constant 16 : i32
    %mul3A_0 = arith.muli %arg0, %mul3A : i32
    %add3A = arith.addi %mul3A_0, %arg1 : i32
    %mul3A_1 = arith.constant 39 : i32
    %mul3A_2 = arith.muli %add3A, %mul3A_1 : i32
    %scan3A = arith.constant 0 : i32
    %scan3A_3 = arith.constant 0 : i32
    %scan3A_4 = arith.constant 19 : i32
    %scan3A_5 = arith.addi %scan3A_3, %scan3A_4 : i32
    %scan3A_6 = arith.constant 1 : i32
    %scan3A_7 = scf.for %scan3A_25 = %scan3A_3 to %scan3A_5 step %scan3A_6 iter_args(%scan3A_26 = %scan3A) -> (i32)  : i32 {
      %mul3A_27 = arith.constant 2 : i32
      %mul3A_28 = arith.muli %mul3A_27, %scan3A_25 : i32
      %add3A_29 = arith.addi %mul3A_2, %mul3A_28 : i32
      %mul3A_30 = arith.constant 128 : i32
      %mul3A_31 = arith.muli %add3A_29, %mul3A_30 : i32
      %add3A_32 = arith.constant 128 : i32
      %add3A_33 = arith.addi %mul3A_31, %add3A_32 : i32
      "tpu.region"() ({
        %run_scoped3A = tpu.sem_alloc : memref<!tpu.dma_semaphore, #tpu.memory_space<semaphore_mem>>
        %dma_start3A_59 = tpu.memref_slice %arg3[%mul3A_31] : memref<160000xi32, #tpu.memory_space<hbm>> -> memref<128xi32, #tpu.memory_space<hbm>>
        %dma_start3A_60 = tpu.memref_slice %arg3[%mul3A_31] : memref<160000xi32, #tpu.memory_space<hbm>> -> memref<128xi32, #tpu.memory_space<hbm>>
        tpu.enqueue_dma source(%dma_start3A_60 : memref<128xi32, #tpu.memory_space<hbm>>) target(%arg7 : memref<128xi32, #tpu.memory_space<vmem>>) target_semaphore(%run_scoped3A : memref<!tpu.dma_semaphore, #tpu.memory_space<semaphore_mem>>)
        %dma_wait3A_61 = tpu.memref_slice %arg3[%mul3A_31] : memref<160000xi32, #tpu.memory_space<hbm>> -> memref<128xi32, #tpu.memory_space<hbm>>
        %dma_wait3A_62 = tpu.memref_slice %arg3[%mul3A_31] : memref<160000xi32, #tpu.memory_space<hbm>> -> memref<128xi32, #tpu.memory_space<hbm>>
        tpu.wait_dma2 semaphore(%run_scoped3A : memref<!tpu.dma_semaphore, #tpu.memory_space<semaphore_mem>>) src(%dma_wait3A_62 : memref<128xi32, #tpu.memory_space<hbm>>) dst(%arg7 : memref<128xi32, #tpu.memory_space<vmem>>)
        tpu.yield
      }) : () -> ()
      "tpu.region"() ({
        %run_scoped3A = tpu.sem_alloc : memref<!tpu.dma_semaphore, #tpu.memory_space<semaphore_mem>>
        %dma_start3A_59 = tpu.memref_slice %arg4[%mul3A_31] : memref<160000xi32, #tpu.memory_space<hbm>> -> memref<128xi32, #tpu.memory_space<hbm>>
        %dma_start3A_60 = tpu.memref_slice %arg4[%mul3A_31] : memref<160000xi32, #tpu.memory_space<hbm>> -> memref<128xi32, #tpu.memory_space<hbm>>
        tpu.enqueue_dma source(%dma_start3A_60 : memref<128xi32, #tpu.memory_space<hbm>>) target(%arg8 : memref<128xi32, #tpu.memory_space<vmem>>) target_semaphore(%run_scoped3A : memref<!tpu.dma_semaphore, #tpu.memory_space<semaphore_mem>>)
        %dma_wait3A_61 = tpu.memref_slice %arg4[%mul3A_31] : memref<160000xi32, #tpu.memory_space<hbm>> -> memref<128xi32, #tpu.memory_space<hbm>>
        %dma_wait3A_62 = tpu.memref_slice %arg4[%mul3A_31] : memref<160000xi32, #tpu.memory_space<hbm>> -> memref<128xi32, #tpu.memory_space<hbm>>
        tpu.wait_dma2 semaphore(%run_scoped3A : memref<!tpu.dma_semaphore, #tpu.memory_space<semaphore_mem>>) src(%dma_wait3A_62 : memref<128xi32, #tpu.memory_space<hbm>>) dst(%arg8 : memref<128xi32, #tpu.memory_space<vmem>>)
        tpu.yield
      }) : () -> ()
      %dma_start3A_34 = arith.constant 0 : i32
      %dma_start3A_35 = arith.constant 0 : i32
      %dma_start3A_36 = tpu.memref_slice %arg2[%dma_start3A_34, %dma_start3A_35] : memref<10000x128xf32, #tpu.memory_space<hbm>> -> memref<10000x128xf32, #tpu.memory_space<hbm>>
      tpu.enqueue_indirect_dma source(%dma_start3A_36 : memref<10000x128xf32, #tpu.memory_space<hbm>>) target(%arg11 : memref<128x128xf32, #tpu.memory_space<vmem>>) offsets(%arg7 : memref<128xi32, #tpu.memory_space<vmem>>) semaphore(%arg15 : memref<!tpu.dma_semaphore, #tpu.memory_space<semaphore_mem>>)
      %dma_start3A_37 = arith.constant 0 : i32
      %dma_start3A_38 = arith.constant 0 : i32
      %dma_start3A_39 = tpu.memref_slice %arg2[%dma_start3A_37, %dma_start3A_38] : memref<10000x128xf32, #tpu.memory_space<hbm>> -> memref<10000x128xf32, #tpu.memory_space<hbm>>
      tpu.enqueue_indirect_dma source(%dma_start3A_39 : memref<10000x128xf32, #tpu.memory_space<hbm>>) target(%arg12 : memref<128x128xf32, #tpu.memory_space<vmem>>) offsets(%arg8 : memref<128xi32, #tpu.memory_space<vmem>>) semaphore(%arg16 : memref<!tpu.dma_semaphore, #tpu.memory_space<semaphore_mem>>)
      "tpu.region"() ({
        %run_scoped3A = tpu.sem_alloc : memref<!tpu.dma_semaphore, #tpu.memory_space<semaphore_mem>>
        %dma_start3A_59 = tpu.memref_slice %arg3[%add3A_33] : memref<160000xi32, #tpu.memory_space<hbm>> -> memref<128xi32, #tpu.memory_space<hbm>>
        %dma_start3A_60 = tpu.memref_slice %arg3[%add3A_33] : memref<160000xi32, #tpu.memory_space<hbm>> -> memref<128xi32, #tpu.memory_space<hbm>>
        tpu.enqueue_dma source(%dma_start3A_60 : memref<128xi32, #tpu.memory_space<hbm>>) target(%arg9 : memref<128xi32, #tpu.memory_space<vmem>>) target_semaphore(%run_scoped3A : memref<!tpu.dma_semaphore, #tpu.memory_space<semaphore_mem>>)
        %dma_wait3A_61 = tpu.memref_slice %arg3[%add3A_33] : memref<160000xi32, #tpu.memory_space<hbm>> -> memref<128xi32, #tpu.memory_space<hbm>>
        %dma_wait3A_62 = tpu.memref_slice %arg3[%add3A_33] : memref<160000xi32, #tpu.memory_space<hbm>> -> memref<128xi32, #tpu.memory_space<hbm>>
        tpu.wait_dma2 semaphore(%run_scoped3A : memref<!tpu.dma_semaphore, #tpu.memory_space<semaphore_mem>>) src(%dma_wait3A_62 : memref<128xi32, #tpu.memory_space<hbm>>) dst(%arg9 : memref<128xi32, #tpu.memory_space<vmem>>)
        tpu.yield
      }) : () -> ()
      "tpu.region"() ({
        %run_scoped3A = tpu.sem_alloc : memref<!tpu.dma_semaphore, #tpu.memory_space<semaphore_mem>>
        %dma_start3A_59 = tpu.memref_slice %arg4[%add3A_33] : memref<160000xi32, #tpu.memory_space<hbm>> -> memref<128xi32, #tpu.memory_space<hbm>>
        %dma_start3A_60 = tpu.memref_slice %arg4[%add3A_33] : memref<160000xi32, #tpu.memory_space<hbm>> -> memref<128xi32, #tpu.memory_space<hbm>>
        tpu.enqueue_dma source(%dma_start3A_60 : memref<128xi32, #tpu.memory_space<hbm>>) target(%arg10 : memref<128xi32, #tpu.memory_space<vmem>>) target_semaphore(%run_scoped3A : memref<!tpu.dma_semaphore, #tpu.memory_space<semaphore_mem>>)
        %dma_wait3A_61 = tpu.memref_slice %arg4[%add3A_33] : memref<160000xi32, #tpu.memory_space<hbm>> -> memref<128xi32, #tpu.memory_space<hbm>>
        %dma_wait3A_62 = tpu.memref_slice %arg4[%add3A_33] : memref<160000xi32, #tpu.memory_space<hbm>> -> memref<128xi32, #tpu.memory_space<hbm>>
        tpu.wait_dma2 semaphore(%run_scoped3A : memref<!tpu.dma_semaphore, #tpu.memory_space<semaphore_mem>>) src(%dma_wait3A_62 : memref<128xi32, #tpu.memory_space<hbm>>) dst(%arg10 : memref<128xi32, #tpu.memory_space<vmem>>)
        tpu.yield
      }) : () -> ()
      %dma_start3A_40 = arith.constant 0 : i32
      %dma_start3A_41 = arith.constant 0 : i32
      %dma_start3A_42 = tpu.memref_slice %arg2[%dma_start3A_40, %dma_start3A_41] : memref<10000x128xf32, #tpu.memory_space<hbm>> -> memref<10000x128xf32, #tpu.memory_space<hbm>>
      tpu.enqueue_indirect_dma source(%dma_start3A_42 : memref<10000x128xf32, #tpu.memory_space<hbm>>) target(%arg13 : memref<128x128xf32, #tpu.memory_space<vmem>>) offsets(%arg9 : memref<128xi32, #tpu.memory_space<vmem>>) semaphore(%arg17 : memref<!tpu.dma_semaphore, #tpu.memory_space<semaphore_mem>>)
      %dma_start3A_43 = arith.constant 0 : i32
      %dma_start3A_44 = arith.constant 0 : i32
      %dma_start3A_45 = tpu.memref_slice %arg2[%dma_start3A_43, %dma_start3A_44] : memref<10000x128xf32, #tpu.memory_space<hbm>> -> memref<10000x128xf32, #tpu.memory_space<hbm>>
      tpu.enqueue_indirect_dma source(%dma_start3A_45 : memref<10000x128xf32, #tpu.memory_space<hbm>>) target(%arg14 : memref<128x128xf32, #tpu.memory_space<vmem>>) offsets(%arg10 : memref<128xi32, #tpu.memory_space<vmem>>) semaphore(%arg18 : memref<!tpu.dma_semaphore, #tpu.memory_space<semaphore_mem>>)
      %dma_wait3A_46 = arith.constant 0 : i32
      %dma_wait3A_47 = arith.constant 0 : i32
      %dma_wait3A_48 = tpu.memref_slice %arg2[%dma_wait3A_46, %dma_wait3A_47] : memref<10000x128xf32, #tpu.memory_space<hbm>> -> memref<10000x128xf32, #tpu.memory_space<hbm>>
      tpu.wait_indirect_dma semaphore(%arg15 : memref<!tpu.dma_semaphore, #tpu.memory_space<semaphore_mem>>) src(%dma_wait3A_48 : memref<10000x128xf32, #tpu.memory_space<hbm>>) dst(%arg11 : memref<128x128xf32, #tpu.memory_space<vmem>>)
      %dma_wait3A_49 = arith.constant 0 : i32
      %dma_wait3A_50 = arith.constant 0 : i32
      %dma_wait3A_51 = tpu.memref_slice %arg2[%dma_wait3A_49, %dma_wait3A_50] : memref<10000x128xf32, #tpu.memory_space<hbm>> -> memref<10000x128xf32, #tpu.memory_space<hbm>>
      tpu.wait_indirect_dma semaphore(%arg16 : memref<!tpu.dma_semaphore, #tpu.memory_space<semaphore_mem>>) src(%dma_wait3A_51 : memref<10000x128xf32, #tpu.memory_space<hbm>>) dst(%arg12 : memref<128x128xf32, #tpu.memory_space<vmem>>)
      "tpu.region"() ({
        %run_scoped3A = tpu.sem_alloc : memref<!tpu.dma_semaphore, #tpu.memory_space<semaphore_mem>>
        %dma_start3A_59 = arith.constant 0 : i32
        %dma_start3A_60 = tpu.memref_slice %arg5[%mul3A_31, %dma_start3A_59] : memref<160000x128xf32, #tpu.memory_space<hbm>> -> memref<128x128xf32, #tpu.memory_space<hbm>>
        %dma_start3A_61 = arith.constant 0 : i32
        %dma_start3A_62 = tpu.memref_slice %arg5[%mul3A_31, %dma_start3A_61] : memref<160000x128xf32, #tpu.memory_space<hbm>> -> memref<128x128xf32, #tpu.memory_space<hbm>>
        tpu.enqueue_dma source(%arg11 : memref<128x128xf32, #tpu.memory_space<vmem>>) target(%dma_start3A_62 : memref<128x128xf32, #tpu.memory_space<hbm>>) target_semaphore(%run_scoped3A : memref<!tpu.dma_semaphore, #tpu.memory_space<semaphore_mem>>)
        %dma_wait3A_63 = arith.constant 0 : i32
        %dma_wait3A_64 = tpu.memref_slice %arg5[%mul3A_31, %dma_wait3A_63] : memref<160000x128xf32, #tpu.memory_space<hbm>> -> memref<128x128xf32, #tpu.memory_space<hbm>>
        %dma_wait3A_65 = arith.constant 0 : i32
        %dma_wait3A_66 = tpu.memref_slice %arg5[%mul3A_31, %dma_wait3A_65] : memref<160000x128xf32, #tpu.memory_space<hbm>> -> memref<128x128xf32, #tpu.memory_space<hbm>>
        tpu.wait_dma2 semaphore(%run_scoped3A : memref<!tpu.dma_semaphore, #tpu.memory_space<semaphore_mem>>) src(%arg11 : memref<128x128xf32, #tpu.memory_space<vmem>>) dst(%dma_wait3A_66 : memref<128x128xf32, #tpu.memory_space<hbm>>)
        tpu.yield
      }) : () -> ()
      "tpu.region"() ({
        %run_scoped3A = tpu.sem_alloc : memref<!tpu.dma_semaphore, #tpu.memory_space<semaphore_mem>>
        %dma_start3A_59 = arith.constant 0 : i32
        %dma_start3A_60 = tpu.memref_slice %arg6[%mul3A_31, %dma_start3A_59] : memref<160000x128xf32, #tpu.memory_space<hbm>> -> memref<128x128xf32, #tpu.memory_space<hbm>>
        %dma_start3A_61 = arith.constant 0 : i32
        %dma_start3A_62 = tpu.memref_slice %arg6[%mul3A_31, %dma_start3A_61] : memref<160000x128xf32, #tpu.memory_space<hbm>> -> memref<128x128xf32, #tpu.memory_space<hbm>>
        tpu.enqueue_dma source(%arg12 : memref<128x128xf32, #tpu.memory_space<vmem>>) target(%dma_start3A_62 : memref<128x128xf32, #tpu.memory_space<hbm>>) target_semaphore(%run_scoped3A : memref<!tpu.dma_semaphore, #tpu.memory_space<semaphore_mem>>)
        %dma_wait3A_63 = arith.constant 0 : i32
        %dma_wait3A_64 = tpu.memref_slice %arg6[%mul3A_31, %dma_wait3A_63] : memref<160000x128xf32, #tpu.memory_space<hbm>> -> memref<128x128xf32, #tpu.memory_space<hbm>>
        %dma_wait3A_65 = arith.constant 0 : i32
        %dma_wait3A_66 = tpu.memref_slice %arg6[%mul3A_31, %dma_wait3A_65] : memref<160000x128xf32, #tpu.memory_space<hbm>> -> memref<128x128xf32, #tpu.memory_space<hbm>>
        tpu.wait_dma2 semaphore(%run_scoped3A : memref<!tpu.dma_semaphore, #tpu.memory_space<semaphore_mem>>) src(%arg12 : memref<128x128xf32, #tpu.memory_space<vmem>>) dst(%dma_wait3A_66 : memref<128x128xf32, #tpu.memory_space<hbm>>)
        tpu.yield
      }) : () -> ()
      %dma_wait3A_52 = arith.constant 0 : i32
      %dma_wait3A_53 = arith.constant 0 : i32
      %dma_wait3A_54 = tpu.memref_slice %arg2[%dma_wait3A_52, %dma_wait3A_53] : memref<10000x128xf32, #tpu.memory_space<hbm>> -> memref<10000x128xf32, #tpu.memory_space<hbm>>
      tpu.wait_indirect_dma semaphore(%arg17 : memref<!tpu.dma_semaphore, #tpu.memory_space<semaphore_mem>>) src(%dma_wait3A_54 : memref<10000x128xf32, #tpu.memory_space<hbm>>) dst(%arg13 : memref<128x128xf32, #tpu.memory_space<vmem>>)
      %dma_wait3A_55 = arith.constant 0 : i32
      %dma_wait3A_56 = arith.constant 0 : i32
      %dma_wait3A_57 = tpu.memref_slice %arg2[%dma_wait3A_55, %dma_wait3A_56] : memref<10000x128xf32, #tpu.memory_space<hbm>> -> memref<10000x128xf32, #tpu.memory_space<hbm>>
      tpu.wait_indirect_dma semaphore(%arg18 : memref<!tpu.dma_semaphore, #tpu.memory_space<semaphore_mem>>) src(%dma_wait3A_57 : memref<10000x128xf32, #tpu.memory_space<hbm>>) dst(%arg14 : memref<128x128xf32, #tpu.memory_space<vmem>>)
      "tpu.region"() ({
        %run_scoped3A = tpu.sem_alloc : memref<!tpu.dma_semaphore, #tpu.memory_space<semaphore_mem>>
        %dma_start3A_59 = arith.constant 0 : i32
        %dma_start3A_60 = tpu.memref_slice %arg5[%add3A_33, %dma_start3A_59] : memref<160000x128xf32, #tpu.memory_space<hbm>> -> memref<128x128xf32, #tpu.memory_space<hbm>>
        %dma_start3A_61 = arith.constant 0 : i32
        %dma_start3A_62 = tpu.memref_slice %arg5[%add3A_33, %dma_start3A_61] : memref<160000x128xf32, #tpu.memory_space<hbm>> -> memref<128x128xf32, #tpu.memory_space<hbm>>
        tpu.enqueue_dma source(%arg13 : memref<128x128xf32, #tpu.memory_space<vmem>>) target(%dma_start3A_62 : memref<128x128xf32, #tpu.memory_space<hbm>>) target_semaphore(%run_scoped3A : memref<!tpu.dma_semaphore, #tpu.memory_space<semaphore_mem>>)
        %dma_wait3A_63 = arith.constant 0 : i32
        %dma_wait3A_64 = tpu.memref_slice %arg5[%add3A_33, %dma_wait3A_63] : memref<160000x128xf32, #tpu.memory_space<hbm>> -> memref<128x128xf32, #tpu.memory_space<hbm>>
        %dma_wait3A_65 = arith.constant 0 : i32
        %dma_wait3A_66 = tpu.memref_slice %arg5[%add3A_33, %dma_wait3A_65] : memref<160000x128xf32, #tpu.memory_space<hbm>> -> memref<128x128xf32, #tpu.memory_space<hbm>>
        tpu.wait_dma2 semaphore(%run_scoped3A : memref<!tpu.dma_semaphore, #tpu.memory_space<semaphore_mem>>) src(%arg13 : memref<128x128xf32, #tpu.memory_space<vmem>>) dst(%dma_wait3A_66 : memref<128x128xf32, #tpu.memory_space<hbm>>)
        tpu.yield
      }) : () -> ()
      "tpu.region"() ({
        %run_scoped3A = tpu.sem_alloc : memref<!tpu.dma_semaphore, #tpu.memory_space<semaphore_mem>>
        %dma_start3A_59 = arith.constant 0 : i32
        %dma_start3A_60 = tpu.memref_slice %arg6[%add3A_33, %dma_start3A_59] : memref<160000x128xf32, #tpu.memory_space<hbm>> -> memref<128x128xf32, #tpu.memory_space<hbm>>
        %dma_start3A_61 = arith.constant 0 : i32
        %dma_start3A_62 = tpu.memref_slice %arg6[%add3A_33, %dma_start3A_61] : memref<160000x128xf32, #tpu.memory_space<hbm>> -> memref<128x128xf32, #tpu.memory_space<hbm>>
        tpu.enqueue_dma source(%arg14 : memref<128x128xf32, #tpu.memory_space<vmem>>) target(%dma_start3A_62 : memref<128x128xf32, #tpu.memory_space<hbm>>) target_semaphore(%run_scoped3A : memref<!tpu.dma_semaphore, #tpu.memory_space<semaphore_mem>>)
        %dma_wait3A_63 = arith.constant 0 : i32
        %dma_wait3A_64 = tpu.memref_slice %arg6[%add3A_33, %dma_wait3A_63] : memref<160000x128xf32, #tpu.memory_space<hbm>> -> memref<128x128xf32, #tpu.memory_space<hbm>>
        %dma_wait3A_65 = arith.constant 0 : i32
        %dma_wait3A_66 = tpu.memref_slice %arg6[%add3A_33, %dma_wait3A_65] : memref<160000x128xf32, #tpu.memory_space<hbm>> -> memref<128x128xf32, #tpu.memory_space<hbm>>
        tpu.wait_dma2 semaphore(%run_scoped3A : memref<!tpu.dma_semaphore, #tpu.memory_space<semaphore_mem>>) src(%arg14 : memref<128x128xf32, #tpu.memory_space<vmem>>) dst(%dma_wait3A_66 : memref<128x128xf32, #tpu.memory_space<hbm>>)
        tpu.yield
      }) : () -> ()
      %scan3A_58 = arith.constant 0 : i32
      scf.yield %scan3A_58 : i32
    }
    %scan3A_8 = arith.constant 19 : i32
    %add3A_9 = arith.constant 38 : i32
    %add3A_10 = arith.addi %mul3A_2, %add3A_9 : i32
    %mul3A_11 = arith.constant 128 : i32
    %mul3A_12 = arith.muli %add3A_10, %mul3A_11 : i32
    "tpu.region"() ({
      %run_scoped3A = tpu.sem_alloc : memref<!tpu.dma_semaphore, #tpu.memory_space<semaphore_mem>>
      %dma_start3A_25 = tpu.memref_slice %arg3[%mul3A_12] : memref<160000xi32, #tpu.memory_space<hbm>> -> memref<128xi32, #tpu.memory_space<hbm>>
      %dma_start3A_26 = tpu.memref_slice %arg3[%mul3A_12] : memref<160000xi32, #tpu.memory_space<hbm>> -> memref<128xi32, #tpu.memory_space<hbm>>
      tpu.enqueue_dma source(%dma_start3A_26 : memref<128xi32, #tpu.memory_space<hbm>>) target(%arg7 : memref<128xi32, #tpu.memory_space<vmem>>) target_semaphore(%run_scoped3A : memref<!tpu.dma_semaphore, #tpu.memory_space<semaphore_mem>>)
      %dma_wait3A_27 = tpu.memref_slice %arg3[%mul3A_12] : memref<160000xi32, #tpu.memory_space<hbm>> -> memref<128xi32, #tpu.memory_space<hbm>>
      %dma_wait3A_28 = tpu.memref_slice %arg3[%mul3A_12] : memref<160000xi32, #tpu.memory_space<hbm>> -> memref<128xi32, #tpu.memory_space<hbm>>
      tpu.wait_dma2 semaphore(%run_scoped3A : memref<!tpu.dma_semaphore, #tpu.memory_space<semaphore_mem>>) src(%dma_wait3A_28 : memref<128xi32, #tpu.memory_space<hbm>>) dst(%arg7 : memref<128xi32, #tpu.memory_space<vmem>>)
      tpu.yield
    }) : () -> ()
    "tpu.region"() ({
      %run_scoped3A = tpu.sem_alloc : memref<!tpu.dma_semaphore, #tpu.memory_space<semaphore_mem>>
      %dma_start3A_25 = tpu.memref_slice %arg4[%mul3A_12] : memref<160000xi32, #tpu.memory_space<hbm>> -> memref<128xi32, #tpu.memory_space<hbm>>
      %dma_start3A_26 = tpu.memref_slice %arg4[%mul3A_12] : memref<160000xi32, #tpu.memory_space<hbm>> -> memref<128xi32, #tpu.memory_space<hbm>>
      tpu.enqueue_dma source(%dma_start3A_26 : memref<128xi32, #tpu.memory_space<hbm>>) target(%arg8 : memref<128xi32, #tpu.memory_space<vmem>>) target_semaphore(%run_scoped3A : memref<!tpu.dma_semaphore, #tpu.memory_space<semaphore_mem>>)
      %dma_wait3A_27 = tpu.memref_slice %arg4[%mul3A_12] : memref<160000xi32, #tpu.memory_space<hbm>> -> memref<128xi32, #tpu.memory_space<hbm>>
      %dma_wait3A_28 = tpu.memref_slice %arg4[%mul3A_12] : memref<160000xi32, #tpu.memory_space<hbm>> -> memref<128xi32, #tpu.memory_space<hbm>>
      tpu.wait_dma2 semaphore(%run_scoped3A : memref<!tpu.dma_semaphore, #tpu.memory_space<semaphore_mem>>) src(%dma_wait3A_28 : memref<128xi32, #tpu.memory_space<hbm>>) dst(%arg8 : memref<128xi32, #tpu.memory_space<vmem>>)
      tpu.yield
    }) : () -> ()
    %dma_start3A = arith.constant 0 : i32
    %dma_start3A_13 = arith.constant 0 : i32
    %dma_start3A_14 = tpu.memref_slice %arg2[%dma_start3A, %dma_start3A_13] : memref<10000x128xf32, #tpu.memory_space<hbm>> -> memref<10000x128xf32, #tpu.memory_space<hbm>>
    tpu.enqueue_indirect_dma source(%dma_start3A_14 : memref<10000x128xf32, #tpu.memory_space<hbm>>) target(%arg11 : memref<128x128xf32, #tpu.memory_space<vmem>>) offsets(%arg7 : memref<128xi32, #tpu.memory_space<vmem>>) semaphore(%arg15 : memref<!tpu.dma_semaphore, #tpu.memory_space<semaphore_mem>>)
    %dma_start3A_15 = arith.constant 0 : i32
    %dma_start3A_16 = arith.constant 0 : i32
    %dma_start3A_17 = tpu.memref_slice %arg2[%dma_start3A_15, %dma_start3A_16] : memref<10000x128xf32, #tpu.memory_space<hbm>> -> memref<10000x128xf32, #tpu.memory_space<hbm>>
    tpu.enqueue_indirect_dma source(%dma_start3A_17 : memref<10000x128xf32, #tpu.memory_space<hbm>>) target(%arg12 : memref<128x128xf32, #tpu.memory_space<vmem>>) offsets(%arg8 : memref<128xi32, #tpu.memory_space<vmem>>) semaphore(%arg16 : memref<!tpu.dma_semaphore, #tpu.memory_space<semaphore_mem>>)
    %dma_wait3A = arith.constant 0 : i32
    %dma_wait3A_18 = arith.constant 0 : i32
    %dma_wait3A_19 = tpu.memref_slice %arg2[%dma_wait3A, %dma_wait3A_18] : memref<10000x128xf32, #tpu.memory_space<hbm>> -> memref<10000x128xf32, #tpu.memory_space<hbm>>
    tpu.wait_indirect_dma semaphore(%arg15 : memref<!tpu.dma_semaphore, #tpu.memory_space<semaphore_mem>>) src(%dma_wait3A_19 : memref<10000x128xf32, #tpu.memory_space<hbm>>) dst(%arg11 : memref<128x128xf32, #tpu.memory_space<vmem>>)
    %dma_wait3A_20 = arith.constant 0 : i32
    %dma_wait3A_21 = arith.constant 0 : i32
    %dma_wait3A_22 = tpu.memref_slice %arg2[%dma_wait3A_20, %dma_wait3A_21] : memref<10000x128xf32, #tpu.memory_space<hbm>> -> memref<10000x128xf32, #tpu.memory_space<hbm>>
    tpu.wait_indirect_dma semaphore(%arg16 : memref<!tpu.dma_semaphore, #tpu.memory_space<semaphore_mem>>) src(%dma_wait3A_22 : memref<10000x128xf32, #tpu.memory_space<hbm>>) dst(%arg12 : memref<128x128xf32, #tpu.memory_space<vmem>>)
    "tpu.region"() ({
      %run_scoped3A = tpu.sem_alloc : memref<!tpu.dma_semaphore, #tpu.memory_space<semaphore_mem>>
      %dma_start3A_25 = arith.constant 0 : i32
      %dma_start3A_26 = tpu.memref_slice %arg5[%mul3A_12, %dma_start3A_25] : memref<160000x128xf32, #tpu.memory_space<hbm>> -> memref<128x128xf32, #tpu.memory_space<hbm>>
      %dma_start3A_27 = arith.constant 0 : i32
      %dma_start3A_28 = tpu.memref_slice %arg5[%mul3A_12, %dma_start3A_27] : memref<160000x128xf32, #tpu.memory_space<hbm>> -> memref<128x128xf32, #tpu.memory_space<hbm>>
      tpu.enqueue_dma source(%arg11 : memref<128x128xf32, #tpu.memory_space<vmem>>) target(%dma_start3A_28 : memref<128x128xf32, #tpu.memory_space<hbm>>) target_semaphore(%run_scoped3A : memref<!tpu.dma_semaphore, #tpu.memory_space<semaphore_mem>>)
      %dma_wait3A_29 = arith.constant 0 : i32
      %dma_wait3A_30 = tpu.memref_slice %arg5[%mul3A_12, %dma_wait3A_29] : memref<160000x128xf32, #tpu.memory_space<hbm>> -> memref<128x128xf32, #tpu.memory_space<hbm>>
      %dma_wait3A_31 = arith.constant 0 : i32
      %dma_wait3A_32 = tpu.memref_slice %arg5[%mul3A_12, %dma_wait3A_31] : memref<160000x128xf32, #tpu.memory_space<hbm>> -> memref<128x128xf32, #tpu.memory_space<hbm>>
      tpu.wait_dma2 semaphore(%run_scoped3A : memref<!tpu.dma_semaphore, #tpu.memory_space<semaphore_mem>>) src(%arg11 : memref<128x128xf32, #tpu.memory_space<vmem>>) dst(%dma_wait3A_32 : memref<128x128xf32, #tpu.memory_space<hbm>>)
      tpu.yield
    }) : () -> ()
    "tpu.region"() ({
      %run_scoped3A = tpu.sem_alloc : memref<!tpu.dma_semaphore, #tpu.memory_space<semaphore_mem>>
      %dma_start3A_25 = arith.constant 0 : i32
      %dma_start3A_26 = tpu.memref_slice %arg6[%mul3A_12, %dma_start3A_25] : memref<160000x128xf32, #tpu.memory_space<hbm>> -> memref<128x128xf32, #tpu.memory_space<hbm>>
      %dma_start3A_27 = arith.constant 0 : i32
      %dma_start3A_28 = tpu.memref_slice %arg6[%mul3A_12, %dma_start3A_27] : memref<160000x128xf32, #tpu.memory_space<hbm>> -> memref<128x128xf32, #tpu.memory_space<hbm>>
      tpu.enqueue_dma source(%arg12 : memref<128x128xf32, #tpu.memory_space<vmem>>) target(%dma_start3A_28 : memref<128x128xf32, #tpu.memory_space<hbm>>) target_semaphore(%run_scoped3A : memref<!tpu.dma_semaphore, #tpu.memory_space<semaphore_mem>>)
      %dma_wait3A_29 = arith.constant 0 : i32
      %dma_wait3A_30 = tpu.memref_slice %arg6[%mul3A_12, %dma_wait3A_29] : memref<160000x128xf32, #tpu.memory_space<hbm>> -> memref<128x128xf32, #tpu.memory_space<hbm>>
      %dma_wait3A_31 = arith.constant 0 : i32
      %dma_wait3A_32 = tpu.memref_slice %arg6[%mul3A_12, %dma_wait3A_31] : memref<160000x128xf32, #tpu.memory_space<hbm>> -> memref<128x128xf32, #tpu.memory_space<hbm>>
      tpu.wait_dma2 semaphore(%run_scoped3A : memref<!tpu.dma_semaphore, #tpu.memory_space<semaphore_mem>>) src(%arg12 : memref<128x128xf32, #tpu.memory_space<vmem>>) dst(%dma_wait3A_32 : memref<128x128xf32, #tpu.memory_space<hbm>>)
      tpu.yield
    }) : () -> ()
    %lt3A = arith.constant 2 : i32
    %lt3A_23 = arith.cmpi slt, %add3A, %lt3A : i32
    %convert_element_type3A = arith.extui %lt3A_23 : i1 to i32
    %cond3A = arith.constant 0 : i32
    %cond3A_24 = arith.cmpi ne, %convert_element_type3A, %cond3A : i32
    scf.if %cond3A_24 {
      %add3A_25 = arith.constant 1248 : i32
      %add3A_26 = arith.addi %add3A_25, %add3A : i32
      %mul3A_27 = arith.constant 128 : i32
      %mul3A_28 = arith.muli %add3A_26, %mul3A_27 : i32
      "tpu.region"() ({
        %run_scoped3A = tpu.sem_alloc : memref<!tpu.dma_semaphore, #tpu.memory_space<semaphore_mem>>
        %dma_start3A_41 = tpu.memref_slice %arg3[%mul3A_28] : memref<160000xi32, #tpu.memory_space<hbm>> -> memref<128xi32, #tpu.memory_space<hbm>>
        %dma_start3A_42 = tpu.memref_slice %arg3[%mul3A_28] : memref<160000xi32, #tpu.memory_space<hbm>> -> memref<128xi32, #tpu.memory_space<hbm>>
        tpu.enqueue_dma source(%dma_start3A_42 : memref<128xi32, #tpu.memory_space<hbm>>) target(%arg7 : memref<128xi32, #tpu.memory_space<vmem>>) target_semaphore(%run_scoped3A : memref<!tpu.dma_semaphore, #tpu.memory_space<semaphore_mem>>)
        %dma_wait3A_43 = tpu.memref_slice %arg3[%mul3A_28] : memref<160000xi32, #tpu.memory_space<hbm>> -> memref<128xi32, #tpu.memory_space<hbm>>
        %dma_wait3A_44 = tpu.memref_slice %arg3[%mul3A_28] : memref<160000xi32, #tpu.memory_space<hbm>> -> memref<128xi32, #tpu.memory_space<hbm>>
        tpu.wait_dma2 semaphore(%run_scoped3A : memref<!tpu.dma_semaphore, #tpu.memory_space<semaphore_mem>>) src(%dma_wait3A_44 : memref<128xi32, #tpu.memory_space<hbm>>) dst(%arg7 : memref<128xi32, #tpu.memory_space<vmem>>)
        tpu.yield
      }) : () -> ()
      "tpu.region"() ({
        %run_scoped3A = tpu.sem_alloc : memref<!tpu.dma_semaphore, #tpu.memory_space<semaphore_mem>>
        %dma_start3A_41 = tpu.memref_slice %arg4[%mul3A_28] : memref<160000xi32, #tpu.memory_space<hbm>> -> memref<128xi32, #tpu.memory_space<hbm>>
        %dma_start3A_42 = tpu.memref_slice %arg4[%mul3A_28] : memref<160000xi32, #tpu.memory_space<hbm>> -> memref<128xi32, #tpu.memory_space<hbm>>
        tpu.enqueue_dma source(%dma_start3A_42 : memref<128xi32, #tpu.memory_space<hbm>>) target(%arg8 : memref<128xi32, #tpu.memory_space<vmem>>) target_semaphore(%run_scoped3A : memref<!tpu.dma_semaphore, #tpu.memory_space<semaphore_mem>>)
        %dma_wait3A_43 = tpu.memref_slice %arg4[%mul3A_28] : memref<160000xi32, #tpu.memory_space<hbm>> -> memref<128xi32, #tpu.memory_space<hbm>>
        %dma_wait3A_44 = tpu.memref_slice %arg4[%mul3A_28] : memref<160000xi32, #tpu.memory_space<hbm>> -> memref<128xi32, #tpu.memory_space<hbm>>
        tpu.wait_dma2 semaphore(%run_scoped3A : memref<!tpu.dma_semaphore, #tpu.memory_space<semaphore_mem>>) src(%dma_wait3A_44 : memref<128xi32, #tpu.memory_space<hbm>>) dst(%arg8 : memref<128xi32, #tpu.memory_space<vmem>>)
        tpu.yield
      }) : () -> ()
      %dma_start3A_29 = arith.constant 0 : i32
      %dma_start3A_30 = arith.constant 0 : i32
      %dma_start3A_31 = tpu.memref_slice %arg2[%dma_start3A_29, %dma_start3A_30] : memref<10000x128xf32, #tpu.memory_space<hbm>> -> memref<10000x128xf32, #tpu.memory_space<hbm>>
      tpu.enqueue_indirect_dma source(%dma_start3A_31 : memref<10000x128xf32, #tpu.memory_space<hbm>>) target(%arg11 : memref<128x128xf32, #tpu.memory_space<vmem>>) offsets(%arg7 : memref<128xi32, #tpu.memory_space<vmem>>) semaphore(%arg15 : memref<!tpu.dma_semaphore, #tpu.memory_space<semaphore_mem>>)
      %dma_start3A_32 = arith.constant 0 : i32
      %dma_start3A_33 = arith.constant 0 : i32
      %dma_start3A_34 = tpu.memref_slice %arg2[%dma_start3A_32, %dma_start3A_33] : memref<10000x128xf32, #tpu.memory_space<hbm>> -> memref<10000x128xf32, #tpu.memory_space<hbm>>
      tpu.enqueue_indirect_dma source(%dma_start3A_34 : memref<10000x128xf32, #tpu.memory_space<hbm>>) target(%arg12 : memref<128x128xf32, #tpu.memory_space<vmem>>) offsets(%arg8 : memref<128xi32, #tpu.memory_space<vmem>>) semaphore(%arg16 : memref<!tpu.dma_semaphore, #tpu.memory_space<semaphore_mem>>)
      %dma_wait3A_35 = arith.constant 0 : i32
      %dma_wait3A_36 = arith.constant 0 : i32
      %dma_wait3A_37 = tpu.memref_slice %arg2[%dma_wait3A_35, %dma_wait3A_36] : memref<10000x128xf32, #tpu.memory_space<hbm>> -> memref<10000x128xf32, #tpu.memory_space<hbm>>
      tpu.wait_indirect_dma semaphore(%arg15 : memref<!tpu.dma_semaphore, #tpu.memory_space<semaphore_mem>>) src(%dma_wait3A_37 : memref<10000x128xf32, #tpu.memory_space<hbm>>) dst(%arg11 : memref<128x128xf32, #tpu.memory_space<vmem>>)
      %dma_wait3A_38 = arith.constant 0 : i32
      %dma_wait3A_39 = arith.constant 0 : i32
      %dma_wait3A_40 = tpu.memref_slice %arg2[%dma_wait3A_38, %dma_wait3A_39] : memref<10000x128xf32, #tpu.memory_space<hbm>> -> memref<10000x128xf32, #tpu.memory_space<hbm>>
      tpu.wait_indirect_dma semaphore(%arg16 : memref<!tpu.dma_semaphore, #tpu.memory_space<semaphore_mem>>) src(%dma_wait3A_40 : memref<10000x128xf32, #tpu.memory_space<hbm>>) dst(%arg12 : memref<128x128xf32, #tpu.memory_space<vmem>>)
      "tpu.region"() ({
        %run_scoped3A = tpu.sem_alloc : memref<!tpu.dma_semaphore, #tpu.memory_space<semaphore_mem>>
        %dma_start3A_41 = arith.constant 0 : i32
        %dma_start3A_42 = tpu.memref_slice %arg5[%mul3A_28, %dma_start3A_41] : memref<160000x128xf32, #tpu.memory_space<hbm>> -> memref<128x128xf32, #tpu.memory_space<hbm>>
        %dma_start3A_43 = arith.constant 0 : i32
        %dma_start3A_44 = tpu.memref_slice %arg5[%mul3A_28, %dma_start3A_43] : memref<160000x128xf32, #tpu.memory_space<hbm>> -> memref<128x128xf32, #tpu.memory_space<hbm>>
        tpu.enqueue_dma source(%arg11 : memref<128x128xf32, #tpu.memory_space<vmem>>) target(%dma_start3A_44 : memref<128x128xf32, #tpu.memory_space<hbm>>) target_semaphore(%run_scoped3A : memref<!tpu.dma_semaphore, #tpu.memory_space<semaphore_mem>>)
        %dma_wait3A_45 = arith.constant 0 : i32
        %dma_wait3A_46 = tpu.memref_slice %arg5[%mul3A_28, %dma_wait3A_45] : memref<160000x128xf32, #tpu.memory_space<hbm>> -> memref<128x128xf32, #tpu.memory_space<hbm>>
        %dma_wait3A_47 = arith.constant 0 : i32
        %dma_wait3A_48 = tpu.memref_slice %arg5[%mul3A_28, %dma_wait3A_47] : memref<160000x128xf32, #tpu.memory_space<hbm>> -> memref<128x128xf32, #tpu.memory_space<hbm>>
        tpu.wait_dma2 semaphore(%run_scoped3A : memref<!tpu.dma_semaphore, #tpu.memory_space<semaphore_mem>>) src(%arg11 : memref<128x128xf32, #tpu.memory_space<vmem>>) dst(%dma_wait3A_48 : memref<128x128xf32, #tpu.memory_space<hbm>>)
        tpu.yield
      }) : () -> ()
      "tpu.region"() ({
        %run_scoped3A = tpu.sem_alloc : memref<!tpu.dma_semaphore, #tpu.memory_space<semaphore_mem>>
        %dma_start3A_41 = arith.constant 0 : i32
        %dma_start3A_42 = tpu.memref_slice %arg6[%mul3A_28, %dma_start3A_41] : memref<160000x128xf32, #tpu.memory_space<hbm>> -> memref<128x128xf32, #tpu.memory_space<hbm>>
        %dma_start3A_43 = arith.constant 0 : i32
        %dma_start3A_44 = tpu.memref_slice %arg6[%mul3A_28, %dma_start3A_43] : memref<160000x128xf32, #tpu.memory_space<hbm>> -> memref<128x128xf32, #tpu.memory_space<hbm>>
        tpu.enqueue_dma source(%arg12 : memref<128x128xf32, #tpu.memory_space<vmem>>) target(%dma_start3A_44 : memref<128x128xf32, #tpu.memory_space<hbm>>) target_semaphore(%run_scoped3A : memref<!tpu.dma_semaphore, #tpu.memory_space<semaphore_mem>>)
        %dma_wait3A_45 = arith.constant 0 : i32
        %dma_wait3A_46 = tpu.memref_slice %arg6[%mul3A_28, %dma_wait3A_45] : memref<160000x128xf32, #tpu.memory_space<hbm>> -> memref<128x128xf32, #tpu.memory_space<hbm>>
        %dma_wait3A_47 = arith.constant 0 : i32
        %dma_wait3A_48 = tpu.memref_slice %arg6[%mul3A_28, %dma_wait3A_47] : memref<160000x128xf32, #tpu.memory_space<hbm>> -> memref<128x128xf32, #tpu.memory_space<hbm>>
        tpu.wait_dma2 semaphore(%run_scoped3A : memref<!tpu.dma_semaphore, #tpu.memory_space<semaphore_mem>>) src(%arg12 : memref<128x128xf32, #tpu.memory_space<vmem>>) dst(%dma_wait3A_48 : memref<128x128xf32, #tpu.memory_space<hbm>>)
        tpu.yield
      }) : () -> ()
    } else {
    }
    return
  }
}

module attributes {stable_mosaic.version = 14 : i64} {
  func.func @_mlp1_body(%arg0: i32, %arg1: memref<4000x128xf32, #tpu.memory_space<vmem>>, %arg2: memref<4000x128xf32, #tpu.memory_space<vmem>>, %arg3: memref<4000x128xf32, #tpu.memory_space<vmem>>, %arg4: memref<384x128xf32, #tpu.memory_space<vmem>>, %arg5: memref<1x128xf32, #tpu.memory_space<vmem>>, %arg6: memref<128x384xf32, #tpu.memory_space<vmem>>, %arg7: memref<1x384xf32, #tpu.memory_space<vmem>>, %arg8: memref<4000x128xf32, #tpu.memory_space<vmem>>, %arg9: memref<4000x128xf32, #tpu.memory_space<vmem>>, %arg10: memref<4000x128xf32, #tpu.memory_space<vmem>>) attributes {dimension_semantics = [#tpu.dimension_semantics<arbitrary>], iteration_bounds = array<i64: 40>, scalar_prefetch = 0 : i64, scratch_operands = 0 : i64, tpu.core_type = #tpu.core_type<tc>, window_params = [{transform_indices = @transform_0, window_bounds = array<i64: 4000, 128>}, {transform_indices = @transform_1, window_bounds = array<i64: 4000, 128>}, {transform_indices = @transform_2, window_bounds = array<i64: 4000, 128>}, {pipeline_mode = #tpu.pipeline_mode<synchronous>, transform_indices = @transform_3, window_bounds = array<i64: 384, 128>}, {pipeline_mode = #tpu.pipeline_mode<synchronous>, transform_indices = @transform_4, window_bounds = array<i64: 1, 128>}, {pipeline_mode = #tpu.pipeline_mode<synchronous>, transform_indices = @transform_5, window_bounds = array<i64: 128, 384>}, {pipeline_mode = #tpu.pipeline_mode<synchronous>, transform_indices = @transform_6, window_bounds = array<i64: 1, 384>}, {transform_indices = @transform_7, window_bounds = array<i64: 4000, 128>}, {transform_indices = @transform_8, window_bounds = array<i64: 4000, 128>}, {transform_indices = @transform_9, window_bounds = array<i64: 4000, 128>}]} {
    %get3A = arith.constant 0 : index
    %get3A_0 = arith.constant 0 : index
    %get3A_1 = vector.load %arg4[%get3A, %get3A_0] : memref<384x128xf32, #tpu.memory_space<vmem>>, vector<384x128xf32>
    %convert_element_type3A = arith.truncf %get3A_1 : vector<384x128xf32> to vector<384x128xbf16>
    %get3A_2 = arith.constant 0 : index
    %get3A_3 = arith.constant 0 : index
    %get3A_4 = vector.load %arg1[%get3A_2, %get3A_3] : memref<4000x128xf32, #tpu.memory_space<vmem>>, vector<4000x128xf32>
    %convert_element_type3A_5 = arith.truncf %get3A_4 : vector<4000x128xf32> to vector<4000x128xbf16>
    %slice3A = vector.extract_strided_slice %convert_element_type3A {offsets = [0, 0], sizes = [128, 128], strides = [1, 1]} : vector<384x128xbf16> to vector<128x128xbf16>
    %dot_general3A = arith.constant dense<0.000000e+00> : vector<4000x128xf32>
    %dot_general3A_6 = tpu.matmul %convert_element_type3A_5, %slice3A, %dot_general3A {dimension_numbers = #tpu.dot_dimension_numbers<[1], [0], [0], [1], [0, 0, 1, 1], [], []>, transpose_lhs_hint = false} : vector<4000x128xbf16>, vector<128x128xbf16>, vector<4000x128xf32> -> vector<4000x128xf32>
    %get3A_7 = arith.constant 0 : index
    %get3A_8 = arith.constant 0 : index
    %get3A_9 = vector.load %arg2[%get3A_7, %get3A_8] : memref<4000x128xf32, #tpu.memory_space<vmem>>, vector<4000x128xf32>
    %convert_element_type3A_10 = arith.truncf %get3A_9 : vector<4000x128xf32> to vector<4000x128xbf16>
    %slice3A_11 = vector.extract_strided_slice %convert_element_type3A {offsets = [128, 0], sizes = [128, 128], strides = [1, 1]} : vector<384x128xbf16> to vector<128x128xbf16>
    %dot_general3A_12 = arith.constant dense<0.000000e+00> : vector<4000x128xf32>
    %dot_general3A_13 = tpu.matmul %convert_element_type3A_10, %slice3A_11, %dot_general3A_12 {dimension_numbers = #tpu.dot_dimension_numbers<[1], [0], [0], [1], [0, 0, 1, 1], [], []>, transpose_lhs_hint = false} : vector<4000x128xbf16>, vector<128x128xbf16>, vector<4000x128xf32> -> vector<4000x128xf32>
    %add3A = arith.addf %dot_general3A_6, %dot_general3A_13 : vector<4000x128xf32>
    %get3A_14 = arith.constant 0 : index
    %get3A_15 = arith.constant 0 : index
    %get3A_16 = vector.load %arg3[%get3A_14, %get3A_15] : memref<4000x128xf32, #tpu.memory_space<vmem>>, vector<4000x128xf32>
    %convert_element_type3A_17 = arith.truncf %get3A_16 : vector<4000x128xf32> to vector<4000x128xbf16>
    %slice3A_18 = vector.extract_strided_slice %convert_element_type3A {offsets = [256, 0], sizes = [128, 128], strides = [1, 1]} : vector<384x128xbf16> to vector<128x128xbf16>
    %dot_general3A_19 = arith.constant dense<0.000000e+00> : vector<4000x128xf32>
    %dot_general3A_20 = tpu.matmul %convert_element_type3A_17, %slice3A_18, %dot_general3A_19 {dimension_numbers = #tpu.dot_dimension_numbers<[1], [0], [0], [1], [0, 0, 1, 1], [], []>, transpose_lhs_hint = false} : vector<4000x128xbf16>, vector<128x128xbf16>, vector<4000x128xf32> -> vector<4000x128xf32>
    %add3A_21 = arith.addf %add3A, %dot_general3A_20 : vector<4000x128xf32>
    %get3A_22 = arith.constant 0 : index
    %get3A_23 = arith.constant 0 : index
    %get3A_24 = vector.load %arg5[%get3A_22, %get3A_23] : memref<1x128xf32, #tpu.memory_space<vmem>>, vector<1x128xf32>
    %add3A_25 = vector.broadcast %get3A_24 : vector<1x128xf32> to vector<4000x128xf32>
    %add3A_26 = arith.addf %add3A_21, %add3A_25 : vector<4000x128xf32>
    %max3A = arith.constant 0.000000e+00 : f32
    %max3A_27 = vector.broadcast %max3A : f32 to vector<4000x128xf32>
    %max3A_28 = arith.maximumf %add3A_26, %max3A_27 : vector<4000x128xf32>
    %convert_element_type3A_29 = arith.truncf %max3A_28 : vector<4000x128xf32> to vector<4000x128xbf16>
    %get3A_30 = arith.constant 0 : index
    %get3A_31 = arith.constant 0 : index
    %get3A_32 = vector.load %arg6[%get3A_30, %get3A_31] : memref<128x384xf32, #tpu.memory_space<vmem>>, vector<128x384xf32>
    %convert_element_type3A_33 = arith.truncf %get3A_32 : vector<128x384xf32> to vector<128x384xbf16>
    %dot_general3A_34 = arith.constant dense<0.000000e+00> : vector<4000x384xf32>
    %dot_general3A_35 = tpu.matmul %convert_element_type3A_29, %convert_element_type3A_33, %dot_general3A_34 {dimension_numbers = #tpu.dot_dimension_numbers<[1], [0], [0], [1], [0, 0, 1, 1], [], []>, transpose_lhs_hint = false} : vector<4000x128xbf16>, vector<128x384xbf16>, vector<4000x384xf32> -> vector<4000x384xf32>
    %get3A_36 = arith.constant 0 : index
    %get3A_37 = arith.constant 0 : index
    %get3A_38 = vector.load %arg7[%get3A_36, %get3A_37] : memref<1x384xf32, #tpu.memory_space<vmem>>, vector<1x384xf32>
    %add3A_39 = vector.broadcast %get3A_38 : vector<1x384xf32> to vector<4000x384xf32>
    %add3A_40 = arith.addf %dot_general3A_35, %add3A_39 : vector<4000x384xf32>
    %max3A_41 = arith.constant 0.000000e+00 : f32
    %max3A_42 = vector.broadcast %max3A_41 : f32 to vector<4000x384xf32>
    %max3A_43 = arith.maximumf %add3A_40, %max3A_42 : vector<4000x384xf32>
    %slice3A_44 = vector.extract_strided_slice %max3A_43 {offsets = [0, 0], sizes = [4000, 128], strides = [1, 1]} : vector<4000x384xf32> to vector<4000x128xf32>
    %swap3A = arith.constant 0 : index
    %swap3A_45 = arith.constant 0 : index
    %swap3A_46 = vector.load %arg8[%swap3A, %swap3A_45] : memref<4000x128xf32, #tpu.memory_space<vmem>>, vector<4000x128xf32>
    tpu.vector_store %arg8[%swap3A, %swap3A_45], %slice3A_44 {strides = array<i32>} : memref<4000x128xf32, #tpu.memory_space<vmem>>, vector<4000x128xf32>,
    %slice3A_47 = vector.extract_strided_slice %max3A_43 {offsets = [0, 128], sizes = [4000, 128], strides = [1, 1]} : vector<4000x384xf32> to vector<4000x128xf32>
    %swap3A_48 = arith.constant 0 : index
    %swap3A_49 = arith.constant 0 : index
    %swap3A_50 = vector.load %arg9[%swap3A_48, %swap3A_49] : memref<4000x128xf32, #tpu.memory_space<vmem>>, vector<4000x128xf32>
    tpu.vector_store %arg9[%swap3A_48, %swap3A_49], %slice3A_47 {strides = array<i32>} : memref<4000x128xf32, #tpu.memory_space<vmem>>, vector<4000x128xf32>,
    %slice3A_51 = vector.extract_strided_slice %max3A_43 {offsets = [0, 256], sizes = [4000, 128], strides = [1, 1]} : vector<4000x384xf32> to vector<4000x128xf32>
    %swap3A_52 = arith.constant 0 : index
    %swap3A_53 = arith.constant 0 : index
    %swap3A_54 = vector.load %arg10[%swap3A_52, %swap3A_53] : memref<4000x128xf32, #tpu.memory_space<vmem>>, vector<4000x128xf32>
    tpu.vector_store %arg10[%swap3A_52, %swap3A_53], %slice3A_51 {strides = array<i32>} : memref<4000x128xf32, #tpu.memory_space<vmem>>, vector<4000x128xf32>,
    return
  }
  func.func @transform_0(%arg0: i32) -> (i32, i32) {
    %c0_i32 = arith.constant 0 : i32
    %c0_i32_0 = arith.constant 0 : i32
    return %arg0, %c0_i32 : i32, i32
  }
  func.func @transform_1(%arg0: i32) -> (i32, i32) {
    %c0_i32 = arith.constant 0 : i32
    %c0_i32_0 = arith.constant 0 : i32
    return %arg0, %c0_i32 : i32, i32
  }
  func.func @transform_2(%arg0: i32) -> (i32, i32) {
    %c0_i32 = arith.constant 0 : i32
    %c0_i32_0 = arith.constant 0 : i32
    return %arg0, %c0_i32 : i32, i32
  }
  func.func @transform_3(%arg0: i32) -> (i32, i32) {
    %c0_i32 = arith.constant 0 : i32
    %c0_i32_0 = arith.constant 0 : i32
    %c0_i32_1 = arith.constant 0 : i32
    return %c0_i32, %c0_i32_0 : i32, i32
  }
  func.func @transform_4(%arg0: i32) -> (i32, i32) {
    %c0_i32 = arith.constant 0 : i32
    %c0_i32_0 = arith.constant 0 : i32
    %c0_i32_1 = arith.constant 0 : i32
    return %c0_i32, %c0_i32_0 : i32, i32
  }
  func.func @transform_5(%arg0: i32) -> (i32, i32) {
    %c0_i32 = arith.constant 0 : i32
    %c0_i32_0 = arith.constant 0 : i32
    %c0_i32_1 = arith.constant 0 : i32
    return %c0_i32, %c0_i32_0 : i32, i32
  }
  func.func @transform_6(%arg0: i32) -> (i32, i32) {
    %c0_i32 = arith.constant 0 : i32
    %c0_i32_0 = arith.constant 0 : i32
    %c0_i32_1 = arith.constant 0 : i32
    return %c0_i32, %c0_i32_0 : i32, i32
  }
  func.func @transform_7(%arg0: i32) -> (i32, i32) {
    %c0_i32 = arith.constant 0 : i32
    %c0_i32_0 = arith.constant 0 : i32
    return %arg0, %c0_i32 : i32, i32
  }
  func.func @transform_8(%arg0: i32) -> (i32, i32) {
    %c0_i32 = arith.constant 0 : i32
    %c0_i32_0 = arith.constant 0 : i32
    return %arg0, %c0_i32 : i32, i32
  }
  func.func @transform_9(%arg0: i32) -> (i32, i32) {
    %c0_i32 = arith.constant 0 : i32
    %c0_i32_0 = arith.constant 0 : i32
    return %arg0, %c0_i32 : i32, i32
  }
}

module attributes {stable_mosaic.version = 14 : i64} {
  func.func @_mlp2_body(%arg0: i32, %arg1: memref<2x1024x128xf32, #tpu.memory_space<vmem>>, %arg2: memref<2x1024x128xf32, #tpu.memory_space<vmem>>, %arg3: memref<128x128xf32, #tpu.memory_space<vmem>>, %arg4: memref<1x128xf32, #tpu.memory_space<vmem>>, %arg5: memref<128x128xf32, #tpu.memory_space<vmem>>, %arg6: memref<1x128xf32, #tpu.memory_space<vmem>>, %arg7: memref<1024x128xf32, #tpu.memory_space<vmem>>) attributes {dimension_semantics = [#tpu.dimension_semantics<arbitrary>], iteration_bounds = array<i64: 10>, scalar_prefetch = 0 : i64, scratch_operands = 0 : i64, tpu.core_type = #tpu.core_type<tc>, window_params = [{transform_indices = @transform_0, window_bounds = array<i64: 2, 1024, 128>}, {transform_indices = @transform_1, window_bounds = array<i64: 2, 1024, 128>}, {pipeline_mode = #tpu.pipeline_mode<synchronous>, transform_indices = @transform_2, window_bounds = array<i64: 128, 128>}, {pipeline_mode = #tpu.pipeline_mode<synchronous>, transform_indices = @transform_3, window_bounds = array<i64: 1, 128>}, {pipeline_mode = #tpu.pipeline_mode<synchronous>, transform_indices = @transform_4, window_bounds = array<i64: 128, 128>}, {pipeline_mode = #tpu.pipeline_mode<synchronous>, transform_indices = @transform_5, window_bounds = array<i64: 1, 128>}, {transform_indices = @transform_6, window_bounds = array<i64: 1024, 128>}]} {
    %get3A = arith.constant 0 : index
    %get3A_0 = arith.constant 0 : index
    %get3A_1 = arith.constant 0 : index
    %get3A_2 = vector.load %arg1[%get3A, %get3A_0, %get3A_1] : memref<2x1024x128xf32, #tpu.memory_space<vmem>>, vector<1x1024x128xf32>
    %get3A_3 = vector.shape_cast %get3A_2 : vector<1x1024x128xf32> to vector<1024x128xf32>
    %get3A_4 = arith.constant 1 : index
    %get3A_5 = arith.constant 0 : index
    %get3A_6 = arith.constant 0 : index
    %get3A_7 = vector.load %arg1[%get3A_4, %get3A_5, %get3A_6] : memref<2x1024x128xf32, #tpu.memory_space<vmem>>, vector<1x1024x128xf32>
    %get3A_8 = vector.shape_cast %get3A_7 : vector<1x1024x128xf32> to vector<1024x128xf32>
    %add3A = arith.addf %get3A_3, %get3A_8 : vector<1024x128xf32>
    %get3A_9 = arith.constant 0 : index
    %get3A_10 = arith.constant 0 : index
    %get3A_11 = arith.constant 0 : index
    %get3A_12 = vector.load %arg2[%get3A_9, %get3A_10, %get3A_11] : memref<2x1024x128xf32, #tpu.memory_space<vmem>>, vector<1x1024x1xf32>
    %get3A_13 = vector.shape_cast %get3A_12 : vector<1x1024x1xf32> to vector<1024x1xf32>
    %get3A_14 = arith.constant 1 : index
    %get3A_15 = arith.constant 0 : index
    %get3A_16 = arith.constant 0 : index
    %get3A_17 = vector.load %arg2[%get3A_14, %get3A_15, %get3A_16] : memref<2x1024x128xf32, #tpu.memory_space<vmem>>, vector<1x1024x1xf32>
    %get3A_18 = vector.shape_cast %get3A_17 : vector<1x1024x1xf32> to vector<1024x1xf32>
    %add3A_19 = arith.addf %get3A_13, %get3A_18 : vector<1024x1xf32>
    %max3A = arith.constant 1.000000e+00 : f32
    %max3A_20 = vector.broadcast %max3A : f32 to vector<1024x1xf32>
    %max3A_21 = arith.maximumf %add3A_19, %max3A_20 : vector<1024x1xf32>
    %div3A = vector.broadcast %max3A_21 : vector<1024x1xf32> to vector<1024x128xf32>
    %div3A_22 = arith.divf %add3A, %div3A : vector<1024x128xf32>
    %get3A_23 = arith.constant 0 : index
    %get3A_24 = arith.constant 0 : index
    %get3A_25 = vector.load %arg3[%get3A_23, %get3A_24] : memref<128x128xf32, #tpu.memory_space<vmem>>, vector<128x128xf32>
    %dot_general3A = arith.constant dense<0.000000e+00> : vector<1024x128xf32>
    %dot_general3A_26 = tpu.matmul %div3A_22, %get3A_25, %dot_general3A {dimension_numbers = #tpu.dot_dimension_numbers<[1], [0], [0], [1], [0, 0, 1, 1], [], []>, transpose_lhs_hint = false} : vector<1024x128xf32>, vector<128x128xf32>, vector<1024x128xf32> -> vector<1024x128xf32>
    %get3A_27 = arith.constant 0 : index
    %get3A_28 = arith.constant 0 : index
    %get3A_29 = vector.load %arg4[%get3A_27, %get3A_28] : memref<1x128xf32, #tpu.memory_space<vmem>>, vector<1x128xf32>
    %add3A_30 = vector.broadcast %get3A_29 : vector<1x128xf32> to vector<1024x128xf32>
    %add3A_31 = arith.addf %dot_general3A_26, %add3A_30 : vector<1024x128xf32>
    %max3A_32 = arith.constant 0.000000e+00 : f32
    %max3A_33 = vector.broadcast %max3A_32 : f32 to vector<1024x128xf32>
    %max3A_34 = arith.maximumf %add3A_31, %max3A_33 : vector<1024x128xf32>
    %get3A_35 = arith.constant 0 : index
    %get3A_36 = arith.constant 0 : index
    %get3A_37 = vector.load %arg5[%get3A_35, %get3A_36] : memref<128x128xf32, #tpu.memory_space<vmem>>, vector<128x128xf32>
    %dot_general3A_38 = arith.constant dense<0.000000e+00> : vector<1024x128xf32>
    %dot_general3A_39 = tpu.matmul %max3A_34, %get3A_37, %dot_general3A_38 {dimension_numbers = #tpu.dot_dimension_numbers<[1], [0], [0], [1], [0, 0, 1, 1], [], []>, transpose_lhs_hint = false} : vector<1024x128xf32>, vector<128x128xf32>, vector<1024x128xf32> -> vector<1024x128xf32>
    %get3A_40 = arith.constant 0 : index
    %get3A_41 = arith.constant 0 : index
    %get3A_42 = vector.load %arg6[%get3A_40, %get3A_41] : memref<1x128xf32, #tpu.memory_space<vmem>>, vector<1x128xf32>
    %add3A_43 = vector.broadcast %get3A_42 : vector<1x128xf32> to vector<1024x128xf32>
    %add3A_44 = arith.addf %dot_general3A_39, %add3A_43 : vector<1024x128xf32>
    %max3A_45 = arith.constant 0.000000e+00 : f32
    %max3A_46 = vector.broadcast %max3A_45 : f32 to vector<1024x128xf32>
    %max3A_47 = arith.maximumf %add3A_44, %max3A_46 : vector<1024x128xf32>
    %swap3A = arith.constant 0 : index
    %swap3A_48 = arith.constant 0 : index
    %swap3A_49 = vector.load %arg7[%swap3A, %swap3A_48] : memref<1024x128xf32, #tpu.memory_space<vmem>>, vector<1024x128xf32>
    tpu.vector_store %arg7[%swap3A, %swap3A_48], %max3A_47 {strides = array<i32>} : memref<1024x128xf32, #tpu.memory_space<vmem>>, vector<1024x128xf32>,
    return
  }
  func.func @transform_0(%arg0: i32) -> (i32, i32, i32) {
    %c0_i32 = arith.constant 0 : i32
    %c0_i32_0 = arith.constant 0 : i32
    %c0_i32_1 = arith.constant 0 : i32
    return %c0_i32, %arg0, %c0_i32_0 : i32, i32, i32
  }
  func.func @transform_1(%arg0: i32) -> (i32, i32, i32) {
    %c0_i32 = arith.constant 0 : i32
    %c0_i32_0 = arith.constant 0 : i32
    %c0_i32_1 = arith.constant 0 : i32
    return %c0_i32, %arg0, %c0_i32_0 : i32, i32, i32
  }
  func.func @transform_2(%arg0: i32) -> (i32, i32) {
    %c0_i32 = arith.constant 0 : i32
    %c0_i32_0 = arith.constant 0 : i32
    %c0_i32_1 = arith.constant 0 : i32
    return %c0_i32, %c0_i32_0 : i32, i32
  }
  func.func @transform_3(%arg0: i32) -> (i32, i32) {
    %c0_i32 = arith.constant 0 : i32
    %c0_i32_0 = arith.constant 0 : i32
    %c0_i32_1 = arith.constant 0 : i32
    return %c0_i32, %c0_i32_0 : i32, i32
  }
  func.func @transform_4(%arg0: i32) -> (i32, i32) {
    %c0_i32 = arith.constant 0 : i32
    %c0_i32_0 = arith.constant 0 : i32
    %c0_i32_1 = arith.constant 0 : i32
    return %c0_i32, %c0_i32_0 : i32, i32
  }
  func.func @transform_5(%arg0: i32) -> (i32, i32) {
    %c0_i32 = arith.constant 0 : i32
    %c0_i32_0 = arith.constant 0 : i32
    %c0_i32_1 = arith.constant 0 : i32
    return %c0_i32, %c0_i32_0 : i32, i32
  }
  func.func @transform_6(%arg0: i32) -> (i32, i32) {
    %c0_i32 = arith.constant 0 : i32
    %c0_i32_0 = arith.constant 0 : i32
    return %arg0, %c0_i32 : i32, i32
  }
}

</mosaic_0001>

<sc_bundles>
// kernel: kernel.6.cloned.1.call-start
scs
__scs_entry_jumppad:
0x0: {  	(pc) =	sbr.rel $0x88, $3  }
0x1: {  	(tag) =	ssettag $0x0;
	lr =	simm.s32 $0x1  }
0x2: {  	[smem:$0x3F96] =	sst lr;
	_ =	strace $0xD0000000  }
0x3: {  	_ = 	snop  }
0x4: {  	_ = 	snop  }
0x5: {  	_ = 	snop  }
0x6: {  	_ = 	snop  }
0x7: {  	_ = 	snop  }
__scs_overlays_trampoline_lowered:
0x8: {  	[smem:$0x3FA5] =	sst s0  }
0x9: {  	[smem:$0x3FA6] =	sst s1  }
0xa: {  	[smem:$0x3FA7] =	sst s2  }
0xb: {  	[smem:$0x3FA8] =	sst s3  }
0xc: {  	[smem:$0x3FA9] =	sst s4  }
0xd: {  	[smem:$0x3FAA] =	sst s5  }
0xe: {  	[smem:$0x3FAB] =	sst s6  }
0xf: {  	[smem:$0x3FAC] =	sst s7  }
0x10: {  	[smem:$0x3FAD] =	sst s8  }
0x11: {  	[smem:$0x3FAE] =	sst s9;
	s0 =	simm.s32 @!p0 $0x0  }
0x12: {  	s1 =	sld [smem:$0x3F94];
	s0 =	simm.s32 @p0 $0x1  }
0x13: {  	[smem:$0x3FAF] =	sst s0;
	s0 =	simm.s32 @!p1 $0x0  }
0x14: {  	s2 =	sld [smem:$0x3F93];
	s0 =	simm.s32 @p1 $0x1  }
0x15: {  	[smem:$0x3FB0] =	sst s0;
	s0 =	simm.s32 @!p2 $0x0  }
0x16: {  	s3 =	sld [smem:$0x3FDB];
	s0 =	simm.s32 @p2 $0x1  }
0x17: {  	s4 =	simm.s32 $0x1BF5;
	[smem:$0x3FB2] =	sst s0  }
0x18: {  	s0 =	sld [smem:$0x3F95];
	_ =	swait.ge [sflag:s4], $0x0  }
0x19: {  	s7 =	sld [smem:$0x3F96]  }
0x1a: {  	s8 =	sadd.s32 $0xFFFFE003, lr  }
0x1b: {  	s9 =	sadd.s32 $0xFFFFFEF7, lr;
	s5 =	simm.s32 $0xFFFFFFFF;
	p2 =	slt.u32 s8, $0xFFFFF086  }
0x1c: {  	p1 =	slt.u32 s9, $0xF7A;
	s5 =	simm.s32 @!p2 $0x0  }
0x1d: {  	s5 =	simm.s32 @p1 $0x1;
	p0 =	seq.s32 s7, s2  }
0x1e: {  	s7 =	smul.u32 @!p0 $0xF7A, s2;
	p2 =	seq.s32 @!p0 s5, $0x0  }
0x1f: {  	s9 =	smul.u32 $0xF7A, s1;
	s8 =	simm.s32 @!p0 $0x1BF5;
	p2 =	por !p2, p0  }
0x20: {  	[sflag:s8] =	ssyncset.s32 @!p0 $0xFFFFF086;
	s6 =	sadd.s32 @!p0 s3, s7;
	s7 =	simm.s32 @!p0 $0x108  }
0x21: {  	s3 =	sadd.s32 s3, s9;
	s6 =	sadd.s32 @!p0 $0x88, s6;
	s7 =	simm.s32 @p2 $0x1082  }
0x22: {  	[simem:s7], [sflag:s8] =	dma.local @!p0 [hbm:s6], $0xF7A  }
0x23: {  	s9 =	sor.u32 $0xD0000000, s2;
	s6 =	simm.s32 $0x108;
	_ =	swait.ge @!p0 [sflag:s8], $0x0  }
0x24: {  	s3 =	sadd.s32 $0x88, s3;
	s6 =	simm.s32 @!p1 $0x1082;
	[sflag:s4] =	ssyncset.s32 $0xFFFFF086  }
0x25: {  	[simem:s6], [sflag:s4] =	dma.local [hbm:s3], $0xF7A  }
0x26: {  	[smem:$0x3F96] =	sst s1;
	(tag) =	ssettag s2;
	_ =	strace s9  }
0x27: {  	s1 =	sld [smem:$0x3FA6]  }
0x28: {  	s2 =	sld [smem:$0x3FA7]  }
0x29: {  	s4 =	sld [smem:$0x3FA9]  }
0x2a: {  	p0 =	seq.s32 s5, $0x0;
	s5 =	sld [smem:$0x3FAA]  }
0x2b: {  	s6 =	sld [smem:$0x3FAB]  }
0x2c: {  	s7 =	sld [smem:$0x3FAC]  }
0x2d: {  	s3 =	simm.s32 $0x108;
	s8 =	sld [smem:$0x3FAD]  }
0x2e: {  	s3 =	simm.s32 @!p0 $0x1082;
	s9 =	sld [smem:$0x3FAE]  }
0x2f: {  	lr =	sadd.s32 s0, s3;
	s0 =	sld [smem:$0x3FA5]  }
0x30: {  	s3 =	sld [smem:$0x3FA8]  }
0x31: {  	[smem:$0x3FB1] =	sst s10  }
0x32: {  	s10 =	sld [smem:$0x3FAF];
	_ =	sdelay $0x3  }
0x33: {  	p0 =	seq.s32 s10, $0x1;
	s10 =	sld [smem:$0x3FB1];
	_ =	sdelay $0x3  }
0x34: {  	[smem:$0x3FB1] =	sst s10  }
0x35: {  	s10 =	sld [smem:$0x3FB0];
	_ =	sdelay $0x3  }
0x36: {  	p1 =	seq.s32 s10, $0x1;
	s10 =	sld [smem:$0x3FB1];
	_ =	sdelay $0x3  }
0x37: {  	[smem:$0x3FB1] =	sst s10  }
0x38: {  	s10 =	sld [smem:$0x3FB2]  }
0x39: {  	_ = 	snop;
	(pc) =	sbr.ind lr, $3  }
0x3a: {  	_ = 	snop  }
0x3b: {  	_ = 	snop  }
0x3c: {  	p2 =	seq.s32 s10, $0x1;
	s10 =	sld [smem:$0x3FB1]  }
0x3d: {  	_ =	shalt  }
0x3e: {  	_ =	shalt  }
0x3f: {  	_ =	shalt  }
0x40: {  	_ =	shalt  }
0x41: {  	_ =	shalt  }
0x42: {  	_ =	shalt  }
0x43: {  	_ =	shalt  }
0x44: {  	_ =	shalt  }
0x45: {  	_ =	shalt  }
0x46: {  	_ =	shalt  }
0x47: {  	_ =	shalt  }
0x48: {  	_ =	shalt  }
0x49: {  	_ =	shalt  }
0x4a: {  	_ =	shalt  }
0x4b: {  	_ =	shalt  }
0x4c: {  	_ =	shalt  }
0x4d: {  	_ =	shalt  }
0x4e: {  	_ =	shalt  }
0x4f: {  	_ =	shalt  }
0x50: {  	_ =	shalt  }
0x51: {  	_ =	shalt  }
0x52: {  	_ =	shalt  }
0x53: {  	_ =	shalt  }
0x54: {  	_ =	shalt  }
0x55: {  	_ =	shalt  }
0x56: {  	_ =	shalt  }
0x57: {  	_ =	shalt  }
0x58: {  	_ =	shalt  }
0x59: {  	_ =	shalt  }
0x5a: {  	_ =	shalt  }
0x5b: {  	_ =	shalt  }
0x5c: {  	_ =	shalt  }
0x5d: {  	_ =	shalt  }
0x5e: {  	_ =	shalt  }
0x5f: {  	_ =	shalt  }
0x60: {  	_ =	shalt  }
0x61: {  	_ =	shalt  }
0x62: {  	_ =	shalt  }
0x63: {  	_ =	shalt  }
0x64: {  	_ =	shalt  }
0x65: {  	_ =	shalt  }
0x66: {  	_ =	shalt  }
0x67: {  	_ =	shalt  }
0x68: {  	_ =	shalt  }
0x69: {  	_ =	shalt  }
0x6a: {  	_ =	shalt  }
0x6b: {  	_ =	shalt  }
0x6c: {  	_ =	shalt  }
0x6d: {  	_ =	shalt  }
0x6e: {  	_ =	shalt  }
0x6f: {  	_ =	shalt  }
0x70: {  	_ =	shalt  }
0x71: {  	_ =	shalt  }
0x72: {  	_ =	shalt  }
0x73: {  	_ =	shalt  }
0x74: {  	_ =	shalt  }
0x75: {  	_ =	shalt  }
0x76: {  	_ =	shalt  }
0x77: {  	_ =	shalt  }
0x78: {  	_ =	shalt  }
0x79: {  	_ =	shalt  }
0x7a: {  	_ =	shalt  }
0x7b: {  	_ =	shalt  }
0x7c: {  	_ =	shalt  }
0x7d: {  	_ =	shalt  }
0x7e: {  	_ =	shalt  }
0x7f: {  	_ =	shalt  }
0x80: {  	_ =	shalt  }
0x81: {  	_ =	shalt  }
0x82: {  	_ =	shalt  }
0x83: {  	_ =	shalt  }
0x84: {  	_ =	shalt  }
0x85: {  	_ =	shalt  }
0x86: {  	_ =	shalt  }
0x87: {  	_ =	shalt  }
.Lfunc_end0:
.L_simem_size_0:
called_computation_lowered:
.L_overlay_start_0:
0x88: {  	s2 =	sld [smem:$0x3FD9]  }
0x89: {  	s3 =	sld [smem:$0x3FFE];
	_ =	sdelay $0x1  }
0x8a: {  	s1 =	srdreg.scid  }
0x8b: {  	s0 =	sand.u32 $0x1, s1  }
0x8c: {  	s14 =	sshll.u32 s0, $0xA;
	s2 =	sadd.s32 s3, s2  }
0x8d: {  	s2 =	sadd.s32 s2, s14  }
0x8e: {  	[smem:$0x3FBD] =	sst s2  }
0x8f: {  	_ = 	snop  }
0x90: {  	s2 =	sld [smem:$0x3FD0];
	_ =	sdelay $0x2  }
0x91: {  	s4 =	simm.s32 $0xA;
	s5 =	simm.s32 $0x10;
	s15 =	sld [smem:$0x3FC9]  }
0x92: {  	[smem:s5], [sflag:s4] =	dma.local [hbm:s2], $0x1  }
0x93: {  	_ =	swait.eq [sflag:s4], $0x1  }
0x94: {  	[sflag:s4] =	ssyncset.done $0x0  }
0x95: {  	[sflag:s4] =	ssyncadd.s32 $0xFFFFFFFF  }
0x96: {  	s16 =	sld [smem:$0x10];
	(tm) =	ssettm $0x1  }
0x97: {  	s17 =	sld [smem:$0x3FFB];
	_ =	sdelay $0x3  }
0x98: {  	_ =	strace s17  }
0x99: {  	s4 =	sld [smem:$0x3FFC];
	_ =	sdelay $0x3  }
0x9a: {  	_ =	strace s4  }
0x9b: {  	s4 =	sld [smem:$0x3FFD];
	_ =	sdelay $0x3  }
0x9c: {  	_ =	strace s4  }
0x9d: {  	_ =	strace $0x8FFFFFFF  }
0x9e: {  	s18 =	sld [smem:$0x3FDB];
	_ =	sdelay $0x1  }
0x9f: {  	s19 =	simm.s32 $_scs_section_size  }
0xa0: {  	s6 =	simm.s32 $_size__tile_overlayer_lowered;
	s7 =	simm.s32 $_tile_overlayer_lowered  }
0xa1: {  	s22 =	simm.s32 $0x1BFF;
	s21 =	sshll.u32 s7, $0x1;
	s4 =	sadd.s32 s19, s18  }
0xa2: {  	s8 =	simm.s32 $0x0;
	s20 =	sshll.u32 s6, $0x1;
	s6 =	sadd.s32 s21, s4  }
0xa3: {  	[timem:s8], [sflag:s22] =	dma.local [hbm:s6], s20  }
0xa4: {  	_ =	swait.ge [sflag:s22], s20  }
0xa5: {  	s5 =	ssub.s32 $0x0, s20;
	[sflag:s22] =	ssyncset.done $0x0  }
0xa6: {  	[sflag:s22] =	ssyncadd.s32 s5;
	_ =	sdelay $0x1  }
0xa7: {  	s23 =	simm.s32 $0x1B8B  }
0xa8: {  	_ =	swait.ge [sflag:s23], $0x1  }
0xa9: {  	[sflag:s23] =	ssyncset.done $0x0  }
0xaa: {  	s25 =	simm.s32 $0x1B8E;
	s24 =	sld [smem:$0x3FFE];
	[sflag:s23] =	ssyncadd.s32 $0xFFFFFFFF  }
0xab: {  	s26 =	simm.s32 $execute0_lowered;
	[smem:$0x3FD2] =	sst s25  }
0xac: {  	s6 =	sshll.u32 s26, $0x1;
	_ =	strace $0x80000046;
	[dreg:$0x1] =	wrdreg $0xFFFFFFFF  }
0xad: {  	s28 =	simm.s32 $_size_execute0_lowered;
	s4 =	sadd.s32 s4, s6;
	[dreg:$0x0] =	wrdreg $0x0  }
0xae: {  	s6 =	sshll.u32 s28, $0x1;
	[dreg:$0x2] =	wrdreg s4  }
0xaf: {  	[dreg:$0x3] =	wrdreg s6  }
0xb0: {  	[dreg:$0x4] =	wrdreg $0xC0  }
0xb1: {  	_ =	task [dreg:s8], $0x5FFFF  }
0xb2: {  	[dreg:$0x1] =	wrdreg $0xFFFFFFFF  }
0xb3: {  	[dreg:$0x0] =	wrdreg $0x60  }
0xb4: {  	[dreg:$0x2] =	wrdreg s15  }
0xb5: {  	[dreg:$0x3] =	wrdreg s24  }
0xb6: {  	[dreg:$0x4] =	wrdreg s16  }
0xb7: {  	[dreg:$0x5] =	wrdreg $0x9  }
0xb8: {  	_ =	task.clear_ibuf [dreg:s8], $0x6FFFF;
	_ =	strace $0x90000046  }
0xb9: {  	s29 =	simm.s32 $0x9;
	_ =	strace $0x80000048  }
0xba: {  	_ =	swait.ge [sflag:s29], $0x1  }
0xbb: {  	[sflag:s29] =	ssyncadd.s32 $0xFFFFFFFF  }
0xbc: {  	_ =	strace $0x90000048  }
0xbd: {  	_ =	sfence  }
0xbe: {  	s30 =	sld [smem:$0x0];
	_ =	sdelay $0x2  }
0xbf: {  	s31 =	sshll.u32 s1, $0xD;
	s1 =	sshrl.u32 s1, $0x2  }
0xc0: {  	s3 =	sand.u32 $0x4000, s31;
	s1 =	sadd.s32 s1, s30  }
0xc1: {  	s0 =	sor.u32 s3, s0;
	s1 =	sshll.u32 s1, $0x11  }
0xc2: {  	s0 =	sor.u32 s1, s0  }
0xc3: {  	s0 =	sadd.s32 $0x8F2B, s0  }
0xc4: {  	[sflag:s0] =	ssyncadd.remote.s32 $0x1  }
0xc5: {  	_ =	sfence.sel $0xFFFF  }
0xc6: {  	[dreg:$0x0] =	wrdreg $0xFFFFFFFF;
	(pc) =	sbr.abs _section_cstart, $3  }
0xc7: {  	[dreg:$0x1] =	wrdreg $0xFFFFFFFF  }
0xc8: {  	_ =	task.clear_ibuf [dreg:s8], $0x2FFFF;
	_ =	strace $0x9FFFFFFF  }
0xc9: {  	(tm) =	ssettm $0x7FFFFFFF  }
tec
execute0_lowered:
.L_overlay_start_1:
0x0: {  	(tag) =	ssettag $0x1  }
0x1: {  	s0 =	rddreg [dreg:$0x0]  }
0x2: {  	s1 =	srdreg.scid;
	s2 =	rddreg [dreg:$0x1]  }
0x3: {  	s7 =	rddreg [dreg:$0x2];
	s14 =	stileid.u32;
	s4 =	simm.s32 $0x0  }
0x4: {  	s28 =	simm.s32 $0x1;
	s29 =	simm.s32 $0x2;
	s30 =	simm.s32 $0x3  }
0x5: {  	s31 =	simm.s32 $0x4;
	s1 =	sand.u32 $0x1, s1;
	[smem:$0x7FF] =	sst s4  }
0x6: {  	s5 =	sadd.s32 $0x1C00, s2;
	s9 =	sadd.s32 $0x6C00, s2;
	s17 =	smul.u32 $0x13800, s14  }
0x7: {  	s2 =	sadd.s32 $0x277C00, s2;
	s20 =	sshll.u32 s14, $0x7;
	s25 =	smul.u32 $0x1380, s14  }
0x8: {  	s3 =	sshll.u32 s1, $0x4;
	_ =	strace $0x80000047;
	s16 =	smul.u32 $0x138000, s1  }
0x9: {  	s8 =	ssub.s32 $0x2, s1;
	s22 =	sor.u32 $0x27000, s20;
	s1 =	smul.u32 $0x13800, s1  }
0xa: {  	s20 =	simm.s32 $0x80;
	s3 =	sor.u32 s14, s3;
	s10 =	sshrl.u32 s8, $0x1  }
0xb: {  	s23 =	sshrl.u32 s22, $0x3;
	s13 =	sshll.u32 s22, $0x4;
	s22 =	simm.s32 $0x4200  }
0xc: {  	s6 =	smul.u32 $0x1380, s3;
	s8 =	ssub.s32 s8, s10;
	s24 =	sadd.s32 s5, s23  }
0xd: {  	s12 =	sadd.s32 s9, s13;
	s13 =	sadd.s32 s2, s13;
	s26 =	sadd.s32 s16, s9  }
0xe: {  	s1 =	sadd.s32 s25, s1;
	p0 =	sgt.u32 s3, $0x1;
	s6 =	sadd.s32 $0x1300, s6  }
0xf: {  	s25 =	simm.s32 $0x8200;
	[dreg:$0x8] =	wrdreg s24;
	s11 =	sshrl.u32 s6, $0x3  }
0x10: {  	s14 =	smax.u32 s8, $0x1;
	s15 =	sadd.s32 s17, s26;
	s18 =	sadd.s32 s5, s11  }
0x11: {  	s6 =	sshll.u32 s6, $0x4;
	s19 =	sadd.s32 s7, s11;
	[dreg:$0x4] =	wrdreg s18  }
0x12: {  	s24 =	simm.s32 $0x180;
	s21 =	sadd.s32 s9, s6;
	[dreg:$0x5] =	wrdreg s19  }
0x13: {  	s26 =	simm.s32 $0xC200;
	s6 =	sadd.s32 s2, s6;
	[dreg:$0x6] =	wrdreg s21  }
0x14: {  	s2 =	sadd.s32 s16, s2;
	[dreg:$0x7] =	wrdreg s6;
	s6 =	sadd.s32 s7, s23  }
0x15: {  	s16 =	sadd.s32 s17, s2;
	s17 =	sshrl.u32 s1, $0x3;
	s1 =	sadd.s32 $0x80, s1  }
0x16: {  	s19 =	simm.s32 $0x5;
	s21 =	simm.s32 $0x200;
	s23 =	simm.s32 $0x100  }
0x17: {  	[dreg:$0x9] =	wrdreg s6;
	s18 =	sshrl.u32 s1, $0x3;
	s1 =	simm.s32 $0x0  }
.LBB2_1:
0x18: {  	s2 =	sadd.s32 s5, s17  }
0x19: {  	[tilespmem:s4], [sflag:$0x5] =	stream.linear.gather [hbm4b:s2+s4], $0x80, $0x38;
	[tilespmem:$0x10200] =	vst v63  }
0x1a: {  	_ =	swait.ge [sflag:s19], $0x80  }
0x1b: {  	[sflag:s19] =	ssyncset.done $0x0  }
0x1c: {  	s6 =	sadd.s32 s7, s17;
	[sflag:s19] =	ssyncadd.s32 $0xFFFFFF80  }
0x1d: {  	[tilespmem:s20], [sflag:$0x5] =	stream.linear.gather [hbm4b:s6+s4], $0x80, $0x38;
	[tilespmem:$0x10200] =	vst v63  }
0x1e: {  	_ =	swait.ge [sflag:s19], $0x80  }
0x1f: {  	[sflag:s19] =	ssyncset.done $0x0  }
0x20: {  	[sflag:s19] =	ssyncadd.s32 $0xFFFFFF80  }
0x21: {  	[tilespmem:s21], [sflag:$0x1] =	stream.indirect.gather [hbm4b:s0+s20], $0x80, s4, s20, $0xb8;
	[tilespmem:$0x10200] =	vst v63  }
0x22: {  	_ = 	snop  }
0x23: {  	[tilespmem:s22], [sflag:$0x2] =	stream.indirect.gather [hbm4b:s0+s20], $0x80, s20, s20, $0xb8;
	[tilespmem:$0x10200] =	vst v63  }
0x24: {  	s8 =	sadd.s32 s5, s18  }
0x25: {  	[tilespmem:s23], [sflag:$0x5] =	stream.linear.gather [hbm4b:s8+s4], $0x80, $0x38;
	[tilespmem:$0x10200] =	vst v63  }
0x26: {  	_ =	swait.ge [sflag:s19], $0x80  }
0x27: {  	[sflag:s19] =	ssyncset.done $0x0  }
0x28: {  	s9 =	sadd.s32 s7, s18;
	[sflag:s19] =	ssyncadd.s32 $0xFFFFFF80  }
0x29: {  	[tilespmem:s24], [sflag:$0x5] =	stream.linear.gather [hbm4b:s9+s4], $0x80, $0x38;
	[tilespmem:$0x10200] =	vst v63  }
0x2a: {  	_ =	swait.ge [sflag:s19], $0x80  }
0x2b: {  	[sflag:s19] =	ssyncset.done $0x0  }
0x2c: {  	[sflag:s19] =	ssyncadd.s32 $0xFFFFFF80  }
0x2d: {  	[tilespmem:s25], [sflag:$0x3] =	stream.indirect.gather [hbm4b:s0+s20], $0x80, s23, s20, $0xb8;
	[tilespmem:$0x10200] =	vst v63  }
0x2e: {  	_ = 	snop  }
0x2f: {  	[tilespmem:s26], [sflag:$0x4] =	stream.indirect.gather [hbm4b:s0+s20], $0x80, s24, s20, $0xb8;
	[tilespmem:$0x10200] =	vst v63  }
0x30: {  	_ =	swait.ge [sflag:s28], $0x4000  }
0x31: {  	[sflag:s28] =	ssyncset.done $0x0  }
0x32: {  	[sflag:s28] =	ssyncadd.s32 $0xFFFFC000  }
0x33: {  	_ =	swait.ge [sflag:s29], $0x4000  }
0x34: {  	[sflag:s29] =	ssyncset.done $0x0  }
0x35: {  	s10 =	sadd.s32 $0x0, s15;
	[sflag:s29] =	ssyncadd.s32 $0xFFFFC000  }
0x36: {  	[hbm4b:s10+s4] =	stream.linear.scatter [tilespmem:s21], [sflag:$0x5], $0x4000, $0x38;
	[tilespmem:$0x10200] =	vst v63  }
0x37: {  	_ =	swait.ge [sflag:s19], $0x4000  }
0x38: {  	[sflag:s19] =	ssyncset.done $0x0  }
0x39: {  	s3 =	sadd.s32 $0x0, s16;
	[sflag:s19] =	ssyncadd.s32 $0xFFFFC000  }
0x3a: {  	[hbm4b:s3+s4] =	stream.linear.scatter [tilespmem:s22], [sflag:$0x5], $0x4000, $0x38;
	[tilespmem:$0x10200] =	vst v63  }
0x3b: {  	_ =	swait.ge [sflag:s19], $0x4000  }
0x3c: {  	[sflag:s19] =	ssyncset.done $0x0  }
0x3d: {  	[sflag:s19] =	ssyncadd.s32 $0xFFFFC000  }
0x3e: {  	_ =	swait.ge [sflag:s30], $0x4000  }
0x3f: {  	[sflag:s30] =	ssyncset.done $0x0  }
0x40: {  	[sflag:s30] =	ssyncadd.s32 $0xFFFFC000  }
0x41: {  	_ =	swait.ge [sflag:s31], $0x4000  }
0x42: {  	[sflag:s31] =	ssyncset.done $0x0  }
0x43: {  	s2 =	sadd.s32 $0x800, s10;
	[sflag:s31] =	ssyncadd.s32 $0xFFFFC000  }
0x44: {  	[hbm4b:s2+s4] =	stream.linear.scatter [tilespmem:s25], [sflag:$0x5], $0x4000, $0x38;
	[tilespmem:$0x10200] =	vst v63  }
0x45: {  	_ =	swait.ge [sflag:s19], $0x4000  }
0x46: {  	[sflag:s19] =	ssyncset.done $0x0  }
0x47: {  	s11 =	sadd.s32 $0x800, s3;
	[sflag:s19] =	ssyncadd.s32 $0xFFFFC000  }
0x48: {  	[hbm4b:s11+s4] =	stream.linear.scatter [tilespmem:s26], [sflag:$0x5], $0x4000, $0x38;
	[tilespmem:$0x10200] =	vst v63  }
0x49: {  	s6 =	sadd.s32 $0x20, s5;
	s8 =	simm.s32 $0x2000;
	_ =	swait.ge [sflag:s19], $0x4000  }
0x4a: {  	s3 =	smov.u32 s7;
	s2 =	simm.s32 $0x1000;
	[sflag:s19] =	ssyncset.done $0x0  }
.LBB2_2:
0x4b: {  	s10 =	sadd.s32 s6, s17  }
0x4c: {  	[sflag:s19] =	ssyncadd.s32 $0xFFFFC000;
	s3 =	sadd.s32 $0x20, s3;
	s9 =	smov.u32 s8  }
0x4d: {  	[tilespmem:s4], [sflag:$0x5] =	stream.linear.gather [hbm4b:s10+s4], $0x80, $0x38;
	[tilespmem:$0x10200] =	vst v63  }
0x4e: {  	p1 =	sne.s32 s8, $0x12000;
	s8 =	sadd.s32 $0x1000, s8;
	_ =	swait.ge [sflag:s19], $0x80  }
0x4f: {  	[sflag:s19] =	ssyncset.done $0x0  }
0x50: {  	s10 =	sadd.s32 s3, s17;
	[sflag:s19] =	ssyncadd.s32 $0xFFFFFF80  }
0x51: {  	[tilespmem:s20], [sflag:$0x5] =	stream.linear.gather [hbm4b:s10+s4], $0x80, $0x38;
	[tilespmem:$0x10200] =	vst v63  }
0x52: {  	_ =	swait.ge [sflag:s19], $0x80  }
0x53: {  	[sflag:s19] =	ssyncset.done $0x0  }
0x54: {  	[sflag:s19] =	ssyncadd.s32 $0xFFFFFF80  }
0x55: {  	[tilespmem:s21], [sflag:$0x1] =	stream.indirect.gather [hbm4b:s0+s20], $0x80, s4, s20, $0xb8;
	[tilespmem:$0x10200] =	vst v63  }
0x56: {  	_ = 	snop  }
0x57: {  	[tilespmem:s22], [sflag:$0x2] =	stream.indirect.gather [hbm4b:s0+s20], $0x80, s20, s20, $0xb8;
	[tilespmem:$0x10200] =	vst v63  }
0x58: {  	s10 =	sadd.s32 s6, s18  }
0x59: {  	[tilespmem:s23], [sflag:$0x5] =	stream.linear.gather [hbm4b:s10+s4], $0x80, $0x38;
	[tilespmem:$0x10200] =	vst v63  }
0x5a: {  	_ =	swait.ge [sflag:s19], $0x80  }
0x5b: {  	[sflag:s19] =	ssyncset.done $0x0  }
0x5c: {  	s10 =	sadd.s32 s3, s18;
	[sflag:s19] =	ssyncadd.s32 $0xFFFFFF80  }
0x5d: {  	[tilespmem:s24], [sflag:$0x5] =	stream.linear.gather [hbm4b:s10+s4], $0x80, $0x38;
	[tilespmem:$0x10200] =	vst v63  }
0x5e: {  	_ =	swait.ge [sflag:s19], $0x80  }
0x5f: {  	[sflag:s19] =	ssyncset.done $0x0  }
0x60: {  	[sflag:s19] =	ssyncadd.s32 $0xFFFFFF80  }
0x61: {  	[tilespmem:s25], [sflag:$0x3] =	stream.indirect.gather [hbm4b:s0+s20], $0x80, s23, s20, $0xb8;
	[tilespmem:$0x10200] =	vst v63  }
0x62: {  	_ = 	snop  }
0x63: {  	[tilespmem:s26], [sflag:$0x4] =	stream.indirect.gather [hbm4b:s0+s20], $0x80, s24, s20, $0xb8;
	[tilespmem:$0x10200] =	vst v63  }
0x64: {  	_ =	swait.ge [sflag:s28], $0x4000  }
0x65: {  	[sflag:s28] =	ssyncset.done $0x0  }
0x66: {  	[sflag:s28] =	ssyncadd.s32 $0xFFFFC000  }
0x67: {  	_ =	swait.ge [sflag:s29], $0x4000  }
0x68: {  	[sflag:s29] =	ssyncset.done $0x0  }
0x69: {  	s10 =	sadd.s32 s2, s15;
	[sflag:s29] =	ssyncadd.s32 $0xFFFFC000  }
0x6a: {  	[hbm4b:s10+s4] =	stream.linear.scatter [tilespmem:s21], [sflag:$0x5], $0x4000, $0x38;
	[tilespmem:$0x10200] =	vst v63  }
0x6b: {  	_ =	swait.ge [sflag:s19], $0x4000  }
0x6c: {  	[sflag:s19] =	ssyncset.done $0x0  }
0x6d: {  	s11 =	sadd.s32 s2, s16;
	s2 =	smov.u32 s9;
	[sflag:s19] =	ssyncadd.s32 $0xFFFFC000  }
0x6e: {  	[hbm4b:s11+s4] =	stream.linear.scatter [tilespmem:s22], [sflag:$0x5], $0x4000, $0x38;
	[tilespmem:$0x10200] =	vst v63  }
0x6f: {  	_ =	swait.ge [sflag:s19], $0x4000  }
0x70: {  	[sflag:s19] =	ssyncset.done $0x0  }
0x71: {  	[sflag:s19] =	ssyncadd.s32 $0xFFFFC000  }
0x72: {  	_ =	swait.ge [sflag:s30], $0x4000  }
0x73: {  	[sflag:s30] =	ssyncset.done $0x0  }
0x74: {  	[sflag:s30] =	ssyncadd.s32 $0xFFFFC000  }
0x75: {  	_ =	swait.ge [sflag:s31], $0x4000  }
0x76: {  	[sflag:s31] =	ssyncset.done $0x0  }
0x77: {  	s9 =	sadd.s32 $0x800, s10;
	[sflag:s31] =	ssyncadd.s32 $0xFFFFC000  }
0x78: {  	[hbm4b:s9+s4] =	stream.linear.scatter [tilespmem:s25], [sflag:$0x5], $0x4000, $0x38;
	[tilespmem:$0x10200] =	vst v63  }
0x79: {  	_ =	swait.ge [sflag:s19], $0x4000  }
.Ltmp0:
0x7a: {  	[sflag:s19] =	ssyncset.done $0x0;
	(pc) =	sbr.rel @p1 .LBB2_2-.Ltmp0, $4  }
0x7b: {  	s9 =	sadd.s32 $0x800, s11;
	[sflag:s19] =	ssyncadd.s32 $0xFFFFC000  }
0x7c: {  	[hbm4b:s9+s4] =	stream.linear.scatter [tilespmem:s26], [sflag:$0x5], $0x4000, $0x38;
	[tilespmem:$0x10200] =	vst v63  }
0x7d: {  	_ =	swait.ge [sflag:s19], $0x4000  }
0x7e: {  	s6 =	sadd.s32 $0x20, s6;
	[sflag:s19] =	ssyncset.done $0x0  }
0x7f: {  	s8 =	sadd.s32 s6, s17;
	[sflag:s19] =	ssyncadd.s32 $0xFFFFC000  }
0x80: {  	[tilespmem:s4], [sflag:$0x5] =	stream.linear.gather [hbm4b:s8+s4], $0x80, $0x38;
	[tilespmem:$0x10200] =	vst v63  }
0x81: {  	_ =	swait.ge [sflag:s19], $0x80  }
0x82: {  	s3 =	sadd.s32 $0x20, s3;
	[sflag:s19] =	ssyncset.done $0x0  }
0x83: {  	s9 =	sadd.s32 s3, s17;
	[sflag:s19] =	ssyncadd.s32 $0xFFFFFF80  }
0x84: {  	[tilespmem:s20], [sflag:$0x5] =	stream.linear.gather [hbm4b:s9+s4], $0x80, $0x38;
	[tilespmem:$0x10200] =	vst v63  }
0x85: {  	_ =	swait.ge [sflag:s19], $0x80  }
0x86: {  	[sflag:s19] =	ssyncset.done $0x0  }
0x87: {  	[sflag:s19] =	ssyncadd.s32 $0xFFFFFF80  }
0x88: {  	[tilespmem:s21], [sflag:$0x1] =	stream.indirect.gather [hbm4b:s0+s20], $0x80, s4, s20, $0xb8;
	[tilespmem:$0x10200] =	vst v63  }
0x89: {  	_ = 	snop  }
0x8a: {  	[tilespmem:s22], [sflag:$0x2] =	stream.indirect.gather [hbm4b:s0+s20], $0x80, s20, s20, $0xb8;
	[tilespmem:$0x10200] =	vst v63  }
0x8b: {  	s10 =	sadd.s32 s6, s18  }
0x8c: {  	[tilespmem:s23], [sflag:$0x5] =	stream.linear.gather [hbm4b:s10+s4], $0x80, $0x38;
	[tilespmem:$0x10200] =	vst v63  }
0x8d: {  	_ =	swait.ge [sflag:s19], $0x80  }
0x8e: {  	[sflag:s19] =	ssyncset.done $0x0  }
0x8f: {  	s3 =	sadd.s32 s3, s18;
	[sflag:s19] =	ssyncadd.s32 $0xFFFFFF80  }
0x90: {  	[tilespmem:s24], [sflag:$0x5] =	stream.linear.gather [hbm4b:s3+s4], $0x80, $0x38;
	[tilespmem:$0x10200] =	vst v63  }
0x91: {  	_ =	swait.ge [sflag:s19], $0x80  }
0x92: {  	[sflag:s19] =	ssyncset.done $0x0  }
0x93: {  	[sflag:s19] =	ssyncadd.s32 $0xFFFFFF80  }
0x94: {  	[tilespmem:s25], [sflag:$0x3] =	stream.indirect.gather [hbm4b:s0+s20], $0x80, s23, s20, $0xb8;
	[tilespmem:$0x10200] =	vst v63  }
0x95: {  	_ = 	snop  }
0x96: {  	[tilespmem:s26], [sflag:$0x4] =	stream.indirect.gather [hbm4b:s0+s20], $0x80, s24, s20, $0xb8;
	[tilespmem:$0x10200] =	vst v63  }
0x97: {  	_ =	swait.ge [sflag:s28], $0x4000  }
0x98: {  	[sflag:s28] =	ssyncset.done $0x0  }
0x99: {  	[sflag:s28] =	ssyncadd.s32 $0xFFFFC000  }
0x9a: {  	_ =	swait.ge [sflag:s29], $0x4000  }
0x9b: {  	[sflag:s29] =	ssyncset.done $0x0  }
0x9c: {  	s11 =	sadd.s32 s2, s15;
	[sflag:s29] =	ssyncadd.s32 $0xFFFFC000  }
0x9d: {  	[hbm4b:s11+s4] =	stream.linear.scatter [tilespmem:s21], [sflag:$0x5], $0x4000, $0x38;
	[tilespmem:$0x10200] =	vst v63  }
0x9e: {  	_ =	swait.ge [sflag:s19], $0x4000  }
0x9f: {  	[sflag:s19] =	ssyncset.done $0x0  }
0xa0: {  	s6 =	sadd.s32 s2, s16;
	[sflag:s19] =	ssyncadd.s32 $0xFFFFC000  }
0xa1: {  	[hbm4b:s6+s4] =	stream.linear.scatter [tilespmem:s22], [sflag:$0x5], $0x4000, $0x38;
	[tilespmem:$0x10200] =	vst v63  }
0xa2: {  	_ =	swait.ge [sflag:s19], $0x4000  }
0xa3: {  	[sflag:s19] =	ssyncset.done $0x0  }
0xa4: {  	[sflag:s19] =	ssyncadd.s32 $0xFFFFC000  }
0xa5: {  	_ =	swait.ge [sflag:s30], $0x4000  }
0xa6: {  	[sflag:s30] =	ssyncset.done $0x0  }
0xa7: {  	[sflag:s30] =	ssyncadd.s32 $0xFFFFC000  }
0xa8: {  	_ =	swait.ge [sflag:s31], $0x4000  }
0xa9: {  	[sflag:s31] =	ssyncset.done $0x0  }
0xaa: {  	s3 =	sadd.s32 $0x800, s11;
	[sflag:s31] =	ssyncadd.s32 $0xFFFFC000  }
0xab: {  	[hbm4b:s3+s4] =	stream.linear.scatter [tilespmem:s25], [sflag:$0x5], $0x4000, $0x38;
	[tilespmem:$0x10200] =	vst v63  }
0xac: {  	_ =	swait.ge [sflag:s19], $0x4000  }
0xad: {  	[sflag:s19] =	ssyncset.done $0x0  }
0xae: {  	s2 =	sadd.s32 $0x800, s6;
	[sflag:s19] =	ssyncadd.s32 $0xFFFFC000  }
0xaf: {  	[hbm4b:s2+s4] =	stream.linear.scatter [tilespmem:s26], [sflag:$0x5], $0x4000, $0x38;
	[tilespmem:$0x10200] =	vst v63  }
0xb0: {  	_ =	swait.ge [sflag:s19], $0x4000  }
0xb1: {  	[sflag:s19] =	ssyncset.done $0x0  }
0xb2: {  	s8 =	rddreg [dreg:$0x4];
	[sflag:s19] =	ssyncadd.s32 $0xFFFFC000  }
0xb3: {  	[tilespmem:s4], [sflag:$0x5] =	stream.linear.gather [hbm4b:s8+s4], $0x80, $0x38;
	[tilespmem:$0x10200] =	vst v63  }
0xb4: {  	_ =	swait.ge [sflag:s19], $0x80  }
0xb5: {  	[sflag:s19] =	ssyncset.done $0x0  }
0xb6: {  	s9 =	rddreg [dreg:$0x5];
	[sflag:s19] =	ssyncadd.s32 $0xFFFFFF80  }
0xb7: {  	[tilespmem:s20], [sflag:$0x5] =	stream.linear.gather [hbm4b:s9+s4], $0x80, $0x38;
	[tilespmem:$0x10200] =	vst v63  }
0xb8: {  	_ =	swait.ge [sflag:s19], $0x80  }
0xb9: {  	[sflag:s19] =	ssyncset.done $0x0  }
0xba: {  	[sflag:s19] =	ssyncadd.s32 $0xFFFFFF80  }
0xbb: {  	[tilespmem:s21], [sflag:$0x1] =	stream.indirect.gather [hbm4b:s0+s20], $0x80, s4, s20, $0xb8;
	[tilespmem:$0x10200] =	vst v63  }
0xbc: {  	_ = 	snop  }
0xbd: {  	[tilespmem:s22], [sflag:$0x2] =	stream.indirect.gather [hbm4b:s0+s20], $0x80, s20, s20, $0xb8;
	[tilespmem:$0x10200] =	vst v63  }
0xbe: {  	_ =	swait.ge [sflag:s28], $0x4000  }
0xbf: {  	[sflag:s28] =	ssyncset.done $0x0  }
0xc0: {  	[sflag:s28] =	ssyncadd.s32 $0xFFFFC000  }
0xc1: {  	_ =	swait.ge [sflag:s29], $0x4000  }
0xc2: {  	[sflag:s29] =	ssyncset.done $0x0  }
0xc3: {  	s10 =	rddreg [dreg:$0x6];
	[sflag:s29] =	ssyncadd.s32 $0xFFFFC000  }
0xc4: {  	[hbm4b:s10+s4] =	stream.linear.scatter [tilespmem:s21], [sflag:$0x5], $0x4000, $0x38;
	[tilespmem:$0x10200] =	vst v63  }
0xc5: {  	_ =	swait.ge [sflag:s19], $0x4000  }
0xc6: {  	[sflag:s19] =	ssyncset.done $0x0  }
0xc7: {  	s11 =	rddreg [dreg:$0x7];
	[sflag:s19] =	ssyncadd.s32 $0xFFFFC000  }
0xc8: {  	[hbm4b:s11+s4] =	stream.linear.scatter [tilespmem:s22], [sflag:$0x5], $0x4000, $0x38;
	[tilespmem:$0x10200] =	vst v63  }
0xc9: {  	_ =	swait.ge [sflag:s19], $0x4000  }
0xca: {  	[sflag:s19] =	ssyncset.done $0x0  }
0xcb: {  	s2 =	simm.s32 @!p0 $0x0;
	s3 =	rddreg [dreg:$0x8];
	[sflag:s19] =	ssyncadd.s32 $0xFFFFC000  }
0xcc: {  	[tilespmem:s2], [sflag:$0x5] =	stream.linear.gather @!p0 [hbm4b:s3+s2], $0x80, $0x38;
	[tilespmem:$0x10200] =	vst v63  }
0xcd: {  	s3 =	simm.s32 @!p0 $0x5  }
0xce: {  	_ =	swait.ge @!p0 [sflag:s3], $0x80  }
0xcf: {  	[sflag:s3] =	ssyncset.done @!p0 $0x0  }
0xd0: {  	s6 =	simm.s32 @!p0 $0x80;
	s8 =	rddreg [dreg:$0x9];
	[sflag:s3] =	ssyncadd.s32 @!p0 $0xFFFFFF80  }
0xd1: {  	[tilespmem:s6], [sflag:$0x5] =	stream.linear.gather @!p0 [hbm4b:s8+s2], $0x80, $0x38;
	[tilespmem:$0x10200] =	vst v63  }
0xd2: {  	_ =	swait.ge @!p0 [sflag:s3], $0x80  }
0xd3: {  	[sflag:s3] =	ssyncset.done @!p0 $0x0  }
0xd4: {  	s8 =	simm.s32 @!p0 $0x200;
	[sflag:s3] =	ssyncadd.s32 @!p0 $0xFFFFFF80  }
0xd5: {  	[tilespmem:s8], [sflag:$0x1] =	stream.indirect.gather @!p0 [hbm4b:s0+s6], $0x80, s2, s6, $0xb8;
	[tilespmem:$0x10200] =	vst v63  }
0xd6: {  	s9 =	simm.s32 @!p0 $0x4200  }
0xd7: {  	[tilespmem:s9], [sflag:$0x2] =	stream.indirect.gather @!p0 [hbm4b:s0+s6], $0x80, s6, s6, $0xb8;
	[tilespmem:$0x10200] =	vst v63  }
0xd8: {  	s6 =	simm.s32 @!p0 $0x1  }
0xd9: {  	_ =	swait.ge @!p0 [sflag:s6], $0x4000  }
0xda: {  	[sflag:s6] =	ssyncset.done @!p0 $0x0  }
0xdb: {  	[sflag:s6] =	ssyncadd.s32 @!p0 $0xFFFFC000;
	s6 =	simm.s32 @!p0 $0x2  }
0xdc: {  	_ =	swait.ge @!p0 [sflag:s6], $0x4000  }
0xdd: {  	[sflag:s6] =	ssyncset.done @!p0 $0x0  }
0xde: {  	[sflag:s6] =	ssyncadd.s32 @!p0 $0xFFFFC000  }
0xdf: {  	[hbm4b:s12+s2] =	stream.linear.scatter @!p0 [tilespmem:s8], [sflag:$0x5], $0x4000, $0x38;
	[tilespmem:$0x10200] =	vst v63  }
0xe0: {  	s1 =	sadd.s32 $0x1, s1;
	_ =	swait.ge @!p0 [sflag:s3], $0x4000  }
0xe1: {  	p1 =	sne.s32 s1, s14;
	[sflag:s3] =	ssyncset.done @!p0 $0x0  }
.Ltmp1:
0xe2: {  	[sflag:s3] =	ssyncadd.s32 @!p0 $0xFFFFC000;
	(pc) =	sbr.rel @p1 .LBB2_1-.Ltmp1, $4  }
0xe3: {  	[hbm4b:s13+s2] =	stream.linear.scatter @!p0 [tilespmem:s9], [sflag:$0x5], $0x4000, $0x38;
	[tilespmem:$0x10200] =	vst v63  }
0xe4: {  	_ =	swait.ge @!p0 [sflag:s3], $0x4000  }
0xe5: {  	[sflag:s3] =	ssyncset.done @!p0 $0x0  }
0xe6: {  	[sflag:s3] =	ssyncadd.s32 @!p0 $0xFFFFC000  }
0xe7: {  	_ =	sfence.sel $0x180000  }
0xe8: {  	[bflag:$0x0] =	sbarrier.arrive $0xFFFF  }
0xe9: {  	_ =	strace $0x90000047  }
0xea: {  	s0 =	stileid.u32;
	[bflag:$0x2] =	sbarrier.arrive $0xFFFF  }
0xeb: {  	p0 =	sne.s32 s0, $0x0;
	s0 =	rddreg [dreg:$0x3]  }
0xec: {  	s0 =	sadd.s32 @!p0 $0x100000, s0  }
0xed: {  	[sflag:s0] =	ssyncadd.tile.s32 @!p0 $0x1;
	_ =	shalt  }
.Lfunc_end2:
_tile_overlayer_lowered:
.L_overlay_start_2:
0xee: {  	(tag) =	ssettag $0x2  }
0xef: {  	s0 =	rddreg [dreg:$0x0];
	s2 =	stileid.u32  }
0xf0: {  	s1 =	rddreg [dreg:$0x1];
	p0 =	sne.s32 s2, $0x0  }
0xf1: {  	s3 =	rddreg [dreg:$0x2];
	[bflag:$0x3] =	sbarrier.arrive $0xFFFF;
	s2 =	simm.s32 @!p0 $0x1C05  }
0xf2: {  	[timem:s3], [sflag:s2] =	dma.local @!p0 [hbm:s0], s1  }
0xf3: {  	s0 =	simm.s32 @!p0 $0x5  }
0xf4: {  	_ =	swait.ge @!p0 [sflag:s0], s1  }
0xf5: {  	s1 =	ssub.s32 @!p0 $0x0, s1;
	[sflag:s0] =	ssyncset.done @!p0 $0x0  }
0xf6: {  	[sflag:s0] =	ssyncadd.s32 @!p0 s1  }
0xf7: {  	[bflag:$0x3] =	sbarrier.arrive $0xFFFF  }
0xf8: {  	_ =	shalt  }

// kernel: kernel.9.cloned.1.call-start
scs
__scs_entry_jumppad:
0x0: {  	(pc) =	sbr.rel $0x88, $3  }
0x1: {  	(tag) =	ssettag $0x0;
	lr =	simm.s32 $0x1  }
0x2: {  	[smem:$0x3F96] =	sst lr;
	_ =	strace $0xD0000000  }
0x3: {  	_ = 	snop  }
0x4: {  	_ = 	snop  }
0x5: {  	_ = 	snop  }
0x6: {  	_ = 	snop  }
0x7: {  	_ = 	snop  }
__scs_overlays_trampoline_lowered:
0x8: {  	[smem:$0x3FA5] =	sst s0  }
0x9: {  	[smem:$0x3FA6] =	sst s1  }
0xa: {  	[smem:$0x3FA7] =	sst s2  }
0xb: {  	[smem:$0x3FA8] =	sst s3  }
0xc: {  	[smem:$0x3FA9] =	sst s4  }
0xd: {  	[smem:$0x3FAA] =	sst s5  }
0xe: {  	[smem:$0x3FAB] =	sst s6  }
0xf: {  	[smem:$0x3FAC] =	sst s7  }
0x10: {  	[smem:$0x3FAD] =	sst s8  }
0x11: {  	[smem:$0x3FAE] =	sst s9;
	s0 =	simm.s32 @!p0 $0x0  }
0x12: {  	s1 =	sld [smem:$0x3F94];
	s0 =	simm.s32 @p0 $0x1  }
0x13: {  	[smem:$0x3FAF] =	sst s0;
	s0 =	simm.s32 @!p1 $0x0  }
0x14: {  	s2 =	sld [smem:$0x3F93];
	s0 =	simm.s32 @p1 $0x1  }
0x15: {  	[smem:$0x3FB0] =	sst s0;
	s0 =	simm.s32 @!p2 $0x0  }
0x16: {  	s3 =	sld [smem:$0x3FDB];
	s0 =	simm.s32 @p2 $0x1  }
0x17: {  	s4 =	simm.s32 $0x1BF5;
	[smem:$0x3FB2] =	sst s0  }
0x18: {  	s0 =	sld [smem:$0x3F95];
	_ =	swait.ge [sflag:s4], $0x0  }
0x19: {  	s7 =	sld [smem:$0x3F96]  }
0x1a: {  	s8 =	sadd.s32 $0xFFFFE003, lr  }
0x1b: {  	s9 =	sadd.s32 $0xFFFFFEF7, lr;
	s5 =	simm.s32 $0xFFFFFFFF;
	p2 =	slt.u32 s8, $0xFFFFF086  }
0x1c: {  	p1 =	slt.u32 s9, $0xF7A;
	s5 =	simm.s32 @!p2 $0x0  }
0x1d: {  	s5 =	simm.s32 @p1 $0x1;
	p0 =	seq.s32 s7, s2  }
0x1e: {  	s7 =	smul.u32 @!p0 $0xF7A, s2;
	p2 =	seq.s32 @!p0 s5, $0x0  }
0x1f: {  	s9 =	smul.u32 $0xF7A, s1;
	s8 =	simm.s32 @!p0 $0x1BF5;
	p2 =	por !p2, p0  }
0x20: {  	[sflag:s8] =	ssyncset.s32 @!p0 $0xFFFFF086;
	s6 =	sadd.s32 @!p0 s3, s7;
	s7 =	simm.s32 @!p0 $0x108  }
0x21: {  	s3 =	sadd.s32 s3, s9;
	s6 =	sadd.s32 @!p0 $0x88, s6;
	s7 =	simm.s32 @p2 $0x1082  }
0x22: {  	[simem:s7], [sflag:s8] =	dma.local @!p0 [hbm:s6], $0xF7A  }
0x23: {  	s9 =	sor.u32 $0xD0000000, s2;
	s6 =	simm.s32 $0x108;
	_ =	swait.ge @!p0 [sflag:s8], $0x0  }
0x24: {  	s3 =	sadd.s32 $0x88, s3;
	s6 =	simm.s32 @!p1 $0x1082;
	[sflag:s4] =	ssyncset.s32 $0xFFFFF086  }
0x25: {  	[simem:s6], [sflag:s4] =	dma.local [hbm:s3], $0xF7A  }
0x26: {  	[smem:$0x3F96] =	sst s1;
	(tag) =	ssettag s2;
	_ =	strace s9  }
0x27: {  	s1 =	sld [smem:$0x3FA6]  }
0x28: {  	s2 =	sld [smem:$0x3FA7]  }
0x29: {  	s4 =	sld [smem:$0x3FA9]  }
0x2a: {  	p0 =	seq.s32 s5, $0x0;
	s5 =	sld [smem:$0x3FAA]  }
0x2b: {  	s6 =	sld [smem:$0x3FAB]  }
0x2c: {  	s7 =	sld [smem:$0x3FAC]  }
0x2d: {  	s3 =	simm.s32 $0x108;
	s8 =	sld [smem:$0x3FAD]  }
0x2e: {  	s3 =	simm.s32 @!p0 $0x1082;
	s9 =	sld [smem:$0x3FAE]  }
0x2f: {  	lr =	sadd.s32 s0, s3;
	s0 =	sld [smem:$0x3FA5]  }
0x30: {  	s3 =	sld [smem:$0x3FA8]  }
0x31: {  	[smem:$0x3FB1] =	sst s10  }
0x32: {  	s10 =	sld [smem:$0x3FAF];
	_ =	sdelay $0x3  }
0x33: {  	p0 =	seq.s32 s10, $0x1;
	s10 =	sld [smem:$0x3FB1];
	_ =	sdelay $0x3  }
0x34: {  	[smem:$0x3FB1] =	sst s10  }
0x35: {  	s10 =	sld [smem:$0x3FB0];
	_ =	sdelay $0x3  }
0x36: {  	p1 =	seq.s32 s10, $0x1;
	s10 =	sld [smem:$0x3FB1];
	_ =	sdelay $0x3  }
0x37: {  	[smem:$0x3FB1] =	sst s10  }
0x38: {  	s10 =	sld [smem:$0x3FB2]  }
0x39: {  	_ = 	snop;
	(pc) =	sbr.ind lr, $3  }
0x3a: {  	_ = 	snop  }
0x3b: {  	_ = 	snop  }
0x3c: {  	p2 =	seq.s32 s10, $0x1;
	s10 =	sld [smem:$0x3FB1]  }
0x3d: {  	_ =	shalt  }
0x3e: {  	_ =	shalt  }
0x3f: {  	_ =	shalt  }
0x40: {  	_ =	shalt  }
0x41: {  	_ =	shalt  }
0x42: {  	_ =	shalt  }
0x43: {  	_ =	shalt  }
0x44: {  	_ =	shalt  }
0x45: {  	_ =	shalt  }
0x46: {  	_ =	shalt  }
0x47: {  	_ =	shalt  }
0x48: {  	_ =	shalt  }
0x49: {  	_ =	shalt  }
0x4a: {  	_ =	shalt  }
0x4b: {  	_ =	shalt  }
0x4c: {  	_ =	shalt  }
0x4d: {  	_ =	shalt  }
0x4e: {  	_ =	shalt  }
0x4f: {  	_ =	shalt  }
0x50: {  	_ =	shalt  }
0x51: {  	_ =	shalt  }
0x52: {  	_ =	shalt  }
0x53: {  	_ =	shalt  }
0x54: {  	_ =	shalt  }
0x55: {  	_ =	shalt  }
0x56: {  	_ =	shalt  }
0x57: {  	_ =	shalt  }
0x58: {  	_ =	shalt  }
0x59: {  	_ =	shalt  }
0x5a: {  	_ =	shalt  }
0x5b: {  	_ =	shalt  }
0x5c: {  	_ =	shalt  }
0x5d: {  	_ =	shalt  }
0x5e: {  	_ =	shalt  }
0x5f: {  	_ =	shalt  }
0x60: {  	_ =	shalt  }
0x61: {  	_ =	shalt  }
0x62: {  	_ =	shalt  }
0x63: {  	_ =	shalt  }
0x64: {  	_ =	shalt  }
0x65: {  	_ =	shalt  }
0x66: {  	_ =	shalt  }
0x67: {  	_ =	shalt  }
0x68: {  	_ =	shalt  }
0x69: {  	_ =	shalt  }
0x6a: {  	_ =	shalt  }
0x6b: {  	_ =	shalt  }
0x6c: {  	_ =	shalt  }
0x6d: {  	_ =	shalt  }
0x6e: {  	_ =	shalt  }
0x6f: {  	_ =	shalt  }
0x70: {  	_ =	shalt  }
0x71: {  	_ =	shalt  }
0x72: {  	_ =	shalt  }
0x73: {  	_ =	shalt  }
0x74: {  	_ =	shalt  }
0x75: {  	_ =	shalt  }
0x76: {  	_ =	shalt  }
0x77: {  	_ =	shalt  }
0x78: {  	_ =	shalt  }
0x79: {  	_ =	shalt  }
0x7a: {  	_ =	shalt  }
0x7b: {  	_ =	shalt  }
0x7c: {  	_ =	shalt  }
0x7d: {  	_ =	shalt  }
0x7e: {  	_ =	shalt  }
0x7f: {  	_ =	shalt  }
0x80: {  	_ =	shalt  }
0x81: {  	_ =	shalt  }
0x82: {  	_ =	shalt  }
0x83: {  	_ =	shalt  }
0x84: {  	_ =	shalt  }
0x85: {  	_ =	shalt  }
0x86: {  	_ =	shalt  }
0x87: {  	_ =	shalt  }
.Lfunc_end0:
.L_simem_size_0:
called_computation.1_lowered:
.L_overlay_start_0:
0x88: {  	s2 =	sld [smem:$0x3FD9]  }
0x89: {  	s3 =	sld [smem:$0x3FFE];
	_ =	sdelay $0x1  }
0x8a: {  	s1 =	srdreg.scid  }
0x8b: {  	s0 =	sand.u32 $0x1, s1  }
0x8c: {  	s14 =	sshll.u32 s0, $0xA;
	s2 =	sadd.s32 s3, s2  }
0x8d: {  	s2 =	sadd.s32 s2, s14  }
0x8e: {  	[smem:$0x3FBD] =	sst s2  }
0x8f: {  	_ = 	snop  }
0x90: {  	s2 =	sld [smem:$0x3FD0];
	_ =	sdelay $0x2  }
0x91: {  	s15 =	simm.s32 $0xA;
	s4 =	simm.s32 $0x10  }
0x92: {  	[smem:s4], [sflag:s15] =	dma.local [hbm:s2], $0x1  }
0x93: {  	_ =	swait.eq [sflag:s15], $0x1  }
0x94: {  	[sflag:s15] =	ssyncset.done $0x0  }
0x95: {  	[sflag:s15] =	ssyncadd.s32 $0xFFFFFFFF  }
0x96: {  	s16 =	sld [smem:$0x10];
	(tm) =	ssettm $0x1  }
0x97: {  	s17 =	sld [smem:$0x3FFB];
	_ =	sdelay $0x3  }
0x98: {  	_ =	strace s17  }
0x99: {  	s3 =	sld [smem:$0x3FFC];
	_ =	sdelay $0x3  }
0x9a: {  	_ =	strace s3  }
0x9b: {  	s3 =	sld [smem:$0x3FFD];
	_ =	sdelay $0x3  }
0x9c: {  	_ =	strace s3  }
0x9d: {  	_ =	strace $0x8FFFFFFF  }
0x9e: {  	s18 =	sld [smem:$0x3FDB];
	_ =	sdelay $0x1  }
0x9f: {  	s19 =	simm.s32 $_scs_section_size  }
0xa0: {  	s5 =	simm.s32 $_size__tile_overlayer_lowered;
	s6 =	simm.s32 $_tile_overlayer_lowered  }
0xa1: {  	s22 =	simm.s32 $0x1BFF;
	s21 =	sshll.u32 s6, $0x1;
	s3 =	sadd.s32 s19, s18  }
0xa2: {  	s7 =	simm.s32 $0x0;
	s20 =	sshll.u32 s5, $0x1;
	s5 =	sadd.s32 s21, s3  }
0xa3: {  	[timem:s7], [sflag:s22] =	dma.local [hbm:s5], s20  }
0xa4: {  	_ =	swait.ge [sflag:s22], s20  }
0xa5: {  	s4 =	ssub.s32 $0x0, s20;
	[sflag:s22] =	ssyncset.done $0x0  }
0xa6: {  	[sflag:s22] =	ssyncadd.s32 s4;
	_ =	sdelay $0x1  }
0xa7: {  	s23 =	simm.s32 $0x1B8B  }
0xa8: {  	_ =	swait.ge [sflag:s23], $0x1  }
0xa9: {  	[sflag:s23] =	ssyncset.done $0x0  }
0xaa: {  	s25 =	simm.s32 $0x1B8E;
	s24 =	sld [smem:$0x3FFE];
	[sflag:s23] =	ssyncadd.s32 $0xFFFFFFFF  }
0xab: {  	s26 =	simm.s32 $execute0_lowered;
	[smem:$0x3FD2] =	sst s25  }
0xac: {  	s5 =	sshll.u32 s26, $0x1;
	_ =	strace $0x80000049;
	[dreg:$0x1] =	wrdreg $0xFFFFFFFF  }
0xad: {  	s28 =	simm.s32 $_size_execute0_lowered;
	s3 =	sadd.s32 s3, s5;
	[dreg:$0x0] =	wrdreg $0x0  }
0xae: {  	s5 =	sshll.u32 s28, $0x1;
	[dreg:$0x2] =	wrdreg s3  }
0xaf: {  	[dreg:$0x3] =	wrdreg s5  }
0xb0: {  	[dreg:$0x4] =	wrdreg $0xC0  }
0xb1: {  	_ =	task [dreg:s7], $0x5FFFF  }
0xb2: {  	[dreg:$0x1] =	wrdreg $0xFFFFFFFF  }
0xb3: {  	[dreg:$0x0] =	wrdreg $0x60  }
0xb4: {  	[dreg:$0x2] =	wrdreg s24  }
0xb5: {  	[dreg:$0x3] =	wrdreg s16  }
0xb6: {  	[dreg:$0x4] =	wrdreg $0x0  }
0xb7: {  	[dreg:$0x5] =	wrdreg $0x9  }
0xb8: {  	_ =	task.clear_ibuf [dreg:s7], $0x6FFFF;
	_ =	strace $0x90000049  }
0xb9: {  	s29 =	simm.s32 $0x9;
	_ =	strace $0x8000004B  }
0xba: {  	_ =	swait.ge [sflag:s29], $0x1  }
0xbb: {  	[sflag:s29] =	ssyncadd.s32 $0xFFFFFFFF  }
0xbc: {  	_ =	strace $0x9000004B  }
0xbd: {  	_ =	sfence  }
0xbe: {  	s30 =	sld [smem:$0x0];
	_ =	sdelay $0x2  }
0xbf: {  	s31 =	sshll.u32 s1, $0xD;
	s1 =	sshrl.u32 s1, $0x2  }
0xc0: {  	s3 =	sand.u32 $0x4000, s31;
	s1 =	sadd.s32 s1, s30  }
0xc1: {  	s0 =	sor.u32 s3, s0;
	s1 =	sshll.u32 s1, $0x11  }
0xc2: {  	s0 =	sor.u32 s1, s0  }
0xc3: {  	s0 =	sadd.s32 $0x8F2B, s0  }
0xc4: {  	[sflag:s0] =	ssyncadd.remote.s32 $0x1  }
0xc5: {  	_ =	sfence.sel $0xFFFF  }
0xc6: {  	[dreg:$0x0] =	wrdreg $0xFFFFFFFF;
	(pc) =	sbr.abs _section_cstart, $3  }
0xc7: {  	[dreg:$0x1] =	wrdreg $0xFFFFFFFF  }
0xc8: {  	_ =	task.clear_ibuf [dreg:s7], $0x2FFFF;
	_ =	strace $0x9FFFFFFF  }
0xc9: {  	(tm) =	ssettm $0x7FFFFFFF  }
tec
execute0_lowered:
.L_overlay_start_1:
0x0: {  	(tag) =	ssettag $0x1  }
0x1: {  	s0 =	rddreg [dreg:$0x0];
	s1 =	srdreg.scid  }
0x2: {  	s22 =	stileid.u32;
	s8 =	sadd.s32 $0x4E8C00, s0;
	s7 =	sand.u32 $0x1, s1  }
0x3: {  	s5 =	smul.u32 $0x280, s22;
	s9 =	sadd.s32 $0x759C00, s0;
	s10 =	sadd.s32 $0x6C00, s0  }
0x4: {  	s11 =	sadd.s32 $0x8200, s0;
	s12 =	sadd.s32 $0x58200, s0;
	s25 =	sshll.u32 s22, $0x7  }
0x5: {  	s19 =	smul.u32 $0x14000, s22;
	s30 =	sadd.s32 $0x7A00, s0;
	s31 =	sadd.s32 $0x7200, s0  }
0x6: {  	s1 =	ssub.s32 $0x2, s7;
	s17 =	smul.u32 $0x140000, s7;
	s21 =	sor.u32 $0x27000, s25  }
0x7: {  	s2 =	sshrl.u32 s1, $0x1;
	s3 =	sshrl.u32 s5, $0x3;
	s13 =	sadd.s32 $0x80, s5  }
0x8: {  	s14 =	sadd.s32 $0x100, s5;
	s15 =	sadd.s32 $0x180, s5;
	s16 =	sadd.s32 $0x200, s5  }
0x9: {  	s26 =	sshll.u32 s21, $0x4;
	s6 =	ssub.s32 s1, s2;
	s1 =	sadd.s32 s10, s3  }
0xa: {  	s23 =	sshrl.u32 s13, $0x3;
	s24 =	sshrl.u32 s14, $0x3;
	s4 =	sshrl.u32 s15, $0x3  }
0xb: {  	s18 =	sshrl.u32 s16, $0x3;
	s13 =	sshll.u32 s13, $0x7;
	s20 =	sadd.s32 s8, s26  }
0xc: {  	s14 =	sshll.u32 s14, $0x7;
	s15 =	sshll.u32 s15, $0x7;
	s16 =	sshll.u32 s16, $0x7  }
0xd: {  	s2 =	sadd.s32 s10, s23;
	s3 =	sadd.s32 s10, s24;
	s4 =	sadd.s32 s10, s4  }
0xe: {  	s5 =	sadd.s32 s10, s18;
	[dreg:$0x4] =	wrdreg s20;
	s23 =	sadd.s32 s19, s17  }
0xf: {  	s13 =	sadd.s32 s17, s13;
	s10 =	sadd.s32 s9, s26;
	s14 =	sadd.s32 s17, s14  }
0x10: {  	s15 =	sadd.s32 s17, s15;
	s16 =	sadd.s32 s17, s16;
	[dreg:$0x5] =	wrdreg s10  }
0x11: {  	s24 =	sshrl.u32 s23, $0x3;
	s13 =	sshrl.u32 s13, $0x3;
	s14 =	sshrl.u32 s14, $0x3  }
0x12: {  	s15 =	sshrl.u32 s15, $0x3;
	s16 =	sshrl.u32 s16, $0x3;
	s18 =	sadd.s32 s11, s24  }
0x13: {  	s23 =	smul.u32 $0x138000, s7;
	s25 =	sadd.s32 s11, s13;
	[dreg:$0x6] =	wrdreg s18  }
0x14: {  	s26 =	sadd.s32 s11, s14;
	s10 =	sadd.s32 s12, s24;
	[dreg:$0x7] =	wrdreg s25  }
0x15: {  	s19 =	sadd.s32 s12, s13;
	s20 =	sadd.s32 s12, s14;
	[dreg:$0x8] =	wrdreg s26  }
0x16: {  	s24 =	sadd.s32 s12, s15;
	s14 =	sadd.s32 $0x1C00, s0;
	[dreg:$0xb] =	wrdreg s10  }
0x17: {  	s0 =	simm.s32 $0x14100;
	s13 =	simm.s32 $0x0;
	[dreg:$0xc] =	wrdreg s19  }
0x18: {  	s18 =	sadd.s32 s11, s15;
	s11 =	sadd.s32 s11, s16;
	[dreg:$0xd] =	wrdreg s20  }
0x19: {  	[dreg:$0xe] =	wrdreg s24;
	s25 =	sadd.s32 s12, s16;
	s26 =	smul.u32 $0x13800, s22  }
0x1a: {  	s9 =	sadd.s32 s23, s9;
	s8 =	sadd.s32 s23, s8;
	s12 =	rddreg [dreg:$0x1]  }
0x1b: {  	s10 =	sshll.u32 s22, $0x4;
	s15 =	smul.u32 $0x2700, s7;
	[dreg:$0x9] =	wrdreg s18  }
0x1c: {  	s23 =	smul.u32 $0x270, s22;
	s7 =	sshll.u32 s7, $0x4;
	[dreg:$0xa] =	wrdreg s11  }
0x1d: {  	[dreg:$0xf] =	wrdreg s25;
	s18 =	simm.s32 $0x0;
	s11 =	sshrl.u32 s21, $0x3  }
0x1e: {  	s7 =	sor.u32 s22, s7;
	s19 =	sadd.s32 s26, s9;
	s20 =	sadd.s32 s26, s8  }
0x1f: {  	[smem:$0x7FF] =	sst s18;
	s8 =	sor.u32 $0x4E00, s10;
	s16 =	sadd.s32 s14, s11  }
0x20: {  	s9 =	sadd.s32 s12, s11;
	s21 =	sadd.s32 s15, s12;
	s25 =	sadd.s32 s15, s14  }
0x21: {  	s26 =	rddreg [dreg:$0x2];
	p0 =	sgt.u32 s7, $0x1;
	s7 =	simm.s32 $0x14000  }
0x22: {  	s10 =	simm.s32 $0x18100;
	s11 =	simm.s32 $0x1;
	[dreg:$0x10] =	wrdreg s16  }
0x23: {  	[dreg:$0x11] =	wrdreg s9;
	s17 =	sadd.s32 s14, s8;
	s24 =	sadd.s32 s12, s8  }
0x24: {  	s28 =	sadd.s32 s23, s21;
	s29 =	sadd.s32 s23, s25;
	s25 =	smax.u32 s6, $0x1  }
0x25: {  	s6 =	simm.s32 $0x3;
	s8 =	simm.s32 $0x80;
	[dreg:$0x12] =	wrdreg s17  }
0x26: {  	s9 =	simm.s32 $0x14080;
	s12 =	simm.s32 $0x2;
	_ =	strace $0x8000004A  }
.LBB2_1:
0x27: {  	[tilespmem:s0], [sflag:$0x3] =	stream.linear.gather [hbm4b:s30+s18], $0x4000, $0x38;
	[tilespmem:$0x1C100] =	vst v63  }
0x28: {  	_ =	swait.ge [sflag:s6], $0x4000  }
0x29: {  	[sflag:s6] =	ssyncset.done $0x0  }
0x2a: {  	[sflag:s6] =	ssyncadd.s32 $0xFFFFC000  }
0x2b: {  	[tilespmem:s7], [sflag:$0x3] =	stream.linear.gather [hbm4b:s1+s18], $0x80, $0x38;
	[tilespmem:$0x1C100] =	vst v63  }
0x2c: {  	_ =	swait.ge [sflag:s6], $0x80  }
0x2d: {  	[sflag:s6] =	ssyncset.done $0x0  }
0x2e: {  	[sflag:s6] =	ssyncadd.s32 $0xFFFFFF80  }
0x2f: {  	[spmem:s26] =	stream.indirect.scatter [tilespmem:s0], [sflag:$0x3], $0x80, s7, s8, $0xb8;
	[tilespmem:$0x1C100] =	vst v63  }
0x30: {  	_ =	swait.ge [sflag:s6], $0x4000  }
0x31: {  	[sflag:s6] =	ssyncset.done $0x0  }
0x32: {  	[sflag:s6] =	ssyncadd.s32 $0xFFFFC000  }
0x33: {  	[tilespmem:s7], [sflag:$0x3] =	stream.linear.gather [hbm4b:s2+s18], $0x80, $0x38;
	[tilespmem:$0x1C100] =	vst v63  }
0x34: {  	_ =	swait.ge [sflag:s6], $0x80  }
0x35: {  	[sflag:s6] =	ssyncset.done $0x0  }
0x36: {  	[sflag:s6] =	ssyncadd.s32 $0xFFFFFF80  }
0x37: {  	[spmem:s26] =	stream.indirect.scatter [tilespmem:s0], [sflag:$0x3], $0x80, s7, s8, $0xb8;
	[tilespmem:$0x1C100] =	vst v63  }
0x38: {  	_ =	swait.ge [sflag:s6], $0x4000  }
0x39: {  	[sflag:s6] =	ssyncset.done $0x0  }
0x3a: {  	[sflag:s6] =	ssyncadd.s32 $0xFFFFC000  }
0x3b: {  	[tilespmem:s7], [sflag:$0x3] =	stream.linear.gather [hbm4b:s3+s18], $0x80, $0x38;
	[tilespmem:$0x1C100] =	vst v63  }
0x3c: {  	_ =	swait.ge [sflag:s6], $0x80  }
0x3d: {  	[sflag:s6] =	ssyncset.done $0x0  }
0x3e: {  	[sflag:s6] =	ssyncadd.s32 $0xFFFFFF80  }
0x3f: {  	[spmem:s26] =	stream.indirect.scatter [tilespmem:s0], [sflag:$0x3], $0x80, s7, s8, $0xb8;
	[tilespmem:$0x1C100] =	vst v63  }
0x40: {  	_ =	swait.ge [sflag:s6], $0x4000  }
0x41: {  	[sflag:s6] =	ssyncset.done $0x0  }
0x42: {  	[sflag:s6] =	ssyncadd.s32 $0xFFFFC000  }
0x43: {  	[tilespmem:s7], [sflag:$0x3] =	stream.linear.gather [hbm4b:s4+s18], $0x80, $0x38;
	[tilespmem:$0x1C100] =	vst v63  }
0x44: {  	_ =	swait.ge [sflag:s6], $0x80  }
0x45: {  	[sflag:s6] =	ssyncset.done $0x0  }
0x46: {  	[sflag:s6] =	ssyncadd.s32 $0xFFFFFF80  }
0x47: {  	[spmem:s26] =	stream.indirect.scatter [tilespmem:s0], [sflag:$0x3], $0x80, s7, s8, $0xb8;
	[tilespmem:$0x1C100] =	vst v63  }
0x48: {  	_ =	swait.ge [sflag:s6], $0x4000  }
0x49: {  	[sflag:s6] =	ssyncset.done $0x0  }
0x4a: {  	[sflag:s6] =	ssyncadd.s32 $0xFFFFC000  }
0x4b: {  	[tilespmem:s7], [sflag:$0x3] =	stream.linear.gather [hbm4b:s5+s18], $0x80, $0x38;
	[tilespmem:$0x1C100] =	vst v63  }
0x4c: {  	_ =	swait.ge [sflag:s6], $0x80  }
0x4d: {  	[sflag:s6] =	ssyncset.done $0x0  }
0x4e: {  	[sflag:s6] =	ssyncadd.s32 $0xFFFFFF80  }
0x4f: {  	[spmem:s26] =	stream.indirect.scatter [tilespmem:s0], [sflag:$0x3], $0x80, s7, s8, $0xb8;
	[tilespmem:$0x1C100] =	vst v63  }
0x50: {  	_ =	swait.ge [sflag:s6], $0x4000  }
0x51: {  	[sflag:s6] =	ssyncset.done $0x0  }
0x52: {  	[sflag:s6] =	ssyncadd.s32 $0xFFFFC000  }
0x53: {  	s14 =	sadd.s32 $0x0, s29;
	[bflag:$0x0] =	sbarrier.arrive $0xFFFF  }
0x54: {  	[tilespmem:s7], [sflag:$0x3] =	stream.linear.gather [hbm4b:s14+s18], $0x80, $0x38;
	[tilespmem:$0x1C100] =	vst v63  }
0x55: {  	_ =	swait.ge [sflag:s6], $0x80  }
0x56: {  	[sflag:s6] =	ssyncset.done $0x0  }
0x57: {  	s23 =	sadd.s32 $0x0, s28;
	[sflag:s6] =	ssyncadd.s32 $0xFFFFFF80  }
0x58: {  	[tilespmem:s9], [sflag:$0x3] =	stream.linear.gather [hbm4b:s23+s18], $0x80, $0x38;
	[tilespmem:$0x1C100] =	vst v63  }
0x59: {  	_ =	swait.ge [sflag:s6], $0x80  }
0x5a: {  	[sflag:s6] =	ssyncset.done $0x0  }
0x5b: {  	[sflag:s6] =	ssyncadd.s32 $0xFFFFFF80  }
0x5c: {  	[tilespmem:s0], [sflag:$0x1] =	stream.linear.gather [hbm4b:s20+s18], $0x4000, $0x38;
	[tilespmem:$0x1C100] =	vst v63  }
0x5d: {  	_ = 	snop  }
0x5e: {  	[tilespmem:s10], [sflag:$0x2] =	stream.linear.gather [hbm4b:s19+s18], $0x4000, $0x38;
	[tilespmem:$0x1C100] =	vst v63  }
0x5f: {  	_ =	swait.ge [sflag:s11], $0x4000  }
0x60: {  	[sflag:s11] =	ssyncset.done $0x0  }
0x61: {  	[sflag:s11] =	ssyncadd.s32 $0xFFFFC000  }
0x62: {  	[spmem:s26] =	stream.indirect.scatter.add.f32 [tilespmem:s0], [sflag:$0x3], $0x80, s7, s8, $0xb8;
	[tilespmem:$0x1C100] =	vst v63  }
0x63: {  	_ =	swait.ge [sflag:s6], $0x4000  }
0x64: {  	[sflag:s6] =	ssyncset.done $0x0  }
0x65: {  	[sflag:s6] =	ssyncadd.s32 $0xFFFFC000  }
0x66: {  	_ =	swait.ge [sflag:s12], $0x4000  }
0x67: {  	[sflag:s12] =	ssyncset.done $0x0  }
0x68: {  	[sflag:s12] =	ssyncadd.s32 $0xFFFFC000  }
0x69: {  	[spmem:s26] =	stream.indirect.scatter.add.f32 [tilespmem:s10], [sflag:$0x3], $0x80, s9, s8, $0xb8;
	[tilespmem:$0x1C100] =	vst v63  }
0x6a: {  	s16 =	simm.s32 $0x10;
	s17 =	simm.s32 $0x20;
	_ =	swait.ge [sflag:s6], $0x4000  }
0x6b: {  	s15 =	sadd.s32 $0x800, s20;
	s14 =	sadd.s32 $0x800, s19;
	[sflag:s6] =	ssyncset.done $0x0  }
.LBB2_2:
0x6c: {  	s21 =	sadd.s32 s16, s29  }
0x6d: {  	[sflag:s6] =	ssyncadd.s32 $0xFFFFC000;
	s22 =	smov.u32 s17;
	s23 =	sadd.s32 $0x10, s17  }
0x6e: {  	[tilespmem:s7], [sflag:$0x3] =	stream.linear.gather [hbm4b:s21+s18], $0x80, $0x38;
	[tilespmem:$0x1C100] =	vst v63  }
0x6f: {  	p1 =	sne.s32 s17, $0x260;
	_ =	swait.ge [sflag:s6], $0x80  }
0x70: {  	[sflag:s6] =	ssyncset.done $0x0  }
0x71: {  	s17 =	sadd.s32 s16, s28;
	s16 =	smov.u32 s22;
	[sflag:s6] =	ssyncadd.s32 $0xFFFFFF80  }
0x72: {  	[tilespmem:s9], [sflag:$0x3] =	stream.linear.gather [hbm4b:s17+s18], $0x80, $0x38;
	[tilespmem:$0x1C100] =	vst v63  }
0x73: {  	_ =	swait.ge [sflag:s6], $0x80  }
0x74: {  	[sflag:s6] =	ssyncset.done $0x0  }
0x75: {  	[sflag:s6] =	ssyncadd.s32 $0xFFFFFF80  }
0x76: {  	[tilespmem:s0], [sflag:$0x1] =	stream.linear.gather [hbm4b:s15+s18], $0x4000, $0x38;
	[tilespmem:$0x1C100] =	vst v63  }
0x77: {  	_ = 	snop  }
0x78: {  	[tilespmem:s10], [sflag:$0x2] =	stream.linear.gather [hbm4b:s14+s18], $0x4000, $0x38;
	[tilespmem:$0x1C100] =	vst v63  }
0x79: {  	_ =	swait.ge [sflag:s11], $0x4000  }
0x7a: {  	[sflag:s11] =	ssyncset.done $0x0  }
0x7b: {  	[sflag:s11] =	ssyncadd.s32 $0xFFFFC000  }
0x7c: {  	[spmem:s26] =	stream.indirect.scatter.add.f32 [tilespmem:s0], [sflag:$0x3], $0x80, s7, s8, $0xb8;
	[tilespmem:$0x1C100] =	vst v63  }
0x7d: {  	_ =	swait.ge [sflag:s6], $0x4000  }
0x7e: {  	[sflag:s6] =	ssyncset.done $0x0  }
0x7f: {  	[sflag:s6] =	ssyncadd.s32 $0xFFFFC000  }
0x80: {  	_ =	swait.ge [sflag:s12], $0x4000  }
.Ltmp0:
0x81: {  	[sflag:s12] =	ssyncset.done $0x0;
	(pc) =	sbr.rel @p1 .LBB2_2-.Ltmp0, $4  }
0x82: {  	[sflag:s12] =	ssyncadd.s32 $0xFFFFC000  }
0x83: {  	[spmem:s26] =	stream.indirect.scatter.add.f32 [tilespmem:s10], [sflag:$0x3], $0x80, s9, s8, $0xb8;
	[tilespmem:$0x1C100] =	vst v63  }
0x84: {  	s17 =	smov.u32 s23;
	_ =	swait.ge [sflag:s6], $0x4000  }
0x85: {  	s15 =	sadd.s32 $0x800, s15;
	s14 =	sadd.s32 $0x800, s14;
	[sflag:s6] =	ssyncset.done $0x0  }
0x86: {  	s17 =	sadd.s32 s16, s29;
	[sflag:s6] =	ssyncadd.s32 $0xFFFFC000  }
0x87: {  	[tilespmem:s7], [sflag:$0x3] =	stream.linear.gather [hbm4b:s17+s18], $0x80, $0x38;
	[tilespmem:$0x1C100] =	vst v63  }
0x88: {  	_ =	swait.ge [sflag:s6], $0x80  }
0x89: {  	[sflag:s6] =	ssyncset.done $0x0  }
0x8a: {  	s21 =	sadd.s32 s16, s28;
	[sflag:s6] =	ssyncadd.s32 $0xFFFFFF80  }
0x8b: {  	[tilespmem:s9], [sflag:$0x3] =	stream.linear.gather [hbm4b:s21+s18], $0x80, $0x38;
	[tilespmem:$0x1C100] =	vst v63  }
0x8c: {  	_ =	swait.ge [sflag:s6], $0x80  }
0x8d: {  	[sflag:s6] =	ssyncset.done $0x0  }
0x8e: {  	[sflag:s6] =	ssyncadd.s32 $0xFFFFFF80  }
0x8f: {  	[tilespmem:s0], [sflag:$0x1] =	stream.linear.gather [hbm4b:s15+s18], $0x4000, $0x38;
	[tilespmem:$0x1C100] =	vst v63  }
0x90: {  	_ = 	snop  }
0x91: {  	[tilespmem:s10], [sflag:$0x2] =	stream.linear.gather [hbm4b:s14+s18], $0x4000, $0x38;
	[tilespmem:$0x1C100] =	vst v63  }
0x92: {  	_ =	swait.ge [sflag:s11], $0x4000  }
0x93: {  	[sflag:s11] =	ssyncset.done $0x0  }
0x94: {  	[sflag:s11] =	ssyncadd.s32 $0xFFFFC000  }
0x95: {  	[spmem:s26] =	stream.indirect.scatter.add.f32 [tilespmem:s0], [sflag:$0x3], $0x80, s7, s8, $0xb8;
	[tilespmem:$0x1C100] =	vst v63  }
0x96: {  	_ =	swait.ge [sflag:s6], $0x4000  }
0x97: {  	[sflag:s6] =	ssyncset.done $0x0  }
0x98: {  	[sflag:s6] =	ssyncadd.s32 $0xFFFFC000  }
0x99: {  	_ =	swait.ge [sflag:s12], $0x4000  }
0x9a: {  	[sflag:s12] =	ssyncset.done $0x0  }
0x9b: {  	[sflag:s12] =	ssyncadd.s32 $0xFFFFC000  }
0x9c: {  	[spmem:s26] =	stream.indirect.scatter.add.f32 [tilespmem:s10], [sflag:$0x3], $0x80, s9, s8, $0xb8;
	[tilespmem:$0x1C100] =	vst v63  }
0x9d: {  	_ =	swait.ge [sflag:s6], $0x4000  }
0x9e: {  	s15 =	simm.s32 @!p0 $0x14000;
	[sflag:s6] =	ssyncset.done $0x0  }
0x9f: {  	s14 =	simm.s32 @!p0 $0x0;
	s16 =	rddreg [dreg:$0x10];
	[sflag:s6] =	ssyncadd.s32 $0xFFFFC000  }
0xa0: {  	[tilespmem:s15], [sflag:$0x3] =	stream.linear.gather @!p0 [hbm4b:s16+s14], $0x80, $0x38;
	[tilespmem:$0x1C100] =	vst v63  }
0xa1: {  	s16 =	simm.s32 @!p0 $0x3  }
0xa2: {  	_ =	swait.ge @!p0 [sflag:s16], $0x80  }
0xa3: {  	[sflag:s16] =	ssyncset.done @!p0 $0x0  }
0xa4: {  	s17 =	simm.s32 @!p0 $0x14080;
	s21 =	rddreg [dreg:$0x11];
	[sflag:s16] =	ssyncadd.s32 @!p0 $0xFFFFFF80  }
0xa5: {  	[tilespmem:s17], [sflag:$0x3] =	stream.linear.gather @!p0 [hbm4b:s21+s14], $0x80, $0x38;
	[tilespmem:$0x1C100] =	vst v63  }
0xa6: {  	_ =	swait.ge @!p0 [sflag:s16], $0x80  }
0xa7: {  	[sflag:s16] =	ssyncset.done @!p0 $0x0  }
0xa8: {  	s21 =	simm.s32 @!p0 $0x14100;
	s22 =	rddreg [dreg:$0x4];
	[sflag:s16] =	ssyncadd.s32 @!p0 $0xFFFFFF80  }
0xa9: {  	[tilespmem:s21], [sflag:$0x1] =	stream.linear.gather @!p0 [hbm4b:s22+s14], $0x4000, $0x38;
	[tilespmem:$0x1C100] =	vst v63  }
0xaa: {  	s23 =	rddreg [dreg:$0x5];
	s22 =	simm.s32 @!p0 $0x18100  }
0xab: {  	[tilespmem:s22], [sflag:$0x2] =	stream.linear.gather @!p0 [hbm4b:s23+s14], $0x4000, $0x38;
	[tilespmem:$0x1C100] =	vst v63  }
0xac: {  	s14 =	simm.s32 @!p0 $0x1  }
0xad: {  	_ =	swait.ge @!p0 [sflag:s14], $0x4000  }
0xae: {  	[sflag:s14] =	ssyncset.done @!p0 $0x0  }
0xaf: {  	[sflag:s14] =	ssyncadd.s32 @!p0 $0xFFFFC000;
	s14 =	simm.s32 @!p0 $0x80  }
0xb0: {  	[spmem:s26] =	stream.indirect.scatter.add.f32 @!p0 [tilespmem:s21], [sflag:$0x3], $0x80, s15, s14, $0xb8;
	[tilespmem:$0x1C100] =	vst v63  }
0xb1: {  	_ =	swait.ge @!p0 [sflag:s16], $0x4000  }
0xb2: {  	[sflag:s16] =	ssyncset.done @!p0 $0x0  }
0xb3: {  	s15 =	simm.s32 @!p0 $0x2;
	[sflag:s16] =	ssyncadd.s32 @!p0 $0xFFFFC000  }
0xb4: {  	_ =	swait.ge @!p0 [sflag:s15], $0x4000  }
0xb5: {  	[sflag:s15] =	ssyncset.done @!p0 $0x0  }
0xb6: {  	[sflag:s15] =	ssyncadd.s32 @!p0 $0xFFFFC000  }
0xb7: {  	[spmem:s26] =	stream.indirect.scatter.add.f32 @!p0 [tilespmem:s22], [sflag:$0x3], $0x80, s17, s14, $0xb8;
	[tilespmem:$0x1C100] =	vst v63  }
0xb8: {  	_ =	swait.ge @!p0 [sflag:s16], $0x4000  }
0xb9: {  	[sflag:s16] =	ssyncset.done @!p0 $0x0  }
0xba: {  	[sflag:s16] =	ssyncadd.s32 @!p0 $0xFFFFC000  }
0xbb: {  	s14 =	simm.s32 $0x0;
	[bflag:$0x0] =	sbarrier.arrive $0xFFFF  }
0xbc: {  	[tilespmem:s7], [sflag:$0x3] =	stream.linear.gather [hbm4b:s1+s14], $0x80, $0x38;
	[tilespmem:$0x1C100] =	vst v63  }
0xbd: {  	_ =	swait.ge [sflag:s6], $0x80  }
0xbe: {  	[sflag:s6] =	ssyncset.done $0x0  }
0xbf: {  	[sflag:s6] =	ssyncadd.s32 $0xFFFFFF80  }
0xc0: {  	[tilespmem:s0], [sflag:$0x1] =	stream.indirect.gather [spmem:s26], $0x80, s7, s8, $0xb8;
	[tilespmem:$0x1C100] =	vst v63  }
0xc1: {  	_ =	swait.ge [sflag:s11], $0x4000  }
0xc2: {  	[sflag:s11] =	ssyncset.done $0x0  }
0xc3: {  	s22 =	rddreg [dreg:$0x6];
	[sflag:s11] =	ssyncadd.s32 $0xFFFFC000  }
0xc4: {  	[hbm4b:s22+s14] =	stream.linear.scatter [tilespmem:s0], [sflag:$0x3], $0x4000, $0x38;
	[tilespmem:$0x1C100] =	vst v63  }
0xc5: {  	_ =	swait.ge [sflag:s6], $0x4000  }
0xc6: {  	[sflag:s6] =	ssyncset.done $0x0  }
0xc7: {  	[sflag:s6] =	ssyncadd.s32 $0xFFFFC000  }
0xc8: {  	[tilespmem:s7], [sflag:$0x3] =	stream.linear.gather [hbm4b:s2+s14], $0x80, $0x38;
	[tilespmem:$0x1C100] =	vst v63  }
0xc9: {  	_ =	swait.ge [sflag:s6], $0x80  }
0xca: {  	[sflag:s6] =	ssyncset.done $0x0  }
0xcb: {  	[sflag:s6] =	ssyncadd.s32 $0xFFFFFF80  }
0xcc: {  	[tilespmem:s0], [sflag:$0x1] =	stream.indirect.gather [spmem:s26], $0x80, s7, s8, $0xb8;
	[tilespmem:$0x1C100] =	vst v63  }
0xcd: {  	_ =	swait.ge [sflag:s11], $0x4000  }
0xce: {  	[sflag:s11] =	ssyncset.done $0x0  }
0xcf: {  	s23 =	rddreg [dreg:$0x7];
	[sflag:s11] =	ssyncadd.s32 $0xFFFFC000  }
0xd0: {  	[hbm4b:s23+s14] =	stream.linear.scatter [tilespmem:s0], [sflag:$0x3], $0x4000, $0x38;
	[tilespmem:$0x1C100] =	vst v63  }
0xd1: {  	_ =	swait.ge [sflag:s6], $0x4000  }
0xd2: {  	[sflag:s6] =	ssyncset.done $0x0  }
0xd3: {  	[sflag:s6] =	ssyncadd.s32 $0xFFFFC000  }
0xd4: {  	[tilespmem:s7], [sflag:$0x3] =	stream.linear.gather [hbm4b:s3+s14], $0x80, $0x38;
	[tilespmem:$0x1C100] =	vst v63  }
0xd5: {  	_ =	swait.ge [sflag:s6], $0x80  }
0xd6: {  	[sflag:s6] =	ssyncset.done $0x0  }
0xd7: {  	[sflag:s6] =	ssyncadd.s32 $0xFFFFFF80  }
0xd8: {  	[tilespmem:s0], [sflag:$0x1] =	stream.indirect.gather [spmem:s26], $0x80, s7, s8, $0xb8;
	[tilespmem:$0x1C100] =	vst v63  }
0xd9: {  	_ =	swait.ge [sflag:s11], $0x4000  }
0xda: {  	[sflag:s11] =	ssyncset.done $0x0  }
0xdb: {  	s16 =	rddreg [dreg:$0x8];
	[sflag:s11] =	ssyncadd.s32 $0xFFFFC000  }
0xdc: {  	[hbm4b:s16+s14] =	stream.linear.scatter [tilespmem:s0], [sflag:$0x3], $0x4000, $0x38;
	[tilespmem:$0x1C100] =	vst v63  }
0xdd: {  	_ =	swait.ge [sflag:s6], $0x4000  }
0xde: {  	[sflag:s6] =	ssyncset.done $0x0  }
0xdf: {  	[sflag:s6] =	ssyncadd.s32 $0xFFFFC000  }
0xe0: {  	[tilespmem:s7], [sflag:$0x3] =	stream.linear.gather [hbm4b:s4+s14], $0x80, $0x38;
	[tilespmem:$0x1C100] =	vst v63  }
0xe1: {  	_ =	swait.ge [sflag:s6], $0x80  }
0xe2: {  	[sflag:s6] =	ssyncset.done $0x0  }
0xe3: {  	[sflag:s6] =	ssyncadd.s32 $0xFFFFFF80  }
0xe4: {  	[tilespmem:s0], [sflag:$0x1] =	stream.indirect.gather [spmem:s26], $0x80, s7, s8, $0xb8;
	[tilespmem:$0x1C100] =	vst v63  }
0xe5: {  	_ =	swait.ge [sflag:s11], $0x4000  }
0xe6: {  	[sflag:s11] =	ssyncset.done $0x0  }
0xe7: {  	s17 =	rddreg [dreg:$0x9];
	[sflag:s11] =	ssyncadd.s32 $0xFFFFC000  }
0xe8: {  	[hbm4b:s17+s14] =	stream.linear.scatter [tilespmem:s0], [sflag:$0x3], $0x4000, $0x38;
	[tilespmem:$0x1C100] =	vst v63  }
0xe9: {  	_ =	swait.ge [sflag:s6], $0x4000  }
0xea: {  	[sflag:s6] =	ssyncset.done $0x0  }
0xeb: {  	[sflag:s6] =	ssyncadd.s32 $0xFFFFC000  }
0xec: {  	[tilespmem:s7], [sflag:$0x3] =	stream.linear.gather [hbm4b:s5+s14], $0x80, $0x38;
	[tilespmem:$0x1C100] =	vst v63  }
0xed: {  	_ =	swait.ge [sflag:s6], $0x80  }
0xee: {  	[sflag:s6] =	ssyncset.done $0x0  }
0xef: {  	[sflag:s6] =	ssyncadd.s32 $0xFFFFFF80  }
0xf0: {  	[tilespmem:s0], [sflag:$0x1] =	stream.indirect.gather [spmem:s26], $0x80, s7, s8, $0xb8;
	[tilespmem:$0x1C100] =	vst v63  }
0xf1: {  	_ =	swait.ge [sflag:s11], $0x4000  }
0xf2: {  	[sflag:s11] =	ssyncset.done $0x0  }
0xf3: {  	s21 =	rddreg [dreg:$0xa];
	[sflag:s11] =	ssyncadd.s32 $0xFFFFC000  }
0xf4: {  	[hbm4b:s21+s14] =	stream.linear.scatter [tilespmem:s0], [sflag:$0x3], $0x4000, $0x38;
	[tilespmem:$0x1C100] =	vst v63  }
0xf5: {  	_ =	swait.ge [sflag:s6], $0x4000  }
0xf6: {  	[sflag:s6] =	ssyncset.done $0x0  }
0xf7: {  	[sflag:s6] =	ssyncadd.s32 $0xFFFFC000  }
0xf8: {  	[tilespmem:s0], [sflag:$0x3] =	stream.linear.gather [hbm4b:s30+s14], $0x4000, $0x38;
	[tilespmem:$0x1C100] =	vst v63  }
0xf9: {  	_ =	swait.ge [sflag:s6], $0x4000  }
0xfa: {  	[sflag:s6] =	ssyncset.done $0x0  }
0xfb: {  	[sflag:s6] =	ssyncadd.s32 $0xFFFFC000  }
0xfc: {  	[tilespmem:s7], [sflag:$0x3] =	stream.linear.gather [hbm4b:s1+s14], $0x80, $0x38;
	[tilespmem:$0x1C100] =	vst v63  }
0xfd: {  	_ =	swait.ge [sflag:s6], $0x80  }
0xfe: {  	[sflag:s6] =	ssyncset.done $0x0  }
0xff: {  	[sflag:s6] =	ssyncadd.s32 $0xFFFFFF80  }
0x100: {  	[spmem:s26] =	stream.indirect.scatter [tilespmem:s0], [sflag:$0x3], $0x80, s7, s8, $0xb8;
	[tilespmem:$0x1C100] =	vst v63  }
0x101: {  	_ =	swait.ge [sflag:s6], $0x4000  }
0x102: {  	[sflag:s6] =	ssyncset.done $0x0  }
0x103: {  	[sflag:s6] =	ssyncadd.s32 $0xFFFFC000  }
0x104: {  	[tilespmem:s7], [sflag:$0x3] =	stream.linear.gather [hbm4b:s2+s14], $0x80, $0x38;
	[tilespmem:$0x1C100] =	vst v63  }
0x105: {  	_ =	swait.ge [sflag:s6], $0x80  }
0x106: {  	[sflag:s6] =	ssyncset.done $0x0  }
0x107: {  	[sflag:s6] =	ssyncadd.s32 $0xFFFFFF80  }
0x108: {  	[spmem:s26] =	stream.indirect.scatter [tilespmem:s0], [sflag:$0x3], $0x80, s7, s8, $0xb8;
	[tilespmem:$0x1C100] =	vst v63  }
0x109: {  	_ =	swait.ge [sflag:s6], $0x4000  }
0x10a: {  	[sflag:s6] =	ssyncset.done $0x0  }
0x10b: {  	[sflag:s6] =	ssyncadd.s32 $0xFFFFC000  }
0x10c: {  	[tilespmem:s7], [sflag:$0x3] =	stream.linear.gather [hbm4b:s3+s14], $0x80, $0x38;
	[tilespmem:$0x1C100] =	vst v63  }
0x10d: {  	_ =	swait.ge [sflag:s6], $0x80  }
0x10e: {  	[sflag:s6] =	ssyncset.done $0x0  }
0x10f: {  	[sflag:s6] =	ssyncadd.s32 $0xFFFFFF80  }
0x110: {  	[spmem:s26] =	stream.indirect.scatter [tilespmem:s0], [sflag:$0x3], $0x80, s7, s8, $0xb8;
	[tilespmem:$0x1C100] =	vst v63  }
0x111: {  	_ =	swait.ge [sflag:s6], $0x4000  }
0x112: {  	[sflag:s6] =	ssyncset.done $0x0  }
0x113: {  	[sflag:s6] =	ssyncadd.s32 $0xFFFFC000  }
0x114: {  	[tilespmem:s7], [sflag:$0x3] =	stream.linear.gather [hbm4b:s4+s14], $0x80, $0x38;
	[tilespmem:$0x1C100] =	vst v63  }
0x115: {  	_ =	swait.ge [sflag:s6], $0x80  }
0x116: {  	[sflag:s6] =	ssyncset.done $0x0  }
0x117: {  	[sflag:s6] =	ssyncadd.s32 $0xFFFFFF80  }
0x118: {  	[spmem:s26] =	stream.indirect.scatter [tilespmem:s0], [sflag:$0x3], $0x80, s7, s8, $0xb8;
	[tilespmem:$0x1C100] =	vst v63  }
0x119: {  	_ =	swait.ge [sflag:s6], $0x4000  }
0x11a: {  	[sflag:s6] =	ssyncset.done $0x0  }
0x11b: {  	[sflag:s6] =	ssyncadd.s32 $0xFFFFC000  }
0x11c: {  	[tilespmem:s7], [sflag:$0x3] =	stream.linear.gather [hbm4b:s5+s14], $0x80, $0x38;
	[tilespmem:$0x1C100] =	vst v63  }
0x11d: {  	_ =	swait.ge [sflag:s6], $0x80  }
0x11e: {  	[sflag:s6] =	ssyncset.done $0x0  }
0x11f: {  	[sflag:s6] =	ssyncadd.s32 $0xFFFFFF80  }
0x120: {  	[spmem:s26] =	stream.indirect.scatter [tilespmem:s0], [sflag:$0x3], $0x80, s7, s8, $0xb8;
	[tilespmem:$0x1C100] =	vst v63  }
0x121: {  	_ =	swait.ge [sflag:s6], $0x4000  }
0x122: {  	[sflag:s6] =	ssyncset.done $0x0  }
0x123: {  	[sflag:s6] =	ssyncadd.s32 $0xFFFFC000  }
0x124: {  	[tilespmem:s0], [sflag:$0x3] =	stream.linear.gather [hbm4b:s31+s14], $0x4000, $0x38;
	[tilespmem:$0x1C100] =	vst v63  }
0x125: {  	_ =	swait.ge [sflag:s6], $0x4000  }
0x126: {  	[sflag:s6] =	ssyncset.done $0x0  }
0x127: {  	[sflag:s6] =	ssyncadd.s32 $0xFFFFC000  }
0x128: {  	s22 =	sadd.s32 $0x0, s29;
	[bflag:$0x0] =	sbarrier.arrive $0xFFFF  }
0x129: {  	[tilespmem:s7], [sflag:$0x3] =	stream.linear.gather [hbm4b:s22+s18], $0x80, $0x38;
	[tilespmem:$0x1C100] =	vst v63  }
0x12a: {  	_ =	swait.ge [sflag:s6], $0x80  }
0x12b: {  	[sflag:s6] =	ssyncset.done $0x0  }
0x12c: {  	s23 =	sadd.s32 $0x0, s28;
	[sflag:s6] =	ssyncadd.s32 $0xFFFFFF80  }
0x12d: {  	[tilespmem:s9], [sflag:$0x3] =	stream.linear.gather [hbm4b:s23+s18], $0x80, $0x38;
	[tilespmem:$0x1C100] =	vst v63  }
0x12e: {  	_ =	swait.ge [sflag:s6], $0x80  }
0x12f: {  	[sflag:s6] =	ssyncset.done $0x0  }
0x130: {  	[sflag:s6] =	ssyncadd.s32 $0xFFFFFF80  }
0x131: {  	[spmem:s26] =	stream.indirect.scatter.add.f32 [tilespmem:s0], [sflag:$0x3], $0x80, s7, s8, $0xb8;
	[tilespmem:$0x1C100] =	vst v63  }
0x132: {  	_ =	swait.ge [sflag:s6], $0x4000  }
0x133: {  	[sflag:s6] =	ssyncset.done $0x0  }
0x134: {  	[sflag:s6] =	ssyncadd.s32 $0xFFFFC000  }
0x135: {  	[spmem:s26] =	stream.indirect.scatter.add.f32 [tilespmem:s0], [sflag:$0x3], $0x80, s9, s8, $0xb8;
	[tilespmem:$0x1C100] =	vst v63  }
0x136: {  	_ =	swait.ge [sflag:s6], $0x4000  }
0x137: {  	s15 =	simm.s32 $0x20;
	s14 =	simm.s32 $0x10;
	[sflag:s6] =	ssyncset.done $0x0  }
.LBB2_4:
0x138: {  	s16 =	sadd.s32 s14, s29  }
0x139: {  	[sflag:s6] =	ssyncadd.s32 $0xFFFFC000;
	s17 =	smov.u32 s15;
	s21 =	sadd.s32 $0x10, s15  }
0x13a: {  	[tilespmem:s7], [sflag:$0x3] =	stream.linear.gather [hbm4b:s16+s18], $0x80, $0x38;
	[tilespmem:$0x1C100] =	vst v63  }
0x13b: {  	p1 =	sne.s32 s15, $0x260;
	_ =	swait.ge [sflag:s6], $0x80  }
0x13c: {  	[sflag:s6] =	ssyncset.done $0x0  }
0x13d: {  	s15 =	sadd.s32 s14, s28;
	s14 =	smov.u32 s17;
	[sflag:s6] =	ssyncadd.s32 $0xFFFFFF80  }
0x13e: {  	[tilespmem:s9], [sflag:$0x3] =	stream.linear.gather [hbm4b:s15+s18], $0x80, $0x38;
	[tilespmem:$0x1C100] =	vst v63  }
0x13f: {  	_ =	swait.ge [sflag:s6], $0x80  }
0x140: {  	[sflag:s6] =	ssyncset.done $0x0  }
0x141: {  	[sflag:s6] =	ssyncadd.s32 $0xFFFFFF80  }
0x142: {  	[spmem:s26] =	stream.indirect.scatter.add.f32 [tilespmem:s0], [sflag:$0x3], $0x80, s7, s8, $0xb8;
	[tilespmem:$0x1C100] =	vst v63  }
0x143: {  	_ =	swait.ge [sflag:s6], $0x4000  }
.Ltmp1:
0x144: {  	[sflag:s6] =	ssyncset.done $0x0;
	(pc) =	sbr.rel @p1 .LBB2_4-.Ltmp1, $4  }
0x145: {  	[sflag:s6] =	ssyncadd.s32 $0xFFFFC000  }
0x146: {  	[spmem:s26] =	stream.indirect.scatter.add.f32 [tilespmem:s0], [sflag:$0x3], $0x80, s9, s8, $0xb8;
	[tilespmem:$0x1C100] =	vst v63  }
0x147: {  	_ =	swait.ge [sflag:s6], $0x4000  }
0x148: {  	s15 =	smov.u32 s21;
	[sflag:s6] =	ssyncset.done $0x0  }
0x149: {  	s15 =	sadd.s32 s14, s29;
	[sflag:s6] =	ssyncadd.s32 $0xFFFFC000  }
0x14a: {  	[tilespmem:s7], [sflag:$0x3] =	stream.linear.gather [hbm4b:s15+s18], $0x80, $0x38;
	[tilespmem:$0x1C100] =	vst v63  }
0x14b: {  	_ =	swait.ge [sflag:s6], $0x80  }
0x14c: {  	[sflag:s6] =	ssyncset.done $0x0  }
0x14d: {  	s15 =	sadd.s32 s14, s28;
	[sflag:s6] =	ssyncadd.s32 $0xFFFFFF80  }
0x14e: {  	[tilespmem:s9], [sflag:$0x3] =	stream.linear.gather [hbm4b:s15+s18], $0x80, $0x38;
	[tilespmem:$0x1C100] =	vst v63  }
0x14f: {  	_ =	swait.ge [sflag:s6], $0x80  }
0x150: {  	[sflag:s6] =	ssyncset.done $0x0  }
0x151: {  	[sflag:s6] =	ssyncadd.s32 $0xFFFFFF80  }
0x152: {  	[spmem:s26] =	stream.indirect.scatter.add.f32 [tilespmem:s0], [sflag:$0x3], $0x80, s7, s8, $0xb8;
	[tilespmem:$0x1C100] =	vst v63  }
0x153: {  	_ =	swait.ge [sflag:s6], $0x4000  }
0x154: {  	[sflag:s6] =	ssyncset.done $0x0  }
0x155: {  	[sflag:s6] =	ssyncadd.s32 $0xFFFFC000  }
0x156: {  	[spmem:s26] =	stream.indirect.scatter.add.f32 [tilespmem:s0], [sflag:$0x3], $0x80, s9, s8, $0xb8;
	[tilespmem:$0x1C100] =	vst v63  }
0x157: {  	_ =	swait.ge [sflag:s6], $0x4000  }
0x158: {  	s14 =	simm.s32 @!p0 $0x0;
	[sflag:s6] =	ssyncset.done $0x0  }
0x159: {  	s15 =	simm.s32 @!p0 $0x14000;
	s16 =	rddreg [dreg:$0x12];
	[sflag:s6] =	ssyncadd.s32 $0xFFFFC000  }
0x15a: {  	[tilespmem:s15], [sflag:$0x3] =	stream.linear.gather @!p0 [hbm4b:s16+s14], $0x80, $0x38;
	[tilespmem:$0x1C100] =	vst v63  }
0x15b: {  	s16 =	simm.s32 @!p0 $0x3  }
0x15c: {  	_ =	swait.ge @!p0 [sflag:s16], $0x80  }
0x15d: {  	[sflag:s16] =	ssyncset.done @!p0 $0x0  }
0x15e: {  	s17 =	simm.s32 @!p0 $0x14080;
	[sflag:s16] =	ssyncadd.s32 @!p0 $0xFFFFFF80  }
0x15f: {  	[tilespmem:s17], [sflag:$0x3] =	stream.linear.gather @!p0 [hbm4b:s24+s14], $0x80, $0x38;
	[tilespmem:$0x1C100] =	vst v63  }
0x160: {  	_ =	swait.ge @!p0 [sflag:s16], $0x80  }
0x161: {  	[sflag:s16] =	ssyncset.done @!p0 $0x0  }
0x162: {  	s21 =	simm.s32 @!p0 $0x14100;
	s14 =	simm.s32 @!p0 $0x80;
	[sflag:s16] =	ssyncadd.s32 @!p0 $0xFFFFFF80  }
0x163: {  	[spmem:s26] =	stream.indirect.scatter.add.f32 @!p0 [tilespmem:s21], [sflag:$0x3], $0x80, s15, s14, $0xb8;
	[tilespmem:$0x1C100] =	vst v63  }
0x164: {  	_ =	swait.ge @!p0 [sflag:s16], $0x4000  }
0x165: {  	[sflag:s16] =	ssyncset.done @!p0 $0x0  }
0x166: {  	[sflag:s16] =	ssyncadd.s32 @!p0 $0xFFFFC000  }
0x167: {  	[spmem:s26] =	stream.indirect.scatter.add.f32 @!p0 [tilespmem:s21], [sflag:$0x3], $0x80, s17, s14, $0xb8;
	[tilespmem:$0x1C100] =	vst v63  }
0x168: {  	_ =	swait.ge @!p0 [sflag:s16], $0x4000  }
0x169: {  	[sflag:s16] =	ssyncset.done @!p0 $0x0  }
0x16a: {  	[sflag:s16] =	ssyncadd.s32 @!p0 $0xFFFFC000  }
0x16b: {  	[bflag:$0x0] =	sbarrier.arrive $0xFFFF  }
0x16c: {  	[tilespmem:s7], [sflag:$0x3] =	stream.linear.gather [hbm4b:s1+s18], $0x80, $0x38;
	[tilespmem:$0x1C100] =	vst v63  }
0x16d: {  	_ =	swait.ge [sflag:s6], $0x80  }
0x16e: {  	[sflag:s6] =	ssyncset.done $0x0  }
0x16f: {  	[sflag:s6] =	ssyncadd.s32 $0xFFFFFF80  }
0x170: {  	[tilespmem:s0], [sflag:$0x1] =	stream.indirect.gather [spmem:s26], $0x80, s7, s8, $0xb8;
	[tilespmem:$0x1C100] =	vst v63  }
0x171: {  	_ =	swait.ge [sflag:s11], $0x4000  }
0x172: {  	[sflag:s11] =	ssyncset.done $0x0  }
0x173: {  	s16 =	rddreg [dreg:$0xb];
	[sflag:s11] =	ssyncadd.s32 $0xFFFFC000  }
0x174: {  	[hbm4b:s16+s18] =	stream.linear.scatter [tilespmem:s0], [sflag:$0x3], $0x4000, $0x38;
	[tilespmem:$0x1C100] =	vst v63  }
0x175: {  	_ =	swait.ge [sflag:s6], $0x4000  }
0x176: {  	[sflag:s6] =	ssyncset.done $0x0  }
0x177: {  	[sflag:s6] =	ssyncadd.s32 $0xFFFFC000  }
0x178: {  	[tilespmem:s7], [sflag:$0x3] =	stream.linear.gather [hbm4b:s2+s18], $0x80, $0x38;
	[tilespmem:$0x1C100] =	vst v63  }
0x179: {  	_ =	swait.ge [sflag:s6], $0x80  }
0x17a: {  	[sflag:s6] =	ssyncset.done $0x0  }
0x17b: {  	[sflag:s6] =	ssyncadd.s32 $0xFFFFFF80  }
0x17c: {  	[tilespmem:s0], [sflag:$0x1] =	stream.indirect.gather [spmem:s26], $0x80, s7, s8, $0xb8;
	[tilespmem:$0x1C100] =	vst v63  }
0x17d: {  	_ =	swait.ge [sflag:s11], $0x4000  }
0x17e: {  	[sflag:s11] =	ssyncset.done $0x0  }
0x17f: {  	s17 =	rddreg [dreg:$0xc];
	[sflag:s11] =	ssyncadd.s32 $0xFFFFC000  }
0x180: {  	[hbm4b:s17+s18] =	stream.linear.scatter [tilespmem:s0], [sflag:$0x3], $0x4000, $0x38;
	[tilespmem:$0x1C100] =	vst v63  }
0x181: {  	_ =	swait.ge [sflag:s6], $0x4000  }
0x182: {  	[sflag:s6] =	ssyncset.done $0x0  }
0x183: {  	[sflag:s6] =	ssyncadd.s32 $0xFFFFC000  }
0x184: {  	[tilespmem:s7], [sflag:$0x3] =	stream.linear.gather [hbm4b:s3+s18], $0x80, $0x38;
	[tilespmem:$0x1C100] =	vst v63  }
0x185: {  	_ =	swait.ge [sflag:s6], $0x80  }
0x186: {  	[sflag:s6] =	ssyncset.done $0x0  }
0x187: {  	[sflag:s6] =	ssyncadd.s32 $0xFFFFFF80  }
0x188: {  	[tilespmem:s0], [sflag:$0x1] =	stream.indirect.gather [spmem:s26], $0x80, s7, s8, $0xb8;
	[tilespmem:$0x1C100] =	vst v63  }
0x189: {  	_ =	swait.ge [sflag:s11], $0x4000  }
0x18a: {  	[sflag:s11] =	ssyncset.done $0x0  }
0x18b: {  	s21 =	rddreg [dreg:$0xd];
	[sflag:s11] =	ssyncadd.s32 $0xFFFFC000  }
0x18c: {  	[hbm4b:s21+s18] =	stream.linear.scatter [tilespmem:s0], [sflag:$0x3], $0x4000, $0x38;
	[tilespmem:$0x1C100] =	vst v63  }
0x18d: {  	_ =	swait.ge [sflag:s6], $0x4000  }
0x18e: {  	[sflag:s6] =	ssyncset.done $0x0  }
0x18f: {  	[sflag:s6] =	ssyncadd.s32 $0xFFFFC000  }
0x190: {  	[tilespmem:s7], [sflag:$0x3] =	stream.linear.gather [hbm4b:s4+s18], $0x80, $0x38;
	[tilespmem:$0x1C100] =	vst v63  }
0x191: {  	_ =	swait.ge [sflag:s6], $0x80  }
0x192: {  	[sflag:s6] =	ssyncset.done $0x0  }
0x193: {  	[sflag:s6] =	ssyncadd.s32 $0xFFFFFF80  }
0x194: {  	[tilespmem:s0], [sflag:$0x1] =	stream.indirect.gather [spmem:s26], $0x80, s7, s8, $0xb8;
	[tilespmem:$0x1C100] =	vst v63  }
0x195: {  	_ =	swait.ge [sflag:s11], $0x4000  }
0x196: {  	[sflag:s11] =	ssyncset.done $0x0  }
0x197: {  	s22 =	rddreg [dreg:$0xe];
	[sflag:s11] =	ssyncadd.s32 $0xFFFFC000  }
0x198: {  	[hbm4b:s22+s18] =	stream.linear.scatter [tilespmem:s0], [sflag:$0x3], $0x4000, $0x38;
	[tilespmem:$0x1C100] =	vst v63  }
0x199: {  	_ =	swait.ge [sflag:s6], $0x4000  }
0x19a: {  	[sflag:s6] =	ssyncset.done $0x0  }
0x19b: {  	[sflag:s6] =	ssyncadd.s32 $0xFFFFC000  }
0x19c: {  	[tilespmem:s7], [sflag:$0x3] =	stream.linear.gather [hbm4b:s5+s18], $0x80, $0x38;
	[tilespmem:$0x1C100] =	vst v63  }
0x19d: {  	_ =	swait.ge [sflag:s6], $0x80  }
0x19e: {  	[sflag:s6] =	ssyncset.done $0x0  }
0x19f: {  	[sflag:s6] =	ssyncadd.s32 $0xFFFFFF80  }
0x1a0: {  	[tilespmem:s0], [sflag:$0x1] =	stream.indirect.gather [spmem:s26], $0x80, s7, s8, $0xb8;
	[tilespmem:$0x1C100] =	vst v63  }
0x1a1: {  	s13 =	sadd.s32 $0x1, s13;
	_ =	swait.ge [sflag:s11], $0x4000  }
0x1a2: {  	p1 =	sne.s32 s13, s25;
	[sflag:s11] =	ssyncset.done $0x0  }
.Ltmp2:
0x1a3: {  	s23 =	rddreg [dreg:$0xf];
	[sflag:s11] =	ssyncadd.s32 $0xFFFFC000;
	(pc) =	sbr.rel @p1 .LBB2_1-.Ltmp2, $4  }
0x1a4: {  	[hbm4b:s23+s18] =	stream.linear.scatter [tilespmem:s0], [sflag:$0x3], $0x4000, $0x38;
	[tilespmem:$0x1C100] =	vst v63  }
0x1a5: {  	_ =	swait.ge [sflag:s6], $0x4000  }
0x1a6: {  	[sflag:s6] =	ssyncset.done $0x0  }
0x1a7: {  	[sflag:s6] =	ssyncadd.s32 $0xFFFFC000  }
0x1a8: {  	_ =	sfence.sel $0x180000  }
0x1a9: {  	[bflag:$0x0] =	sbarrier.arrive $0xFFFF  }
0x1aa: {  	_ =	strace $0x9000004A  }
0x1ab: {  	s0 =	stileid.u32;
	[bflag:$0x2] =	sbarrier.arrive $0xFFFF  }
0x1ac: {  	p0 =	sne.s32 s0, $0x0;
	s0 =	rddreg [dreg:$0x3]  }
0x1ad: {  	s0 =	sadd.s32 @!p0 $0x100000, s0  }
0x1ae: {  	[sflag:s0] =	ssyncadd.tile.s32 @!p0 $0x1;
	_ =	shalt  }
.Lfunc_end2:
_tile_overlayer_lowered:
.L_overlay_start_2:
0x1af: {  	(tag) =	ssettag $0x2  }
0x1b0: {  	s0 =	rddreg [dreg:$0x0];
	s2 =	stileid.u32  }
0x1b1: {  	s1 =	rddreg [dreg:$0x1];
	p0 =	sne.s32 s2, $0x0  }
0x1b2: {  	s3 =	rddreg [dreg:$0x2];
	[bflag:$0x3] =	sbarrier.arrive $0xFFFF;
	s2 =	simm.s32 @!p0 $0x1C03  }
0x1b3: {  	[timem:s3], [sflag:s2] =	dma.local @!p0 [hbm:s0], s1  }
0x1b4: {  	s0 =	simm.s32 @!p0 $0x3  }
0x1b5: {  	_ =	swait.ge @!p0 [sflag:s0], s1  }
0x1b6: {  	s1 =	ssub.s32 @!p0 $0x0, s1;
	[sflag:s0] =	ssyncset.done @!p0 $0x0  }
0x1b7: {  	[sflag:s0] =	ssyncadd.s32 @!p0 s1  }
0x1b8: {  	[bflag:$0x3] =	sbarrier.arrive $0xFFFF  }
0x1b9: {  	_ =	shalt  }

</sc_bundles>
